<compile_context>
chip_gen: v7x
topology: tpu7x:2x2x1
jax: 0.10.2.dev20260603
libtpu: 0.0.44.dev20260713+nightly
codegen_flags: <defaults>
</compile_context>

<pallas_src>
import functools

import jax
import jax.numpy as jnp
from jax import lax
from jax.experimental import pallas as pl
from jax.experimental.pallas import tpu as pltpu
from jax.experimental.pallas import tpu_sc as plsc

SCALE = 32
NG = 2 * SCALE
NG3 = NG * NG * NG

_PAIR_OFFS = (0, NG, NG * NG, NG * NG + NG)

L = 16
CHUNK = 2048
NBUF = 2

_PACK_COLS = 1024
_PACK_ROWS = 512


def _pack_body(g_ref, o_ref):
    x = g_ref[...]
    xs = jnp.concatenate([x[1:], x[:1]])
    b = lax.bitcast_convert_type(x, jnp.uint32)
    bs = lax.bitcast_convert_type(xs, jnp.uint32)
    o_ref[...] = (bs & jnp.uint32(0xFFFF0000)) | (b >> 16)


def _pack_pairs(gflat):
    n = gflat.shape[0]
    blk = _PACK_ROWS * _PACK_COLS
    return pl.pallas_call(
        _pack_body,
        grid=(n // blk,),
        in_specs=[pl.BlockSpec((blk,), lambda i: (i,))],
        out_specs=pl.BlockSpec((blk,), lambda i: (i,)),
        out_shape=jax.ShapeDtypeStruct((n,), jnp.uint32),
    )(gflat)


def _make_sampler(B, N):
    NW = 32
    assert B == NW and N % (CHUNK * NBUF) == 0
    nch = N // CHUNK
    mesh = plsc.VectorSubcoreMesh(core_axis_name="c", subcore_axis_name="s")

    @functools.partial(
        pl.kernel,
        mesh=mesh,
        out_type=jax.ShapeDtypeStruct((B * N,), jnp.float32),
        scratch_types=(
            [pltpu.VMEM((3, CHUNK), jnp.float32) for _ in range(NBUF)]
            + [pltpu.VMEM((3, CHUNK), jnp.float32) for _ in range(NBUF)]
            + [pltpu.VMEM((4 * CHUNK,), jnp.int32) for _ in range(NBUF)]
            + [pltpu.VMEM((4 * CHUNK,), jnp.uint32) for _ in range(NBUF)]
            + [pltpu.VMEM((CHUNK,), jnp.float32) for _ in range(NBUF)]
            + [pltpu.SemaphoreType.DMA for _ in range(3 * NBUF)]
        ),
    )
    def sampler(tb_hbm, pts_hbm, out_hbm, *bufs):
        xyz = bufs[0:2]
        tbuf = bufs[2:4]
        idx = bufs[4:6]
        val = bufs[6:8]
        outv = bufs[8:10]
        sem_xyz = bufs[10:12]
        sem_g = bufs[12:14]
        sem_o = bufs[14:16]

        wid = lax.axis_index("s") * 2 + lax.axis_index("c")
        pbase = wid * N
        gbase = wid * NG3

        def start_xyz(ci, b):
            pltpu.async_copy(pts_hbm.at[:, pl.ds(pbase + ci * CHUNK, CHUNK)],
                             xyz[b], sem_xyz[b])

        def pass1(b):
            def grp(i, _):
                o = i * L
                xs = xyz[b][0, pl.ds(o, L)] + float(SCALE)
                ys = xyz[b][1, pl.ds(o, L)] + float(SCALE)
                zs = xyz[b][2, pl.ds(o, L)] + float(SCALE)
                fi = xs.astype(jnp.int32)
                fj = ys.astype(jnp.int32)
                fk = zs.astype(jnp.int32)
                tbuf[b][0, pl.ds(o, L)] = xs - fi.astype(jnp.float32)
                tbuf[b][1, pl.ds(o, L)] = ys - fj.astype(jnp.float32)
                tbuf[b][2, pl.ds(o, L)] = zs - fk.astype(jnp.float32)
                ii = jnp.minimum(fi, NG - 2)
                jj = jnp.minimum(fj, NG - 2)
                kk = jnp.minimum(fk, NG - 2)
                lin0 = (ii << 12) + (jj << 6) + kk + gbase
                for t in range(4):
                    idx[b][pl.ds(t * CHUNK + o, L)] = lin0 + _PAIR_OFFS[t]

            lax.fori_loop(0, CHUNK // L, grp, None, unroll=4)

        def pass2(b):
            def grp(i, _):
                o = i * L
                tx = tbuf[b][0, pl.ds(o, L)]
                ty = tbuf[b][1, pl.ds(o, L)]
                tz = tbuf[b][2, pl.ds(o, L)]
                c = []
                for t in range(4):
                    pv = val[b][pl.ds(t * CHUNK + o, L)]
                    v0 = lax.bitcast_convert_type(pv << 16, jnp.float32)
                    v1 = lax.bitcast_convert_type(
                        pv & jnp.uint32(0xFFFF0000), jnp.float32)
                    c.append(v0 + tz * (v1 - v0))
                d0 = c[0] + ty * (c[1] - c[0])
                d1 = c[2] + ty * (c[3] - c[2])
                outv[b][pl.ds(o, L)] = d0 + tx * (d1 - d0)

            lax.fori_loop(0, CHUNK // L, grp, None, unroll=4)

        def start_gather(b):
            pltpu.async_copy(tb_hbm.at[idx[b]], val[b], sem_g[b])

        def start_out(ci, b):
            pltpu.async_copy(outv[b], out_hbm.at[pl.ds(pbase + ci * CHUNK, CHUNK)],
                             sem_o[b])

        def wait_xyz(b):
            pltpu.make_async_copy(pts_hbm.at[:, pl.ds(0, CHUNK)], xyz[b],
                                  sem_xyz[b]).wait()

        def wait_gather(b):
            pltpu.make_async_copy(tb_hbm.at[idx[b]], val[b], sem_g[b]).wait()

        def wait_out(b):
            pltpu.make_async_copy(outv[b], out_hbm.at[pl.ds(0, CHUNK)],
                                  sem_o[b]).wait()

        start_xyz(0, 0)
        start_xyz(1, 1)
        wait_xyz(0)
        pass1(0)
        start_gather(0)

        def step(ci, cur):
            nxt = 1 - cur

            @pl.when(ci + 1 < nch)
            def _():
                wait_xyz(nxt)
                pass1(nxt)
                start_gather(nxt)

            @pl.when(ci + 2 < nch)
            def _():
                start_xyz(ci + 2, cur)

            @pl.when(ci >= 2)
            def _():
                wait_out(cur)

            wait_gather(cur)
            pass2(cur)
            start_out(ci, cur)

        def two_steps(m, _):
            step(2 * m, 0)
            step(2 * m + 1, 1)
            return None

        lax.fori_loop(0, nch // 2, two_steps, None)
        wait_out(0)
        wait_out(1)

    return sampler


def kernel(grid, ptcloud):
    B, N = ptcloud.shape[0], ptcloud.shape[1]
    tb = _pack_pairs(grid.reshape(-1))
    pts = ptcloud.reshape(B * N, 3).T
    out = _make_sampler(B, N)(tb, pts)
    return out.reshape(B, N)

# --- scband reference (transcript-rebuilt; emitter-appended) ---
"""Pipeline reference for scband-gridding-sample-37873021616739 (READ-ONLY COPY).

The authoritative reference and input builder live on the scoring server;
editing this copy changes nothing except your own understanding.
"""

import jax, jax.numpy as jnp
import numpy as np

SCALE = 32
NG = 2 * SCALE  # grid points per axis: indices -scale .. scale-1


def setup_inputs(seed: int = 0) -> dict:
    key = jax.random.key(seed)
    k1, k2 = jax.random.split(key)
    B, N = 32, 65536
    grid = jax.random.normal(k1, (B, NG ** 3), dtype=jnp.float32)
    u = jax.random.uniform(k2, (B, N, 3), dtype=jnp.float32)
    # place points in [-scale, scale-1) so floor(p) and floor(p)+1 are valid grid coords
    ptcloud = u * (2.0 * SCALE - 1.0 - 1e-3) - float(SCALE)
    return {"grid": grid, "ptcloud": ptcloud}


def reference(grid, ptcloud):
    # Trilinear sampling of scalar grid values at point locations.
    # Grid spans integer coords [-SCALE, SCALE-1]^3, flattened x-major:
    #   lin = i*NG*NG + j*NG + k  with i = x_floor - (-SCALE), etc.
    min_c = -float(SCALE)
    x = ptcloud[..., 0]
    y = ptcloud[..., 1]
    z = ptcloud[..., 2]
    xl = jnp.floor(x)
    yl = jnp.floor(y)
    zl = jnp.floor(z)
    tx = x - xl
    ty = y - yl
    tz = z - zl
    i = jnp.clip((xl - min_c).astype(jnp.int32), 0, NG - 2)
    j = jnp.clip((yl - min_c).astype(jnp.int32), 0, NG - 2)
    k = jnp.clip((zl - min_c).astype(jnp.int32), 0, NG - 2)
    feat = jnp.zeros(x.shape, dtype=grid.dtype)
    for dx in (0, 1):
        wx = tx if dx == 1 else (1.0 - tx)
        for dy in (0, 1):
            wy = ty if dy == 1 else (1.0 - ty)
            for dz in (0, 1):
                wz = tz if dz == 1 else (1.0 - tz)
                lin = (i + dx) * (NG * NG) + (j + dy) * NG + (k + dz)
                vals = jnp.take_along_axis(grid, lin, axis=1)
                feat = feat + wx * wy * wz * vals
    return feat  # [B, N] sampled point features

if __name__ == "__main__":
    import jax
    _d = setup_inputs()
    print(jax.jit(kernel)(*tuple(_d.values())))

</pallas_src>

<mosaic_0001>
#map = affine_map<(d0, d1) -> (0)>
#map1 = affine_map<(d0, d1) -> (0, 0)>
module attributes {stable_mosaic.version = 14 : i64} {
  func.func @sampler(%arg0: i32, %arg1: i32, %arg2: memref<8388608xi32, #tpu.memory_space<hbm>>, %arg3: memref<3x2097152xf32, #tpu.memory_space<hbm>>, %arg4: memref<2097152xf32, #tpu.memory_space<hbm>>, %arg5: memref<3x2048xf32, #tpu.memory_space<vmem>>, %arg6: memref<3x2048xf32, #tpu.memory_space<vmem>>, %arg7: memref<3x2048xf32, #tpu.memory_space<vmem>>, %arg8: memref<3x2048xf32, #tpu.memory_space<vmem>>, %arg9: memref<8192xi32, #tpu.memory_space<vmem>>, %arg10: memref<8192xi32, #tpu.memory_space<vmem>>, %arg11: memref<8192xi32, #tpu.memory_space<vmem>>, %arg12: memref<8192xi32, #tpu.memory_space<vmem>>, %arg13: memref<2048xf32, #tpu.memory_space<vmem>>, %arg14: memref<2048xf32, #tpu.memory_space<vmem>>, %arg15: memref<!tpu.dma_semaphore, #tpu.memory_space<semaphore_mem>>, %arg16: memref<!tpu.dma_semaphore, #tpu.memory_space<semaphore_mem>>, %arg17: memref<!tpu.dma_semaphore, #tpu.memory_space<semaphore_mem>>, %arg18: memref<!tpu.dma_semaphore, #tpu.memory_space<semaphore_mem>>, %arg19: memref<!tpu.dma_semaphore, #tpu.memory_space<semaphore_mem>>, %arg20: memref<!tpu.dma_semaphore, #tpu.memory_space<semaphore_mem>>) attributes {dimension_semantics = [#tpu.dimension_semantics<core_parallel>, #tpu.dimension_semantics<subcore_parallel>], iteration_bounds = array<i64: 2, 16>, scalar_prefetch = 0 : i64, scratch_operands = 16 : i64, tpu.core_type = #tpu.core_type<sc_vector_subcore>, window_params = [{transform_indices = #map}, {transform_indices = #map1}, {transform_indices = #map}]} {
    %mul3A = arith.constant 2 : i32
    %mul3A_0 = arith.muli %arg1, %mul3A : i32
    %add3A = arith.addi %mul3A_0, %arg0 : i32
    %mul3A_1 = arith.constant 65536 : i32
    %mul3A_2 = arith.muli %add3A, %mul3A_1 : i32
    %mul3A_3 = arith.constant 262144 : i32
    %mul3A_4 = arith.muli %add3A, %mul3A_3 : i32
    %add3A_5 = arith.constant 0 : i32
    %add3A_6 = arith.addi %mul3A_2, %add3A_5 : i32
    %dma_start3A = arith.constant 0 : i32
    %dma_start3A_7 = tpu.memref_slice %arg3[%dma_start3A, %add3A_6] : memref<3x2097152xf32, #tpu.memory_space<hbm>> -> memref<3x2048xf32, #tpu.memory_space<hbm>>
    %dma_start3A_8 = arith.constant 0 : i32
    %dma_start3A_9 = tpu.memref_slice %arg3[%dma_start3A_8, %add3A_6] : memref<3x2097152xf32, #tpu.memory_space<hbm>> -> memref<3x2048xf32, #tpu.memory_space<hbm>>
    tpu.enqueue_dma source(%dma_start3A_9 : memref<3x2048xf32, #tpu.memory_space<hbm>>) target(%arg5 : memref<3x2048xf32, #tpu.memory_space<vmem>>) target_semaphore(%arg15 : memref<!tpu.dma_semaphore, #tpu.memory_space<semaphore_mem>>)
    %add3A_10 = arith.constant 2048 : i32
    %add3A_11 = arith.addi %mul3A_2, %add3A_10 : i32
    %dma_start3A_12 = arith.constant 0 : i32
    %dma_start3A_13 = tpu.memref_slice %arg3[%dma_start3A_12, %add3A_11] : memref<3x2097152xf32, #tpu.memory_space<hbm>> -> memref<3x2048xf32, #tpu.memory_space<hbm>>
    %dma_start3A_14 = arith.constant 0 : i32
    %dma_start3A_15 = tpu.memref_slice %arg3[%dma_start3A_14, %add3A_11] : memref<3x2097152xf32, #tpu.memory_space<hbm>> -> memref<3x2048xf32, #tpu.memory_space<hbm>>
    tpu.enqueue_dma source(%dma_start3A_15 : memref<3x2048xf32, #tpu.memory_space<hbm>>) target(%arg6 : memref<3x2048xf32, #tpu.memory_space<vmem>>) target_semaphore(%arg16 : memref<!tpu.dma_semaphore, #tpu.memory_space<semaphore_mem>>)
    %dma_wait3A = arith.constant 0 : i32
    %dma_wait3A_16 = arith.constant 0 : i32
    %dma_wait3A_17 = tpu.memref_slice %arg3[%dma_wait3A, %dma_wait3A_16] : memref<3x2097152xf32, #tpu.memory_space<hbm>> -> memref<3x2048xf32, #tpu.memory_space<hbm>>
    %dma_wait3A_18 = arith.constant 0 : i32
    %dma_wait3A_19 = arith.constant 0 : i32
    %dma_wait3A_20 = tpu.memref_slice %arg3[%dma_wait3A_18, %dma_wait3A_19] : memref<3x2097152xf32, #tpu.memory_space<hbm>> -> memref<3x2048xf32, #tpu.memory_space<hbm>>
    tpu.wait_dma2 semaphore(%arg15 : memref<!tpu.dma_semaphore, #tpu.memory_space<semaphore_mem>>) src(%dma_wait3A_20 : memref<3x2048xf32, #tpu.memory_space<hbm>>) dst(%arg5 : memref<3x2048xf32, #tpu.memory_space<vmem>>)
    %scan3A = arith.constant 0 : i32
    %scan3A_21 = arith.constant 128 : i32
    %scan3A_22 = arith.addi %scan3A, %scan3A_21 : i32
    %scan3A_23 = arith.constant 4 : i32
    scf.for %scan3A_40 = %scan3A to %scan3A_22 step %scan3A_23  : i32 {
      %mul3A_41 = arith.constant 16 : i32
      %mul3A_42 = arith.muli %scan3A_40, %mul3A_41 : i32
      %get3A = arith.constant 0 : i32
      %get3A_43 = arith.index_cast %get3A : i32 to index
      %get3A_44 = arith.index_cast %mul3A_42 : i32 to index
      %get3A_45 = tpu.vector_load %arg5[%get3A_43, %get3A_44] {strides = array<i32>} : memref<3x2048xf32, #tpu.memory_space<vmem>>, vector<1x16xf32>,
      %get3A_46 = vector.shape_cast %get3A_45 : vector<1x16xf32> to vector<16xf32>
      %add3A_47 = arith.constant 3.200000e+01 : f32
      %add3A_48 = vector.broadcast %add3A_47 : f32 to vector<16xf32>
      %add3A_49 = arith.addf %get3A_46, %add3A_48 : vector<16xf32>
      %get3A_50 = arith.constant 1 : i32
      %get3A_51 = arith.index_cast %get3A_50 : i32 to index
      %get3A_52 = arith.index_cast %mul3A_42 : i32 to index
      %get3A_53 = tpu.vector_load %arg5[%get3A_51, %get3A_52] {strides = array<i32>} : memref<3x2048xf32, #tpu.memory_space<vmem>>, vector<1x16xf32>,
      %get3A_54 = vector.shape_cast %get3A_53 : vector<1x16xf32> to vector<16xf32>
      %add3A_55 = arith.constant 3.200000e+01 : f32
      %add3A_56 = vector.broadcast %add3A_55 : f32 to vector<16xf32>
      %add3A_57 = arith.addf %get3A_54, %add3A_56 : vector<16xf32>
      %get3A_58 = arith.constant 2 : i32
      %get3A_59 = arith.index_cast %get3A_58 : i32 to index
      %get3A_60 = arith.index_cast %mul3A_42 : i32 to index
      %get3A_61 = tpu.vector_load %arg5[%get3A_59, %get3A_60] {strides = array<i32>} : memref<3x2048xf32, #tpu.memory_space<vmem>>, vector<1x16xf32>,
      %get3A_62 = vector.shape_cast %get3A_61 : vector<1x16xf32> to vector<16xf32>
      %add3A_63 = arith.constant 3.200000e+01 : f32
      %add3A_64 = vector.broadcast %add3A_63 : f32 to vector<16xf32>
      %add3A_65 = arith.addf %get3A_62, %add3A_64 : vector<16xf32>
      %convert_element_type3A = arith.fptosi %add3A_49 : vector<16xf32> to vector<16xi32>
      %convert_element_type3A_66 = arith.fptosi %add3A_57 : vector<16xf32> to vector<16xi32>
      %convert_element_type3A_67 = arith.fptosi %add3A_65 : vector<16xf32> to vector<16xi32>
      %convert_element_type3A_68 = arith.sitofp %convert_element_type3A : vector<16xi32> to vector<16xf32>
      %sub3A = arith.subf %add3A_49, %convert_element_type3A_68 : vector<16xf32>
      %swap3A = arith.constant 0 : i32
      %swap3A_69 = arith.index_cast %swap3A : i32 to index
      %swap3A_70 = arith.index_cast %mul3A_42 : i32 to index
      %swap3A_71 = tpu.vector_load %arg7[%swap3A_69, %swap3A_70] {strides = array<i32>} : memref<3x2048xf32, #tpu.memory_space<vmem>>, vector<1x16xf32>,
      %swap3A_72 = vector.shape_cast %swap3A_71 : vector<1x16xf32> to vector<16xf32>
      %swap3A_73 = vector.shape_cast %sub3A : vector<16xf32> to vector<1x16xf32>
      tpu.vector_store %arg7[%swap3A_69, %swap3A_70], %swap3A_73 {strides = array<i32>} : memref<3x2048xf32, #tpu.memory_space<vmem>>, vector<1x16xf32>,
      %convert_element_type3A_74 = arith.sitofp %convert_element_type3A_66 : vector<16xi32> to vector<16xf32>
      %sub3A_75 = arith.subf %add3A_57, %convert_element_type3A_74 : vector<16xf32>
      %swap3A_76 = arith.constant 1 : i32
      %swap3A_77 = arith.index_cast %swap3A_76 : i32 to index
      %swap3A_78 = arith.index_cast %mul3A_42 : i32 to index
      %swap3A_79 = tpu.vector_load %arg7[%swap3A_77, %swap3A_78] {strides = array<i32>} : memref<3x2048xf32, #tpu.memory_space<vmem>>, vector<1x16xf32>,
      %swap3A_80 = vector.shape_cast %swap3A_79 : vector<1x16xf32> to vector<16xf32>
      %swap3A_81 = vector.shape_cast %sub3A_75 : vector<16xf32> to vector<1x16xf32>
      tpu.vector_store %arg7[%swap3A_77, %swap3A_78], %swap3A_81 {strides = array<i32>} : memref<3x2048xf32, #tpu.memory_space<vmem>>, vector<1x16xf32>,
      %convert_element_type3A_82 = arith.sitofp %convert_element_type3A_67 : vector<16xi32> to vector<16xf32>
      %sub3A_83 = arith.subf %add3A_65, %convert_element_type3A_82 : vector<16xf32>
      %swap3A_84 = arith.constant 2 : i32
      %swap3A_85 = arith.index_cast %swap3A_84 : i32 to index
      %swap3A_86 = arith.index_cast %mul3A_42 : i32 to index
      %swap3A_87 = tpu.vector_load %arg7[%swap3A_85, %swap3A_86] {strides = array<i32>} : memref<3x2048xf32, #tpu.memory_space<vmem>>, vector<1x16xf32>,
      %swap3A_88 = vector.shape_cast %swap3A_87 : vector<1x16xf32> to vector<16xf32>
      %swap3A_89 = vector.shape_cast %sub3A_83 : vector<16xf32> to vector<1x16xf32>
      tpu.vector_store %arg7[%swap3A_85, %swap3A_86], %swap3A_89 {strides = array<i32>} : memref<3x2048xf32, #tpu.memory_space<vmem>>, vector<1x16xf32>,
      %min3A = arith.constant 62 : i32
      %min3A_90 = vector.broadcast %min3A : i32 to vector<16xi32>
      %min3A_91 = arith.minsi %convert_element_type3A, %min3A_90 : vector<16xi32>
      %min3A_92 = arith.constant 62 : i32
      %min3A_93 = vector.broadcast %min3A_92 : i32 to vector<16xi32>
      %min3A_94 = arith.minsi %convert_element_type3A_66, %min3A_93 : vector<16xi32>
      %min3A_95 = arith.constant 62 : i32
      %min3A_96 = vector.broadcast %min3A_95 : i32 to vector<16xi32>
      %min3A_97 = arith.minsi %convert_element_type3A_67, %min3A_96 : vector<16xi32>
      %shift_left3A = arith.constant 12 : i32
      %shift_left3A_98 = vector.broadcast %shift_left3A : i32 to vector<16xi32>
      %shift_left3A_99 = arith.shli %min3A_91, %shift_left3A_98 : vector<16xi32>
      %shift_left3A_100 = arith.constant 6 : i32
      %shift_left3A_101 = vector.broadcast %shift_left3A_100 : i32 to vector<16xi32>
      %shift_left3A_102 = arith.shli %min3A_94, %shift_left3A_101 : vector<16xi32>
      %add3A_103 = arith.addi %shift_left3A_99, %shift_left3A_102 : vector<16xi32>
      %add3A_104 = arith.addi %add3A_103, %min3A_97 : vector<16xi32>
      %add3A_105 = vector.broadcast %mul3A_4 : i32 to vector<16xi32>
      %add3A_106 = arith.addi %add3A_104, %add3A_105 : vector<16xi32>
      %add3A_107 = arith.constant 0 : i32
      %add3A_108 = vector.broadcast %add3A_107 : i32 to vector<16xi32>
      %add3A_109 = arith.addi %add3A_106, %add3A_108 : vector<16xi32>
      %add3A_110 = arith.constant 0 : i32
      %add3A_111 = arith.addi %add3A_110, %mul3A_42 : i32
      %swap3A_112 = arith.index_cast %add3A_111 : i32 to index
      %swap3A_113 = tpu.vector_load %arg9[%swap3A_112] {strides = array<i32>} : memref<8192xi32, #tpu.memory_space<vmem>>, vector<16xi32>,
      %swap3A_114 = vector.shape_cast %swap3A_113 : vector<16xi32> to vector<16xi32>
      %swap3A_115 = vector.shape_cast %add3A_109 : vector<16xi32> to vector<16xi32>
      tpu.vector_store %arg9[%swap3A_112], %swap3A_115 {strides = array<i32>} : memref<8192xi32, #tpu.memory_space<vmem>>, vector<16xi32>,
      %add3A_116 = arith.constant 64 : i32
      %add3A_117 = vector.broadcast %add3A_116 : i32 to vector<16xi32>
      %add3A_118 = arith.addi %add3A_106, %add3A_117 : vector<16xi32>
      %add3A_119 = arith.constant 2048 : i32
      %add3A_120 = arith.addi %add3A_119, %mul3A_42 : i32
      %swap3A_121 = arith.index_cast %add3A_120 : i32 to index
      %swap3A_122 = tpu.vector_load %arg9[%swap3A_121] {strides = array<i32>} : memref<8192xi32, #tpu.memory_space<vmem>>, vector<16xi32>,
      %swap3A_123 = vector.shape_cast %swap3A_122 : vector<16xi32> to vector<16xi32>
      %swap3A_124 = vector.shape_cast %add3A_118 : vector<16xi32> to vector<16xi32>
      tpu.vector_store %arg9[%swap3A_121], %swap3A_124 {strides = array<i32>} : memref<8192xi32, #tpu.memory_space<vmem>>, vector<16xi32>,
      %add3A_125 = arith.constant 4096 : i32
      %add3A_126 = vector.broadcast %add3A_125 : i32 to vector<16xi32>
      %add3A_127 = arith.addi %add3A_106, %add3A_126 : vector<16xi32>
      %add3A_128 = arith.constant 4096 : i32
      %add3A_129 = arith.addi %add3A_128, %mul3A_42 : i32
      %swap3A_130 = arith.index_cast %add3A_129 : i32 to index
      %swap3A_131 = tpu.vector_load %arg9[%swap3A_130] {strides = array<i32>} : memref<8192xi32, #tpu.memory_space<vmem>>, vector<16xi32>,
      %swap3A_132 = vector.shape_cast %swap3A_131 : vector<16xi32> to vector<16xi32>
      %swap3A_133 = vector.shape_cast %add3A_127 : vector<16xi32> to vector<16xi32>
      tpu.vector_store %arg9[%swap3A_130], %swap3A_133 {strides = array<i32>} : memref<8192xi32, #tpu.memory_space<vmem>>, vector<16xi32>,
      %add3A_134 = arith.constant 4160 : i32
      %add3A_135 = vector.broadcast %add3A_134 : i32 to vector<16xi32>
      %add3A_136 = arith.addi %add3A_106, %add3A_135 : vector<16xi32>
      %add3A_137 = arith.constant 6144 : i32
      %add3A_138 = arith.addi %add3A_137, %mul3A_42 : i32
      %swap3A_139 = arith.index_cast %add3A_138 : i32 to index
      %swap3A_140 = tpu.vector_load %arg9[%swap3A_139] {strides = array<i32>} : memref<8192xi32, #tpu.memory_space<vmem>>, vector<16xi32>,
      %swap3A_141 = vector.shape_cast %swap3A_140 : vector<16xi32> to vector<16xi32>
      %swap3A_142 = vector.shape_cast %add3A_136 : vector<16xi32> to vector<16xi32>
      tpu.vector_store %arg9[%swap3A_139], %swap3A_142 {strides = array<i32>} : memref<8192xi32, #tpu.memory_space<vmem>>, vector<16xi32>,
      %scan3A_143 = arith.constant 1 : i32
      %scan3A_144 = arith.addi %scan3A_40, %scan3A_143 : i32
      %mul3A_145 = arith.constant 16 : i32
      %mul3A_146 = arith.muli %scan3A_144, %mul3A_145 : i32
      %get3A_147 = arith.constant 0 : i32
      %get3A_148 = arith.index_cast %get3A_147 : i32 to index
      %get3A_149 = arith.index_cast %mul3A_146 : i32 to index
      %get3A_150 = tpu.vector_load %arg5[%get3A_148, %get3A_149] {strides = array<i32>} : memref<3x2048xf32, #tpu.memory_space<vmem>>, vector<1x16xf32>,
      %get3A_151 = vector.shape_cast %get3A_150 : vector<1x16xf32> to vector<16xf32>
      %add3A_152 = arith.constant 3.200000e+01 : f32
      %add3A_153 = vector.broadcast %add3A_152 : f32 to vector<16xf32>
      %add3A_154 = arith.addf %get3A_151, %add3A_153 : vector<16xf32>
      %get3A_155 = arith.constant 1 : i32
      %get3A_156 = arith.index_cast %get3A_155 : i32 to index
      %get3A_157 = arith.index_cast %mul3A_146 : i32 to index
      %get3A_158 = tpu.vector_load %arg5[%get3A_156, %get3A_157] {strides = array<i32>} : memref<3x2048xf32, #tpu.memory_space<vmem>>, vector<1x16xf32>,
      %get3A_159 = vector.shape_cast %get3A_158 : vector<1x16xf32> to vector<16xf32>
      %add3A_160 = arith.constant 3.200000e+01 : f32
      %add3A_161 = vector.broadcast %add3A_160 : f32 to vector<16xf32>
      %add3A_162 = arith.addf %get3A_159, %add3A_161 : vector<16xf32>
      %get3A_163 = arith.constant 2 : i32
      %get3A_164 = arith.index_cast %get3A_163 : i32 to index
      %get3A_165 = arith.index_cast %mul3A_146 : i32 to index
      %get3A_166 = tpu.vector_load %arg5[%get3A_164, %get3A_165] {strides = array<i32>} : memref<3x2048xf32, #tpu.memory_space<vmem>>, vector<1x16xf32>,
      %get3A_167 = vector.shape_cast %get3A_166 : vector<1x16xf32> to vector<16xf32>
      %add3A_168 = arith.constant 3.200000e+01 : f32
      %add3A_169 = vector.broadcast %add3A_168 : f32 to vector<16xf32>
      %add3A_170 = arith.addf %get3A_167, %add3A_169 : vector<16xf32>
      %convert_element_type3A_171 = arith.fptosi %add3A_154 : vector<16xf32> to vector<16xi32>
      %convert_element_type3A_172 = arith.fptosi %add3A_162 : vector<16xf32> to vector<16xi32>
      %convert_element_type3A_173 = arith.fptosi %add3A_170 : vector<16xf32> to vector<16xi32>
      %convert_element_type3A_174 = arith.sitofp %convert_element_type3A_171 : vector<16xi32> to vector<16xf32>
      %sub3A_175 = arith.subf %add3A_154, %convert_element_type3A_174 : vector<16xf32>
      %swap3A_176 = arith.constant 0 : i32
      %swap3A_177 = arith.index_cast %swap3A_176 : i32 to index
      %swap3A_178 = arith.index_cast %mul3A_146 : i32 to index
      %swap3A_179 = tpu.vector_load %arg7[%swap3A_177, %swap3A_178] {strides = array<i32>} : memref<3x2048xf32, #tpu.memory_space<vmem>>, vector<1x16xf32>,
      %swap3A_180 = vector.shape_cast %swap3A_179 : vector<1x16xf32> to vector<16xf32>
      %swap3A_181 = vector.shape_cast %sub3A_175 : vector<16xf32> to vector<1x16xf32>
      tpu.vector_store %arg7[%swap3A_177, %swap3A_178], %swap3A_181 {strides = array<i32>} : memref<3x2048xf32, #tpu.memory_space<vmem>>, vector<1x16xf32>,
      %convert_element_type3A_182 = arith.sitofp %convert_element_type3A_172 : vector<16xi32> to vector<16xf32>
      %sub3A_183 = arith.subf %add3A_162, %convert_element_type3A_182 : vector<16xf32>
      %swap3A_184 = arith.constant 1 : i32
      %swap3A_185 = arith.index_cast %swap3A_184 : i32 to index
      %swap3A_186 = arith.index_cast %mul3A_146 : i32 to index
      %swap3A_187 = tpu.vector_load %arg7[%swap3A_185, %swap3A_186] {strides = array<i32>} : memref<3x2048xf32, #tpu.memory_space<vmem>>, vector<1x16xf32>,
      %swap3A_188 = vector.shape_cast %swap3A_187 : vector<1x16xf32> to vector<16xf32>
      %swap3A_189 = vector.shape_cast %sub3A_183 : vector<16xf32> to vector<1x16xf32>
      tpu.vector_store %arg7[%swap3A_185, %swap3A_186], %swap3A_189 {strides = array<i32>} : memref<3x2048xf32, #tpu.memory_space<vmem>>, vector<1x16xf32>,
      %convert_element_type3A_190 = arith.sitofp %convert_element_type3A_173 : vector<16xi32> to vector<16xf32>
      %sub3A_191 = arith.subf %add3A_170, %convert_element_type3A_190 : vector<16xf32>
      %swap3A_192 = arith.constant 2 : i32
      %swap3A_193 = arith.index_cast %swap3A_192 : i32 to index
      %swap3A_194 = arith.index_cast %mul3A_146 : i32 to index
      %swap3A_195 = tpu.vector_load %arg7[%swap3A_193, %swap3A_194] {strides = array<i32>} : memref<3x2048xf32, #tpu.memory_space<vmem>>, vector<1x16xf32>,
      %swap3A_196 = vector.shape_cast %swap3A_195 : vector<1x16xf32> to vector<16xf32>
      %swap3A_197 = vector.shape_cast %sub3A_191 : vector<16xf32> to vector<1x16xf32>
      tpu.vector_store %arg7[%swap3A_193, %swap3A_194], %swap3A_197 {strides = array<i32>} : memref<3x2048xf32, #tpu.memory_space<vmem>>, vector<1x16xf32>,
      %min3A_198 = arith.constant 62 : i32
      %min3A_199 = vector.broadcast %min3A_198 : i32 to vector<16xi32>
      %min3A_200 = arith.minsi %convert_element_type3A_171, %min3A_199 : vector<16xi32>
      %min3A_201 = arith.constant 62 : i32
      %min3A_202 = vector.broadcast %min3A_201 : i32 to vector<16xi32>
      %min3A_203 = arith.minsi %convert_element_type3A_172, %min3A_202 : vector<16xi32>
      %min3A_204 = arith.constant 62 : i32
      %min3A_205 = vector.broadcast %min3A_204 : i32 to vector<16xi32>
      %min3A_206 = arith.minsi %convert_element_type3A_173, %min3A_205 : vector<16xi32>
      %shift_left3A_207 = arith.constant 12 : i32
      %shift_left3A_208 = vector.broadcast %shift_left3A_207 : i32 to vector<16xi32>
      %shift_left3A_209 = arith.shli %min3A_200, %shift_left3A_208 : vector<16xi32>
      %shift_left3A_210 = arith.constant 6 : i32
      %shift_left3A_211 = vector.broadcast %shift_left3A_210 : i32 to vector<16xi32>
      %shift_left3A_212 = arith.shli %min3A_203, %shift_left3A_211 : vector<16xi32>
      %add3A_213 = arith.addi %shift_left3A_209, %shift_left3A_212 : vector<16xi32>
      %add3A_214 = arith.addi %add3A_213, %min3A_206 : vector<16xi32>
      %add3A_215 = vector.broadcast %mul3A_4 : i32 to vector<16xi32>
      %add3A_216 = arith.addi %add3A_214, %add3A_215 : vector<16xi32>
      %add3A_217 = arith.constant 0 : i32
      %add3A_218 = vector.broadcast %add3A_217 : i32 to vector<16xi32>
      %add3A_219 = arith.addi %add3A_216, %add3A_218 : vector<16xi32>
      %add3A_220 = arith.constant 0 : i32
      %add3A_221 = arith.addi %add3A_220, %mul3A_146 : i32
      %swap3A_222 = arith.index_cast %add3A_221 : i32 to index
      %swap3A_223 = tpu.vector_load %arg9[%swap3A_222] {strides = array<i32>} : memref<8192xi32, #tpu.memory_space<vmem>>, vector<16xi32>,
      %swap3A_224 = vector.shape_cast %swap3A_223 : vector<16xi32> to vector<16xi32>
      %swap3A_225 = vector.shape_cast %add3A_219 : vector<16xi32> to vector<16xi32>
      tpu.vector_store %arg9[%swap3A_222], %swap3A_225 {strides = array<i32>} : memref<8192xi32, #tpu.memory_space<vmem>>, vector<16xi32>,
      %add3A_226 = arith.constant 64 : i32
      %add3A_227 = vector.broadcast %add3A_226 : i32 to vector<16xi32>
      %add3A_228 = arith.addi %add3A_216, %add3A_227 : vector<16xi32>
      %add3A_229 = arith.constant 2048 : i32
      %add3A_230 = arith.addi %add3A_229, %mul3A_146 : i32
      %swap3A_231 = arith.index_cast %add3A_230 : i32 to index
      %swap3A_232 = tpu.vector_load %arg9[%swap3A_231] {strides = array<i32>} : memref<8192xi32, #tpu.memory_space<vmem>>, vector<16xi32>,
      %swap3A_233 = vector.shape_cast %swap3A_232 : vector<16xi32> to vector<16xi32>
      %swap3A_234 = vector.shape_cast %add3A_228 : vector<16xi32> to vector<16xi32>
      tpu.vector_store %arg9[%swap3A_231], %swap3A_234 {strides = array<i32>} : memref<8192xi32, #tpu.memory_space<vmem>>, vector<16xi32>,
      %add3A_235 = arith.constant 4096 : i32
      %add3A_236 = vector.broadcast %add3A_235 : i32 to vector<16xi32>
      %add3A_237 = arith.addi %add3A_216, %add3A_236 : vector<16xi32>
      %add3A_238 = arith.constant 4096 : i32
      %add3A_239 = arith.addi %add3A_238, %mul3A_146 : i32
      %swap3A_240 = arith.index_cast %add3A_239 : i32 to index
      %swap3A_241 = tpu.vector_load %arg9[%swap3A_240] {strides = array<i32>} : memref<8192xi32, #tpu.memory_space<vmem>>, vector<16xi32>,
      %swap3A_242 = vector.shape_cast %swap3A_241 : vector<16xi32> to vector<16xi32>
      %swap3A_243 = vector.shape_cast %add3A_237 : vector<16xi32> to vector<16xi32>
      tpu.vector_store %arg9[%swap3A_240], %swap3A_243 {strides = array<i32>} : memref<8192xi32, #tpu.memory_space<vmem>>, vector<16xi32>,
      %add3A_244 = arith.constant 4160 : i32
      %add3A_245 = vector.broadcast %add3A_244 : i32 to vector<16xi32>
      %add3A_246 = arith.addi %add3A_216, %add3A_245 : vector<16xi32>
      %add3A_247 = arith.constant 6144 : i32
      %add3A_248 = arith.addi %add3A_247, %mul3A_146 : i32
      %swap3A_249 = arith.index_cast %add3A_248 : i32 to index
      %swap3A_250 = tpu.vector_load %arg9[%swap3A_249] {strides = array<i32>} : memref<8192xi32, #tpu.memory_space<vmem>>, vector<16xi32>,
      %swap3A_251 = vector.shape_cast %swap3A_250 : vector<16xi32> to vector<16xi32>
      %swap3A_252 = vector.shape_cast %add3A_246 : vector<16xi32> to vector<16xi32>
      tpu.vector_store %arg9[%swap3A_249], %swap3A_252 {strides = array<i32>} : memref<8192xi32, #tpu.memory_space<vmem>>, vector<16xi32>,
      %scan3A_253 = arith.constant 2 : i32
      %scan3A_254 = arith.addi %scan3A_40, %scan3A_253 : i32
      %mul3A_255 = arith.constant 16 : i32
      %mul3A_256 = arith.muli %scan3A_254, %mul3A_255 : i32
      %get3A_257 = arith.constant 0 : i32
      %get3A_258 = arith.index_cast %get3A_257 : i32 to index
      %get3A_259 = arith.index_cast %mul3A_256 : i32 to index
      %get3A_260 = tpu.vector_load %arg5[%get3A_258, %get3A_259] {strides = array<i32>} : memref<3x2048xf32, #tpu.memory_space<vmem>>, vector<1x16xf32>,
      %get3A_261 = vector.shape_cast %get3A_260 : vector<1x16xf32> to vector<16xf32>
      %add3A_262 = arith.constant 3.200000e+01 : f32
      %add3A_263 = vector.broadcast %add3A_262 : f32 to vector<16xf32>
      %add3A_264 = arith.addf %get3A_261, %add3A_263 : vector<16xf32>
      %get3A_265 = arith.constant 1 : i32
      %get3A_266 = arith.index_cast %get3A_265 : i32 to index
      %get3A_267 = arith.index_cast %mul3A_256 : i32 to index
      %get3A_268 = tpu.vector_load %arg5[%get3A_266, %get3A_267] {strides = array<i32>} : memref<3x2048xf32, #tpu.memory_space<vmem>>, vector<1x16xf32>,
      %get3A_269 = vector.shape_cast %get3A_268 : vector<1x16xf32> to vector<16xf32>
      %add3A_270 = arith.constant 3.200000e+01 : f32
      %add3A_271 = vector.broadcast %add3A_270 : f32 to vector<16xf32>
      %add3A_272 = arith.addf %get3A_269, %add3A_271 : vector<16xf32>
      %get3A_273 = arith.constant 2 : i32
      %get3A_274 = arith.index_cast %get3A_273 : i32 to index
      %get3A_275 = arith.index_cast %mul3A_256 : i32 to index
      %get3A_276 = tpu.vector_load %arg5[%get3A_274, %get3A_275] {strides = array<i32>} : memref<3x2048xf32, #tpu.memory_space<vmem>>, vector<1x16xf32>,
      %get3A_277 = vector.shape_cast %get3A_276 : vector<1x16xf32> to vector<16xf32>
      %add3A_278 = arith.constant 3.200000e+01 : f32
      %add3A_279 = vector.broadcast %add3A_278 : f32 to vector<16xf32>
      %add3A_280 = arith.addf %get3A_277, %add3A_279 : vector<16xf32>
      %convert_element_type3A_281 = arith.fptosi %add3A_264 : vector<16xf32> to vector<16xi32>
      %convert_element_type3A_282 = arith.fptosi %add3A_272 : vector<16xf32> to vector<16xi32>
      %convert_element_type3A_283 = arith.fptosi %add3A_280 : vector<16xf32> to vector<16xi32>
      %convert_element_type3A_284 = arith.sitofp %convert_element_type3A_281 : vector<16xi32> to vector<16xf32>
      %sub3A_285 = arith.subf %add3A_264, %convert_element_type3A_284 : vector<16xf32>
      %swap3A_286 = arith.constant 0 : i32
      %swap3A_287 = arith.index_cast %swap3A_286 : i32 to index
      %swap3A_288 = arith.index_cast %mul3A_256 : i32 to index
      %swap3A_289 = tpu.vector_load %arg7[%swap3A_287, %swap3A_288] {strides = array<i32>} : memref<3x2048xf32, #tpu.memory_space<vmem>>, vector<1x16xf32>,
      %swap3A_290 = vector.shape_cast %swap3A_289 : vector<1x16xf32> to vector<16xf32>
      %swap3A_291 = vector.shape_cast %sub3A_285 : vector<16xf32> to vector<1x16xf32>
      tpu.vector_store %arg7[%swap3A_287, %swap3A_288], %swap3A_291 {strides = array<i32>} : memref<3x2048xf32, #tpu.memory_space<vmem>>, vector<1x16xf32>,
      %convert_element_type3A_292 = arith.sitofp %convert_element_type3A_282 : vector<16xi32> to vector<16xf32>
      %sub3A_293 = arith.subf %add3A_272, %convert_element_type3A_292 : vector<16xf32>
      %swap3A_294 = arith.constant 1 : i32
      %swap3A_295 = arith.index_cast %swap3A_294 : i32 to index
      %swap3A_296 = arith.index_cast %mul3A_256 : i32 to index
      %swap3A_297 = tpu.vector_load %arg7[%swap3A_295, %swap3A_296] {strides = array<i32>} : memref<3x2048xf32, #tpu.memory_space<vmem>>, vector<1x16xf32>,
      %swap3A_298 = vector.shape_cast %swap3A_297 : vector<1x16xf32> to vector<16xf32>
      %swap3A_299 = vector.shape_cast %sub3A_293 : vector<16xf32> to vector<1x16xf32>
      tpu.vector_store %arg7[%swap3A_295, %swap3A_296], %swap3A_299 {strides = array<i32>} : memref<3x2048xf32, #tpu.memory_space<vmem>>, vector<1x16xf32>,
      %convert_element_type3A_300 = arith.sitofp %convert_element_type3A_283 : vector<16xi32> to vector<16xf32>
      %sub3A_301 = arith.subf %add3A_280, %convert_element_type3A_300 : vector<16xf32>
      %swap3A_302 = arith.constant 2 : i32
      %swap3A_303 = arith.index_cast %swap3A_302 : i32 to index
      %swap3A_304 = arith.index_cast %mul3A_256 : i32 to index
      %swap3A_305 = tpu.vector_load %arg7[%swap3A_303, %swap3A_304] {strides = array<i32>} : memref<3x2048xf32, #tpu.memory_space<vmem>>, vector<1x16xf32>,
      %swap3A_306 = vector.shape_cast %swap3A_305 : vector<1x16xf32> to vector<16xf32>
      %swap3A_307 = vector.shape_cast %sub3A_301 : vector<16xf32> to vector<1x16xf32>
      tpu.vector_store %arg7[%swap3A_303, %swap3A_304], %swap3A_307 {strides = array<i32>} : memref<3x2048xf32, #tpu.memory_space<vmem>>, vector<1x16xf32>,
      %min3A_308 = arith.constant 62 : i32
      %min3A_309 = vector.broadcast %min3A_308 : i32 to vector<16xi32>
      %min3A_310 = arith.minsi %convert_element_type3A_281, %min3A_309 : vector<16xi32>
      %min3A_311 = arith.constant 62 : i32
      %min3A_312 = vector.broadcast %min3A_311 : i32 to vector<16xi32>
      %min3A_313 = arith.minsi %convert_element_type3A_282, %min3A_312 : vector<16xi32>
      %min3A_314 = arith.constant 62 : i32
      %min3A_315 = vector.broadcast %min3A_314 : i32 to vector<16xi32>
      %min3A_316 = arith.minsi %convert_element_type3A_283, %min3A_315 : vector<16xi32>
      %shift_left3A_317 = arith.constant 12 : i32
      %shift_left3A_318 = vector.broadcast %shift_left3A_317 : i32 to vector<16xi32>
      %shift_left3A_319 = arith.shli %min3A_310, %shift_left3A_318 : vector<16xi32>
      %shift_left3A_320 = arith.constant 6 : i32
      %shift_left3A_321 = vector.broadcast %shift_left3A_320 : i32 to vector<16xi32>
      %shift_left3A_322 = arith.shli %min3A_313, %shift_left3A_321 : vector<16xi32>
      %add3A_323 = arith.addi %shift_left3A_319, %shift_left3A_322 : vector<16xi32>
      %add3A_324 = arith.addi %add3A_323, %min3A_316 : vector<16xi32>
      %add3A_325 = vector.broadcast %mul3A_4 : i32 to vector<16xi32>
      %add3A_326 = arith.addi %add3A_324, %add3A_325 : vector<16xi32>
      %add3A_327 = arith.constant 0 : i32
      %add3A_328 = vector.broadcast %add3A_327 : i32 to vector<16xi32>
      %add3A_329 = arith.addi %add3A_326, %add3A_328 : vector<16xi32>
      %add3A_330 = arith.constant 0 : i32
      %add3A_331 = arith.addi %add3A_330, %mul3A_256 : i32
      %swap3A_332 = arith.index_cast %add3A_331 : i32 to index
      %swap3A_333 = tpu.vector_load %arg9[%swap3A_332] {strides = array<i32>} : memref<8192xi32, #tpu.memory_space<vmem>>, vector<16xi32>,
      %swap3A_334 = vector.shape_cast %swap3A_333 : vector<16xi32> to vector<16xi32>
      %swap3A_335 = vector.shape_cast %add3A_329 : vector<16xi32> to vector<16xi32>
      tpu.vector_store %arg9[%swap3A_332], %swap3A_335 {strides = array<i32>} : memref<8192xi32, #tpu.memory_space<vmem>>, vector<16xi32>,
      %add3A_336 = arith.constant 64 : i32
      %add3A_337 = vector.broadcast %add3A_336 : i32 to vector<16xi32>
      %add3A_338 = arith.addi %add3A_326, %add3A_337 : vector<16xi32>
      %add3A_339 = arith.constant 2048 : i32
      %add3A_340 = arith.addi %add3A_339, %mul3A_256 : i32
      %swap3A_341 = arith.index_cast %add3A_340 : i32 to index
      %swap3A_342 = tpu.vector_load %arg9[%swap3A_341] {strides = array<i32>} : memref<8192xi32, #tpu.memory_space<vmem>>, vector<16xi32>,
      %swap3A_343 = vector.shape_cast %swap3A_342 : vector<16xi32> to vector<16xi32>
      %swap3A_344 = vector.shape_cast %add3A_338 : vector<16xi32> to vector<16xi32>
      tpu.vector_store %arg9[%swap3A_341], %swap3A_344 {strides = array<i32>} : memref<8192xi32, #tpu.memory_space<vmem>>, vector<16xi32>,
      %add3A_345 = arith.constant 4096 : i32
      %add3A_346 = vector.broadcast %add3A_345 : i32 to vector<16xi32>
      %add3A_347 = arith.addi %add3A_326, %add3A_346 : vector<16xi32>
      %add3A_348 = arith.constant 4096 : i32
      %add3A_349 = arith.addi %add3A_348, %mul3A_256 : i32
      %swap3A_350 = arith.index_cast %add3A_349 : i32 to index
      %swap3A_351 = tpu.vector_load %arg9[%swap3A_350] {strides = array<i32>} : memref<8192xi32, #tpu.memory_space<vmem>>, vector<16xi32>,
      %swap3A_352 = vector.shape_cast %swap3A_351 : vector<16xi32> to vector<16xi32>
      %swap3A_353 = vector.shape_cast %add3A_347 : vector<16xi32> to vector<16xi32>
      tpu.vector_store %arg9[%swap3A_350], %swap3A_353 {strides = array<i32>} : memref<8192xi32, #tpu.memory_space<vmem>>, vector<16xi32>,
      %add3A_354 = arith.constant 4160 : i32
      %add3A_355 = vector.broadcast %add3A_354 : i32 to vector<16xi32>
      %add3A_356 = arith.addi %add3A_326, %add3A_355 : vector<16xi32>
      %add3A_357 = arith.constant 6144 : i32
      %add3A_358 = arith.addi %add3A_357, %mul3A_256 : i32
      %swap3A_359 = arith.index_cast %add3A_358 : i32 to index
      %swap3A_360 = tpu.vector_load %arg9[%swap3A_359] {strides = array<i32>} : memref<8192xi32, #tpu.memory_space<vmem>>, vector<16xi32>,
      %swap3A_361 = vector.shape_cast %swap3A_360 : vector<16xi32> to vector<16xi32>
      %swap3A_362 = vector.shape_cast %add3A_356 : vector<16xi32> to vector<16xi32>
      tpu.vector_store %arg9[%swap3A_359], %swap3A_362 {strides = array<i32>} : memref<8192xi32, #tpu.memory_space<vmem>>, vector<16xi32>,
      %scan3A_363 = arith.constant 3 : i32
      %scan3A_364 = arith.addi %scan3A_40, %scan3A_363 : i32
      %mul3A_365 = arith.constant 16 : i32
      %mul3A_366 = arith.muli %scan3A_364, %mul3A_365 : i32
      %get3A_367 = arith.constant 0 : i32
      %get3A_368 = arith.index_cast %get3A_367 : i32 to index
      %get3A_369 = arith.index_cast %mul3A_366 : i32 to index
      %get3A_370 = tpu.vector_load %arg5[%get3A_368, %get3A_369] {strides = array<i32>} : memref<3x2048xf32, #tpu.memory_space<vmem>>, vector<1x16xf32>,
      %get3A_371 = vector.shape_cast %get3A_370 : vector<1x16xf32> to vector<16xf32>
      %add3A_372 = arith.constant 3.200000e+01 : f32
      %add3A_373 = vector.broadcast %add3A_372 : f32 to vector<16xf32>
      %add3A_374 = arith.addf %get3A_371, %add3A_373 : vector<16xf32>
      %get3A_375 = arith.constant 1 : i32
      %get3A_376 = arith.index_cast %get3A_375 : i32 to index
      %get3A_377 = arith.index_cast %mul3A_366 : i32 to index
      %get3A_378 = tpu.vector_load %arg5[%get3A_376, %get3A_377] {strides = array<i32>} : memref<3x2048xf32, #tpu.memory_space<vmem>>, vector<1x16xf32>,
      %get3A_379 = vector.shape_cast %get3A_378 : vector<1x16xf32> to vector<16xf32>
      %add3A_380 = arith.constant 3.200000e+01 : f32
      %add3A_381 = vector.broadcast %add3A_380 : f32 to vector<16xf32>
      %add3A_382 = arith.addf %get3A_379, %add3A_381 : vector<16xf32>
      %get3A_383 = arith.constant 2 : i32
      %get3A_384 = arith.index_cast %get3A_383 : i32 to index
      %get3A_385 = arith.index_cast %mul3A_366 : i32 to index
      %get3A_386 = tpu.vector_load %arg5[%get3A_384, %get3A_385] {strides = array<i32>} : memref<3x2048xf32, #tpu.memory_space<vmem>>, vector<1x16xf32>,
      %get3A_387 = vector.shape_cast %get3A_386 : vector<1x16xf32> to vector<16xf32>
      %add3A_388 = arith.constant 3.200000e+01 : f32
      %add3A_389 = vector.broadcast %add3A_388 : f32 to vector<16xf32>
      %add3A_390 = arith.addf %get3A_387, %add3A_389 : vector<16xf32>
      %convert_element_type3A_391 = arith.fptosi %add3A_374 : vector<16xf32> to vector<16xi32>
      %convert_element_type3A_392 = arith.fptosi %add3A_382 : vector<16xf32> to vector<16xi32>
      %convert_element_type3A_393 = arith.fptosi %add3A_390 : vector<16xf32> to vector<16xi32>
      %convert_element_type3A_394 = arith.sitofp %convert_element_type3A_391 : vector<16xi32> to vector<16xf32>
      %sub3A_395 = arith.subf %add3A_374, %convert_element_type3A_394 : vector<16xf32>
      %swap3A_396 = arith.constant 0 : i32
      %swap3A_397 = arith.index_cast %swap3A_396 : i32 to index
      %swap3A_398 = arith.index_cast %mul3A_366 : i32 to index
      %swap3A_399 = tpu.vector_load %arg7[%swap3A_397, %swap3A_398] {strides = array<i32>} : memref<3x2048xf32, #tpu.memory_space<vmem>>, vector<1x16xf32>,
      %swap3A_400 = vector.shape_cast %swap3A_399 : vector<1x16xf32> to vector<16xf32>
      %swap3A_401 = vector.shape_cast %sub3A_395 : vector<16xf32> to vector<1x16xf32>
      tpu.vector_store %arg7[%swap3A_397, %swap3A_398], %swap3A_401 {strides = array<i32>} : memref<3x2048xf32, #tpu.memory_space<vmem>>, vector<1x16xf32>,
      %convert_element_type3A_402 = arith.sitofp %convert_element_type3A_392 : vector<16xi32> to vector<16xf32>
      %sub3A_403 = arith.subf %add3A_382, %convert_element_type3A_402 : vector<16xf32>
      %swap3A_404 = arith.constant 1 : i32
      %swap3A_405 = arith.index_cast %swap3A_404 : i32 to index
      %swap3A_406 = arith.index_cast %mul3A_366 : i32 to index
      %swap3A_407 = tpu.vector_load %arg7[%swap3A_405, %swap3A_406] {strides = array<i32>} : memref<3x2048xf32, #tpu.memory_space<vmem>>, vector<1x16xf32>,
      %swap3A_408 = vector.shape_cast %swap3A_407 : vector<1x16xf32> to vector<16xf32>
      %swap3A_409 = vector.shape_cast %sub3A_403 : vector<16xf32> to vector<1x16xf32>
      tpu.vector_store %arg7[%swap3A_405, %swap3A_406], %swap3A_409 {strides = array<i32>} : memref<3x2048xf32, #tpu.memory_space<vmem>>, vector<1x16xf32>,
      %convert_element_type3A_410 = arith.sitofp %convert_element_type3A_393 : vector<16xi32> to vector<16xf32>
      %sub3A_411 = arith.subf %add3A_390, %convert_element_type3A_410 : vector<16xf32>
      %swap3A_412 = arith.constant 2 : i32
      %swap3A_413 = arith.index_cast %swap3A_412 : i32 to index
      %swap3A_414 = arith.index_cast %mul3A_366 : i32 to index
      %swap3A_415 = tpu.vector_load %arg7[%swap3A_413, %swap3A_414] {strides = array<i32>} : memref<3x2048xf32, #tpu.memory_space<vmem>>, vector<1x16xf32>,
      %swap3A_416 = vector.shape_cast %swap3A_415 : vector<1x16xf32> to vector<16xf32>
      %swap3A_417 = vector.shape_cast %sub3A_411 : vector<16xf32> to vector<1x16xf32>
      tpu.vector_store %arg7[%swap3A_413, %swap3A_414], %swap3A_417 {strides = array<i32>} : memref<3x2048xf32, #tpu.memory_space<vmem>>, vector<1x16xf32>,
      %min3A_418 = arith.constant 62 : i32
      %min3A_419 = vector.broadcast %min3A_418 : i32 to vector<16xi32>
      %min3A_420 = arith.minsi %convert_element_type3A_391, %min3A_419 : vector<16xi32>
      %min3A_421 = arith.constant 62 : i32
      %min3A_422 = vector.broadcast %min3A_421 : i32 to vector<16xi32>
      %min3A_423 = arith.minsi %convert_element_type3A_392, %min3A_422 : vector<16xi32>
      %min3A_424 = arith.constant 62 : i32
      %min3A_425 = vector.broadcast %min3A_424 : i32 to vector<16xi32>
      %min3A_426 = arith.minsi %convert_element_type3A_393, %min3A_425 : vector<16xi32>
      %shift_left3A_427 = arith.constant 12 : i32
      %shift_left3A_428 = vector.broadcast %shift_left3A_427 : i32 to vector<16xi32>
      %shift_left3A_429 = arith.shli %min3A_420, %shift_left3A_428 : vector<16xi32>
      %shift_left3A_430 = arith.constant 6 : i32
      %shift_left3A_431 = vector.broadcast %shift_left3A_430 : i32 to vector<16xi32>
      %shift_left3A_432 = arith.shli %min3A_423, %shift_left3A_431 : vector<16xi32>
      %add3A_433 = arith.addi %shift_left3A_429, %shift_left3A_432 : vector<16xi32>
      %add3A_434 = arith.addi %add3A_433, %min3A_426 : vector<16xi32>
      %add3A_435 = vector.broadcast %mul3A_4 : i32 to vector<16xi32>
      %add3A_436 = arith.addi %add3A_434, %add3A_435 : vector<16xi32>
      %add3A_437 = arith.constant 0 : i32
      %add3A_438 = vector.broadcast %add3A_437 : i32 to vector<16xi32>
      %add3A_439 = arith.addi %add3A_436, %add3A_438 : vector<16xi32>
      %add3A_440 = arith.constant 0 : i32
      %add3A_441 = arith.addi %add3A_440, %mul3A_366 : i32
      %swap3A_442 = arith.index_cast %add3A_441 : i32 to index
      %swap3A_443 = tpu.vector_load %arg9[%swap3A_442] {strides = array<i32>} : memref<8192xi32, #tpu.memory_space<vmem>>, vector<16xi32>,
      %swap3A_444 = vector.shape_cast %swap3A_443 : vector<16xi32> to vector<16xi32>
      %swap3A_445 = vector.shape_cast %add3A_439 : vector<16xi32> to vector<16xi32>
      tpu.vector_store %arg9[%swap3A_442], %swap3A_445 {strides = array<i32>} : memref<8192xi32, #tpu.memory_space<vmem>>, vector<16xi32>,
      %add3A_446 = arith.constant 64 : i32
      %add3A_447 = vector.broadcast %add3A_446 : i32 to vector<16xi32>
      %add3A_448 = arith.addi %add3A_436, %add3A_447 : vector<16xi32>
      %add3A_449 = arith.constant 2048 : i32
      %add3A_450 = arith.addi %add3A_449, %mul3A_366 : i32
      %swap3A_451 = arith.index_cast %add3A_450 : i32 to index
      %swap3A_452 = tpu.vector_load %arg9[%swap3A_451] {strides = array<i32>} : memref<8192xi32, #tpu.memory_space<vmem>>, vector<16xi32>,
      %swap3A_453 = vector.shape_cast %swap3A_452 : vector<16xi32> to vector<16xi32>
      %swap3A_454 = vector.shape_cast %add3A_448 : vector<16xi32> to vector<16xi32>
      tpu.vector_store %arg9[%swap3A_451], %swap3A_454 {strides = array<i32>} : memref<8192xi32, #tpu.memory_space<vmem>>, vector<16xi32>,
      %add3A_455 = arith.constant 4096 : i32
      %add3A_456 = vector.broadcast %add3A_455 : i32 to vector<16xi32>
      %add3A_457 = arith.addi %add3A_436, %add3A_456 : vector<16xi32>
      %add3A_458 = arith.constant 4096 : i32
      %add3A_459 = arith.addi %add3A_458, %mul3A_366 : i32
      %swap3A_460 = arith.index_cast %add3A_459 : i32 to index
      %swap3A_461 = tpu.vector_load %arg9[%swap3A_460] {strides = array<i32>} : memref<8192xi32, #tpu.memory_space<vmem>>, vector<16xi32>,
      %swap3A_462 = vector.shape_cast %swap3A_461 : vector<16xi32> to vector<16xi32>
      %swap3A_463 = vector.shape_cast %add3A_457 : vector<16xi32> to vector<16xi32>
      tpu.vector_store %arg9[%swap3A_460], %swap3A_463 {strides = array<i32>} : memref<8192xi32, #tpu.memory_space<vmem>>, vector<16xi32>,
      %add3A_464 = arith.constant 4160 : i32
      %add3A_465 = vector.broadcast %add3A_464 : i32 to vector<16xi32>
      %add3A_466 = arith.addi %add3A_436, %add3A_465 : vector<16xi32>
      %add3A_467 = arith.constant 6144 : i32
      %add3A_468 = arith.addi %add3A_467, %mul3A_366 : i32
      %swap3A_469 = arith.index_cast %add3A_468 : i32 to index
      %swap3A_470 = tpu.vector_load %arg9[%swap3A_469] {strides = array<i32>} : memref<8192xi32, #tpu.memory_space<vmem>>, vector<16xi32>,
      %swap3A_471 = vector.shape_cast %swap3A_470 : vector<16xi32> to vector<16xi32>
      %swap3A_472 = vector.shape_cast %add3A_466 : vector<16xi32> to vector<16xi32>
      tpu.vector_store %arg9[%swap3A_469], %swap3A_472 {strides = array<i32>} : memref<8192xi32, #tpu.memory_space<vmem>>, vector<16xi32>,
    }
    %scan3A_24 = arith.constant 128 : i32
    %dma_start3A_25 = arith.constant 0 : i32
    %dma_start3A_26 = tpu.memref_slice %arg2[%dma_start3A_25] : memref<8388608xi32, #tpu.memory_space<hbm>> -> memref<8388608xi32, #tpu.memory_space<hbm>>
    tpu.enqueue_indirect_dma source(%dma_start3A_26 : memref<8388608xi32, #tpu.memory_space<hbm>>) target(%arg11 : memref<8192xi32, #tpu.memory_space<vmem>>) offsets(%arg9 : memref<8192xi32, #tpu.memory_space<vmem>>) semaphore(%arg17 : memref<!tpu.dma_semaphore, #tpu.memory_space<semaphore_mem>>)
    %scan3A_27 = arith.constant 0 : i32
    %scan3A_28 = arith.constant 16 : i32
    %scan3A_29 = arith.addi %scan3A_27, %scan3A_28 : i32
    %scan3A_30 = arith.constant 1 : i32
    scf.for %scan3A_40 = %scan3A_27 to %scan3A_29 step %scan3A_30  : i32 {
      %mul3A_41 = arith.constant 2 : i32
      %mul3A_42 = arith.muli %mul3A_41, %scan3A_40 : i32
      %add3A_43 = arith.constant 1 : i32
      %add3A_44 = arith.addi %mul3A_42, %add3A_43 : i32
      %lt3A = arith.constant 32 : i32
      %lt3A_45 = arith.cmpi slt, %add3A_44, %lt3A : i32
      %convert_element_type3A = arith.extui %lt3A_45 : i1 to i32
      %cond3A = arith.constant 0 : i32
      %cond3A_46 = arith.cmpi ne, %convert_element_type3A, %cond3A : i32
      scf.if %cond3A_46 {
        %dma_wait3A_105 = arith.constant 0 : i32
        %dma_wait3A_106 = arith.constant 0 : i32
        %dma_wait3A_107 = tpu.memref_slice %arg3[%dma_wait3A_105, %dma_wait3A_106] : memref<3x2097152xf32, #tpu.memory_space<hbm>> -> memref<3x2048xf32, #tpu.memory_space<hbm>>
        %dma_wait3A_108 = arith.constant 0 : i32
        %dma_wait3A_109 = arith.constant 0 : i32
        %dma_wait3A_110 = tpu.memref_slice %arg3[%dma_wait3A_108, %dma_wait3A_109] : memref<3x2097152xf32, #tpu.memory_space<hbm>> -> memref<3x2048xf32, #tpu.memory_space<hbm>>
        tpu.wait_dma2 semaphore(%arg16 : memref<!tpu.dma_semaphore, #tpu.memory_space<semaphore_mem>>) src(%dma_wait3A_110 : memref<3x2048xf32, #tpu.memory_space<hbm>>) dst(%arg6 : memref<3x2048xf32, #tpu.memory_space<vmem>>)
        %scan3A_111 = arith.constant 0 : i32
        %scan3A_112 = arith.constant 128 : i32
        %scan3A_113 = arith.addi %scan3A_111, %scan3A_112 : i32
        %scan3A_114 = arith.constant 4 : i32
        scf.for %scan3A_118 = %scan3A_111 to %scan3A_113 step %scan3A_114  : i32 {
          %mul3A_119 = arith.constant 16 : i32
          %mul3A_120 = arith.muli %scan3A_118, %mul3A_119 : i32
          %get3A = arith.constant 0 : i32
          %get3A_121 = arith.index_cast %get3A : i32 to index
          %get3A_122 = arith.index_cast %mul3A_120 : i32 to index
          %get3A_123 = tpu.vector_load %arg6[%get3A_121, %get3A_122] {strides = array<i32>} : memref<3x2048xf32, #tpu.memory_space<vmem>>, vector<1x16xf32>,
          %get3A_124 = vector.shape_cast %get3A_123 : vector<1x16xf32> to vector<16xf32>
          %add3A_125 = arith.constant 3.200000e+01 : f32
          %add3A_126 = vector.broadcast %add3A_125 : f32 to vector<16xf32>
          %add3A_127 = arith.addf %get3A_124, %add3A_126 : vector<16xf32>
          %get3A_128 = arith.constant 1 : i32
          %get3A_129 = arith.index_cast %get3A_128 : i32 to index
          %get3A_130 = arith.index_cast %mul3A_120 : i32 to index
          %get3A_131 = tpu.vector_load %arg6[%get3A_129, %get3A_130] {strides = array<i32>} : memref<3x2048xf32, #tpu.memory_space<vmem>>, vector<1x16xf32>,
          %get3A_132 = vector.shape_cast %get3A_131 : vector<1x16xf32> to vector<16xf32>
          %add3A_133 = arith.constant 3.200000e+01 : f32
          %add3A_134 = vector.broadcast %add3A_133 : f32 to vector<16xf32>
          %add3A_135 = arith.addf %get3A_132, %add3A_134 : vector<16xf32>
          %get3A_136 = arith.constant 2 : i32
          %get3A_137 = arith.index_cast %get3A_136 : i32 to index
          %get3A_138 = arith.index_cast %mul3A_120 : i32 to index
          %get3A_139 = tpu.vector_load %arg6[%get3A_137, %get3A_138] {strides = array<i32>} : memref<3x2048xf32, #tpu.memory_space<vmem>>, vector<1x16xf32>,
          %get3A_140 = vector.shape_cast %get3A_139 : vector<1x16xf32> to vector<16xf32>
          %add3A_141 = arith.constant 3.200000e+01 : f32
          %add3A_142 = vector.broadcast %add3A_141 : f32 to vector<16xf32>
          %add3A_143 = arith.addf %get3A_140, %add3A_142 : vector<16xf32>
          %convert_element_type3A_144 = arith.fptosi %add3A_127 : vector<16xf32> to vector<16xi32>
          %convert_element_type3A_145 = arith.fptosi %add3A_135 : vector<16xf32> to vector<16xi32>
          %convert_element_type3A_146 = arith.fptosi %add3A_143 : vector<16xf32> to vector<16xi32>
          %convert_element_type3A_147 = arith.sitofp %convert_element_type3A_144 : vector<16xi32> to vector<16xf32>
          %sub3A = arith.subf %add3A_127, %convert_element_type3A_147 : vector<16xf32>
          %swap3A = arith.constant 0 : i32
          %swap3A_148 = arith.index_cast %swap3A : i32 to index
          %swap3A_149 = arith.index_cast %mul3A_120 : i32 to index
          %swap3A_150 = tpu.vector_load %arg8[%swap3A_148, %swap3A_149] {strides = array<i32>} : memref<3x2048xf32, #tpu.memory_space<vmem>>, vector<1x16xf32>,
          %swap3A_151 = vector.shape_cast %swap3A_150 : vector<1x16xf32> to vector<16xf32>
          %swap3A_152 = vector.shape_cast %sub3A : vector<16xf32> to vector<1x16xf32>
          tpu.vector_store %arg8[%swap3A_148, %swap3A_149], %swap3A_152 {strides = array<i32>} : memref<3x2048xf32, #tpu.memory_space<vmem>>, vector<1x16xf32>,
          %convert_element_type3A_153 = arith.sitofp %convert_element_type3A_145 : vector<16xi32> to vector<16xf32>
          %sub3A_154 = arith.subf %add3A_135, %convert_element_type3A_153 : vector<16xf32>
          %swap3A_155 = arith.constant 1 : i32
          %swap3A_156 = arith.index_cast %swap3A_155 : i32 to index
          %swap3A_157 = arith.index_cast %mul3A_120 : i32 to index
          %swap3A_158 = tpu.vector_load %arg8[%swap3A_156, %swap3A_157] {strides = array<i32>} : memref<3x2048xf32, #tpu.memory_space<vmem>>, vector<1x16xf32>,
          %swap3A_159 = vector.shape_cast %swap3A_158 : vector<1x16xf32> to vector<16xf32>
          %swap3A_160 = vector.shape_cast %sub3A_154 : vector<16xf32> to vector<1x16xf32>
          tpu.vector_store %arg8[%swap3A_156, %swap3A_157], %swap3A_160 {strides = array<i32>} : memref<3x2048xf32, #tpu.memory_space<vmem>>, vector<1x16xf32>,
          %convert_element_type3A_161 = arith.sitofp %convert_element_type3A_146 : vector<16xi32> to vector<16xf32>
          %sub3A_162 = arith.subf %add3A_143, %convert_element_type3A_161 : vector<16xf32>
          %swap3A_163 = arith.constant 2 : i32
          %swap3A_164 = arith.index_cast %swap3A_163 : i32 to index
          %swap3A_165 = arith.index_cast %mul3A_120 : i32 to index
          %swap3A_166 = tpu.vector_load %arg8[%swap3A_164, %swap3A_165] {strides = array<i32>} : memref<3x2048xf32, #tpu.memory_space<vmem>>, vector<1x16xf32>,
          %swap3A_167 = vector.shape_cast %swap3A_166 : vector<1x16xf32> to vector<16xf32>
          %swap3A_168 = vector.shape_cast %sub3A_162 : vector<16xf32> to vector<1x16xf32>
          tpu.vector_store %arg8[%swap3A_164, %swap3A_165], %swap3A_168 {strides = array<i32>} : memref<3x2048xf32, #tpu.memory_space<vmem>>, vector<1x16xf32>,
          %min3A = arith.constant 62 : i32
          %min3A_169 = vector.broadcast %min3A : i32 to vector<16xi32>
          %min3A_170 = arith.minsi %convert_element_type3A_144, %min3A_169 : vector<16xi32>
          %min3A_171 = arith.constant 62 : i32
          %min3A_172 = vector.broadcast %min3A_171 : i32 to vector<16xi32>
          %min3A_173 = arith.minsi %convert_element_type3A_145, %min3A_172 : vector<16xi32>
          %min3A_174 = arith.constant 62 : i32
          %min3A_175 = vector.broadcast %min3A_174 : i32 to vector<16xi32>
          %min3A_176 = arith.minsi %convert_element_type3A_146, %min3A_175 : vector<16xi32>
          %shift_left3A = arith.constant 12 : i32
          %shift_left3A_177 = vector.broadcast %shift_left3A : i32 to vector<16xi32>
          %shift_left3A_178 = arith.shli %min3A_170, %shift_left3A_177 : vector<16xi32>
          %shift_left3A_179 = arith.constant 6 : i32
          %shift_left3A_180 = vector.broadcast %shift_left3A_179 : i32 to vector<16xi32>
          %shift_left3A_181 = arith.shli %min3A_173, %shift_left3A_180 : vector<16xi32>
          %add3A_182 = arith.addi %shift_left3A_178, %shift_left3A_181 : vector<16xi32>
          %add3A_183 = arith.addi %add3A_182, %min3A_176 : vector<16xi32>
          %add3A_184 = vector.broadcast %mul3A_4 : i32 to vector<16xi32>
          %add3A_185 = arith.addi %add3A_183, %add3A_184 : vector<16xi32>
          %add3A_186 = arith.constant 0 : i32
          %add3A_187 = vector.broadcast %add3A_186 : i32 to vector<16xi32>
          %add3A_188 = arith.addi %add3A_185, %add3A_187 : vector<16xi32>
          %add3A_189 = arith.constant 0 : i32
          %add3A_190 = arith.addi %add3A_189, %mul3A_120 : i32
          %swap3A_191 = arith.index_cast %add3A_190 : i32 to index
          %swap3A_192 = tpu.vector_load %arg10[%swap3A_191] {strides = array<i32>} : memref<8192xi32, #tpu.memory_space<vmem>>, vector<16xi32>,
          %swap3A_193 = vector.shape_cast %swap3A_192 : vector<16xi32> to vector<16xi32>
          %swap3A_194 = vector.shape_cast %add3A_188 : vector<16xi32> to vector<16xi32>
          tpu.vector_store %arg10[%swap3A_191], %swap3A_194 {strides = array<i32>} : memref<8192xi32, #tpu.memory_space<vmem>>, vector<16xi32>,
          %add3A_195 = arith.constant 64 : i32
          %add3A_196 = vector.broadcast %add3A_195 : i32 to vector<16xi32>
          %add3A_197 = arith.addi %add3A_185, %add3A_196 : vector<16xi32>
          %add3A_198 = arith.constant 2048 : i32
          %add3A_199 = arith.addi %add3A_198, %mul3A_120 : i32
          %swap3A_200 = arith.index_cast %add3A_199 : i32 to index
          %swap3A_201 = tpu.vector_load %arg10[%swap3A_200] {strides = array<i32>} : memref<8192xi32, #tpu.memory_space<vmem>>, vector<16xi32>,
          %swap3A_202 = vector.shape_cast %swap3A_201 : vector<16xi32> to vector<16xi32>
          %swap3A_203 = vector.shape_cast %add3A_197 : vector<16xi32> to vector<16xi32>
          tpu.vector_store %arg10[%swap3A_200], %swap3A_203 {strides = array<i32>} : memref<8192xi32, #tpu.memory_space<vmem>>, vector<16xi32>,
          %add3A_204 = arith.constant 4096 : i32
          %add3A_205 = vector.broadcast %add3A_204 : i32 to vector<16xi32>
          %add3A_206 = arith.addi %add3A_185, %add3A_205 : vector<16xi32>
          %add3A_207 = arith.constant 4096 : i32
          %add3A_208 = arith.addi %add3A_207, %mul3A_120 : i32
          %swap3A_209 = arith.index_cast %add3A_208 : i32 to index
          %swap3A_210 = tpu.vector_load %arg10[%swap3A_209] {strides = array<i32>} : memref<8192xi32, #tpu.memory_space<vmem>>, vector<16xi32>,
          %swap3A_211 = vector.shape_cast %swap3A_210 : vector<16xi32> to vector<16xi32>
          %swap3A_212 = vector.shape_cast %add3A_206 : vector<16xi32> to vector<16xi32>
          tpu.vector_store %arg10[%swap3A_209], %swap3A_212 {strides = array<i32>} : memref<8192xi32, #tpu.memory_space<vmem>>, vector<16xi32>,
          %add3A_213 = arith.constant 4160 : i32
          %add3A_214 = vector.broadcast %add3A_213 : i32 to vector<16xi32>
          %add3A_215 = arith.addi %add3A_185, %add3A_214 : vector<16xi32>
          %add3A_216 = arith.constant 6144 : i32
          %add3A_217 = arith.addi %add3A_216, %mul3A_120 : i32
          %swap3A_218 = arith.index_cast %add3A_217 : i32 to index
          %swap3A_219 = tpu.vector_load %arg10[%swap3A_218] {strides = array<i32>} : memref<8192xi32, #tpu.memory_space<vmem>>, vector<16xi32>,
          %swap3A_220 = vector.shape_cast %swap3A_219 : vector<16xi32> to vector<16xi32>
          %swap3A_221 = vector.shape_cast %add3A_215 : vector<16xi32> to vector<16xi32>
          tpu.vector_store %arg10[%swap3A_218], %swap3A_221 {strides = array<i32>} : memref<8192xi32, #tpu.memory_space<vmem>>, vector<16xi32>,
          %scan3A_222 = arith.constant 1 : i32
          %scan3A_223 = arith.addi %scan3A_118, %scan3A_222 : i32
          %mul3A_224 = arith.constant 16 : i32
          %mul3A_225 = arith.muli %scan3A_223, %mul3A_224 : i32
          %get3A_226 = arith.constant 0 : i32
          %get3A_227 = arith.index_cast %get3A_226 : i32 to index
          %get3A_228 = arith.index_cast %mul3A_225 : i32 to index
          %get3A_229 = tpu.vector_load %arg6[%get3A_227, %get3A_228] {strides = array<i32>} : memref<3x2048xf32, #tpu.memory_space<vmem>>, vector<1x16xf32>,
          %get3A_230 = vector.shape_cast %get3A_229 : vector<1x16xf32> to vector<16xf32>
          %add3A_231 = arith.constant 3.200000e+01 : f32
          %add3A_232 = vector.broadcast %add3A_231 : f32 to vector<16xf32>
          %add3A_233 = arith.addf %get3A_230, %add3A_232 : vector<16xf32>
          %get3A_234 = arith.constant 1 : i32
          %get3A_235 = arith.index_cast %get3A_234 : i32 to index
          %get3A_236 = arith.index_cast %mul3A_225 : i32 to index
          %get3A_237 = tpu.vector_load %arg6[%get3A_235, %get3A_236] {strides = array<i32>} : memref<3x2048xf32, #tpu.memory_space<vmem>>, vector<1x16xf32>,
          %get3A_238 = vector.shape_cast %get3A_237 : vector<1x16xf32> to vector<16xf32>
          %add3A_239 = arith.constant 3.200000e+01 : f32
          %add3A_240 = vector.broadcast %add3A_239 : f32 to vector<16xf32>
          %add3A_241 = arith.addf %get3A_238, %add3A_240 : vector<16xf32>
          %get3A_242 = arith.constant 2 : i32
          %get3A_243 = arith.index_cast %get3A_242 : i32 to index
          %get3A_244 = arith.index_cast %mul3A_225 : i32 to index
          %get3A_245 = tpu.vector_load %arg6[%get3A_243, %get3A_244] {strides = array<i32>} : memref<3x2048xf32, #tpu.memory_space<vmem>>, vector<1x16xf32>,
          %get3A_246 = vector.shape_cast %get3A_245 : vector<1x16xf32> to vector<16xf32>
          %add3A_247 = arith.constant 3.200000e+01 : f32
          %add3A_248 = vector.broadcast %add3A_247 : f32 to vector<16xf32>
          %add3A_249 = arith.addf %get3A_246, %add3A_248 : vector<16xf32>
          %convert_element_type3A_250 = arith.fptosi %add3A_233 : vector<16xf32> to vector<16xi32>
          %convert_element_type3A_251 = arith.fptosi %add3A_241 : vector<16xf32> to vector<16xi32>
          %convert_element_type3A_252 = arith.fptosi %add3A_249 : vector<16xf32> to vector<16xi32>
          %convert_element_type3A_253 = arith.sitofp %convert_element_type3A_250 : vector<16xi32> to vector<16xf32>
          %sub3A_254 = arith.subf %add3A_233, %convert_element_type3A_253 : vector<16xf32>
          %swap3A_255 = arith.constant 0 : i32
          %swap3A_256 = arith.index_cast %swap3A_255 : i32 to index
          %swap3A_257 = arith.index_cast %mul3A_225 : i32 to index
          %swap3A_258 = tpu.vector_load %arg8[%swap3A_256, %swap3A_257] {strides = array<i32>} : memref<3x2048xf32, #tpu.memory_space<vmem>>, vector<1x16xf32>,
          %swap3A_259 = vector.shape_cast %swap3A_258 : vector<1x16xf32> to vector<16xf32>
          %swap3A_260 = vector.shape_cast %sub3A_254 : vector<16xf32> to vector<1x16xf32>
          tpu.vector_store %arg8[%swap3A_256, %swap3A_257], %swap3A_260 {strides = array<i32>} : memref<3x2048xf32, #tpu.memory_space<vmem>>, vector<1x16xf32>,
          %convert_element_type3A_261 = arith.sitofp %convert_element_type3A_251 : vector<16xi32> to vector<16xf32>
          %sub3A_262 = arith.subf %add3A_241, %convert_element_type3A_261 : vector<16xf32>
          %swap3A_263 = arith.constant 1 : i32
          %swap3A_264 = arith.index_cast %swap3A_263 : i32 to index
          %swap3A_265 = arith.index_cast %mul3A_225 : i32 to index
          %swap3A_266 = tpu.vector_load %arg8[%swap3A_264, %swap3A_265] {strides = array<i32>} : memref<3x2048xf32, #tpu.memory_space<vmem>>, vector<1x16xf32>,
          %swap3A_267 = vector.shape_cast %swap3A_266 : vector<1x16xf32> to vector<16xf32>
          %swap3A_268 = vector.shape_cast %sub3A_262 : vector<16xf32> to vector<1x16xf32>
          tpu.vector_store %arg8[%swap3A_264, %swap3A_265], %swap3A_268 {strides = array<i32>} : memref<3x2048xf32, #tpu.memory_space<vmem>>, vector<1x16xf32>,
          %convert_element_type3A_269 = arith.sitofp %convert_element_type3A_252 : vector<16xi32> to vector<16xf32>
          %sub3A_270 = arith.subf %add3A_249, %convert_element_type3A_269 : vector<16xf32>
          %swap3A_271 = arith.constant 2 : i32
          %swap3A_272 = arith.index_cast %swap3A_271 : i32 to index
          %swap3A_273 = arith.index_cast %mul3A_225 : i32 to index
          %swap3A_274 = tpu.vector_load %arg8[%swap3A_272, %swap3A_273] {strides = array<i32>} : memref<3x2048xf32, #tpu.memory_space<vmem>>, vector<1x16xf32>,
          %swap3A_275 = vector.shape_cast %swap3A_274 : vector<1x16xf32> to vector<16xf32>
          %swap3A_276 = vector.shape_cast %sub3A_270 : vector<16xf32> to vector<1x16xf32>
          tpu.vector_store %arg8[%swap3A_272, %swap3A_273], %swap3A_276 {strides = array<i32>} : memref<3x2048xf32, #tpu.memory_space<vmem>>, vector<1x16xf32>,
          %min3A_277 = arith.constant 62 : i32
          %min3A_278 = vector.broadcast %min3A_277 : i32 to vector<16xi32>
          %min3A_279 = arith.minsi %convert_element_type3A_250, %min3A_278 : vector<16xi32>
          %min3A_280 = arith.constant 62 : i32
          %min3A_281 = vector.broadcast %min3A_280 : i32 to vector<16xi32>
          %min3A_282 = arith.minsi %convert_element_type3A_251, %min3A_281 : vector<16xi32>
          %min3A_283 = arith.constant 62 : i32
          %min3A_284 = vector.broadcast %min3A_283 : i32 to vector<16xi32>
          %min3A_285 = arith.minsi %convert_element_type3A_252, %min3A_284 : vector<16xi32>
          %shift_left3A_286 = arith.constant 12 : i32
          %shift_left3A_287 = vector.broadcast %shift_left3A_286 : i32 to vector<16xi32>
          %shift_left3A_288 = arith.shli %min3A_279, %shift_left3A_287 : vector<16xi32>
          %shift_left3A_289 = arith.constant 6 : i32
          %shift_left3A_290 = vector.broadcast %shift_left3A_289 : i32 to vector<16xi32>
          %shift_left3A_291 = arith.shli %min3A_282, %shift_left3A_290 : vector<16xi32>
          %add3A_292 = arith.addi %shift_left3A_288, %shift_left3A_291 : vector<16xi32>
          %add3A_293 = arith.addi %add3A_292, %min3A_285 : vector<16xi32>
          %add3A_294 = vector.broadcast %mul3A_4 : i32 to vector<16xi32>
          %add3A_295 = arith.addi %add3A_293, %add3A_294 : vector<16xi32>
          %add3A_296 = arith.constant 0 : i32
          %add3A_297 = vector.broadcast %add3A_296 : i32 to vector<16xi32>
          %add3A_298 = arith.addi %add3A_295, %add3A_297 : vector<16xi32>
          %add3A_299 = arith.constant 0 : i32
          %add3A_300 = arith.addi %add3A_299, %mul3A_225 : i32
          %swap3A_301 = arith.index_cast %add3A_300 : i32 to index
          %swap3A_302 = tpu.vector_load %arg10[%swap3A_301] {strides = array<i32>} : memref<8192xi32, #tpu.memory_space<vmem>>, vector<16xi32>,
          %swap3A_303 = vector.shape_cast %swap3A_302 : vector<16xi32> to vector<16xi32>
          %swap3A_304 = vector.shape_cast %add3A_298 : vector<16xi32> to vector<16xi32>
          tpu.vector_store %arg10[%swap3A_301], %swap3A_304 {strides = array<i32>} : memref<8192xi32, #tpu.memory_space<vmem>>, vector<16xi32>,
          %add3A_305 = arith.constant 64 : i32
          %add3A_306 = vector.broadcast %add3A_305 : i32 to vector<16xi32>
          %add3A_307 = arith.addi %add3A_295, %add3A_306 : vector<16xi32>
          %add3A_308 = arith.constant 2048 : i32
          %add3A_309 = arith.addi %add3A_308, %mul3A_225 : i32
          %swap3A_310 = arith.index_cast %add3A_309 : i32 to index
          %swap3A_311 = tpu.vector_load %arg10[%swap3A_310] {strides = array<i32>} : memref<8192xi32, #tpu.memory_space<vmem>>, vector<16xi32>,
          %swap3A_312 = vector.shape_cast %swap3A_311 : vector<16xi32> to vector<16xi32>
          %swap3A_313 = vector.shape_cast %add3A_307 : vector<16xi32> to vector<16xi32>
          tpu.vector_store %arg10[%swap3A_310], %swap3A_313 {strides = array<i32>} : memref<8192xi32, #tpu.memory_space<vmem>>, vector<16xi32>,
          %add3A_314 = arith.constant 4096 : i32
          %add3A_315 = vector.broadcast %add3A_314 : i32 to vector<16xi32>
          %add3A_316 = arith.addi %add3A_295, %add3A_315 : vector<16xi32>
          %add3A_317 = arith.constant 4096 : i32
          %add3A_318 = arith.addi %add3A_317, %mul3A_225 : i32
          %swap3A_319 = arith.index_cast %add3A_318 : i32 to index
          %swap3A_320 = tpu.vector_load %arg10[%swap3A_319] {strides = array<i32>} : memref<8192xi32, #tpu.memory_space<vmem>>, vector<16xi32>,
          %swap3A_321 = vector.shape_cast %swap3A_320 : vector<16xi32> to vector<16xi32>
          %swap3A_322 = vector.shape_cast %add3A_316 : vector<16xi32> to vector<16xi32>
          tpu.vector_store %arg10[%swap3A_319], %swap3A_322 {strides = array<i32>} : memref<8192xi32, #tpu.memory_space<vmem>>, vector<16xi32>,
          %add3A_323 = arith.constant 4160 : i32
          %add3A_324 = vector.broadcast %add3A_323 : i32 to vector<16xi32>
          %add3A_325 = arith.addi %add3A_295, %add3A_324 : vector<16xi32>
          %add3A_326 = arith.constant 6144 : i32
          %add3A_327 = arith.addi %add3A_326, %mul3A_225 : i32
          %swap3A_328 = arith.index_cast %add3A_327 : i32 to index
          %swap3A_329 = tpu.vector_load %arg10[%swap3A_328] {strides = array<i32>} : memref<8192xi32, #tpu.memory_space<vmem>>, vector<16xi32>,
          %swap3A_330 = vector.shape_cast %swap3A_329 : vector<16xi32> to vector<16xi32>
          %swap3A_331 = vector.shape_cast %add3A_325 : vector<16xi32> to vector<16xi32>
          tpu.vector_store %arg10[%swap3A_328], %swap3A_331 {strides = array<i32>} : memref<8192xi32, #tpu.memory_space<vmem>>, vector<16xi32>,
          %scan3A_332 = arith.constant 2 : i32
          %scan3A_333 = arith.addi %scan3A_118, %scan3A_332 : i32
          %mul3A_334 = arith.constant 16 : i32
          %mul3A_335 = arith.muli %scan3A_333, %mul3A_334 : i32
          %get3A_336 = arith.constant 0 : i32
          %get3A_337 = arith.index_cast %get3A_336 : i32 to index
          %get3A_338 = arith.index_cast %mul3A_335 : i32 to index
          %get3A_339 = tpu.vector_load %arg6[%get3A_337, %get3A_338] {strides = array<i32>} : memref<3x2048xf32, #tpu.memory_space<vmem>>, vector<1x16xf32>,
          %get3A_340 = vector.shape_cast %get3A_339 : vector<1x16xf32> to vector<16xf32>
          %add3A_341 = arith.constant 3.200000e+01 : f32
          %add3A_342 = vector.broadcast %add3A_341 : f32 to vector<16xf32>
          %add3A_343 = arith.addf %get3A_340, %add3A_342 : vector<16xf32>
          %get3A_344 = arith.constant 1 : i32
          %get3A_345 = arith.index_cast %get3A_344 : i32 to index
          %get3A_346 = arith.index_cast %mul3A_335 : i32 to index
          %get3A_347 = tpu.vector_load %arg6[%get3A_345, %get3A_346] {strides = array<i32>} : memref<3x2048xf32, #tpu.memory_space<vmem>>, vector<1x16xf32>,
          %get3A_348 = vector.shape_cast %get3A_347 : vector<1x16xf32> to vector<16xf32>
          %add3A_349 = arith.constant 3.200000e+01 : f32
          %add3A_350 = vector.broadcast %add3A_349 : f32 to vector<16xf32>
          %add3A_351 = arith.addf %get3A_348, %add3A_350 : vector<16xf32>
          %get3A_352 = arith.constant 2 : i32
          %get3A_353 = arith.index_cast %get3A_352 : i32 to index
          %get3A_354 = arith.index_cast %mul3A_335 : i32 to index
          %get3A_355 = tpu.vector_load %arg6[%get3A_353, %get3A_354] {strides = array<i32>} : memref<3x2048xf32, #tpu.memory_space<vmem>>, vector<1x16xf32>,
          %get3A_356 = vector.shape_cast %get3A_355 : vector<1x16xf32> to vector<16xf32>
          %add3A_357 = arith.constant 3.200000e+01 : f32
          %add3A_358 = vector.broadcast %add3A_357 : f32 to vector<16xf32>
          %add3A_359 = arith.addf %get3A_356, %add3A_358 : vector<16xf32>
          %convert_element_type3A_360 = arith.fptosi %add3A_343 : vector<16xf32> to vector<16xi32>
          %convert_element_type3A_361 = arith.fptosi %add3A_351 : vector<16xf32> to vector<16xi32>
          %convert_element_type3A_362 = arith.fptosi %add3A_359 : vector<16xf32> to vector<16xi32>
          %convert_element_type3A_363 = arith.sitofp %convert_element_type3A_360 : vector<16xi32> to vector<16xf32>
          %sub3A_364 = arith.subf %add3A_343, %convert_element_type3A_363 : vector<16xf32>
          %swap3A_365 = arith.constant 0 : i32
          %swap3A_366 = arith.index_cast %swap3A_365 : i32 to index
          %swap3A_367 = arith.index_cast %mul3A_335 : i32 to index
          %swap3A_368 = tpu.vector_load %arg8[%swap3A_366, %swap3A_367] {strides = array<i32>} : memref<3x2048xf32, #tpu.memory_space<vmem>>, vector<1x16xf32>,
          %swap3A_369 = vector.shape_cast %swap3A_368 : vector<1x16xf32> to vector<16xf32>
          %swap3A_370 = vector.shape_cast %sub3A_364 : vector<16xf32> to vector<1x16xf32>
          tpu.vector_store %arg8[%swap3A_366, %swap3A_367], %swap3A_370 {strides = array<i32>} : memref<3x2048xf32, #tpu.memory_space<vmem>>, vector<1x16xf32>,
          %convert_element_type3A_371 = arith.sitofp %convert_element_type3A_361 : vector<16xi32> to vector<16xf32>
          %sub3A_372 = arith.subf %add3A_351, %convert_element_type3A_371 : vector<16xf32>
          %swap3A_373 = arith.constant 1 : i32
          %swap3A_374 = arith.index_cast %swap3A_373 : i32 to index
          %swap3A_375 = arith.index_cast %mul3A_335 : i32 to index
          %swap3A_376 = tpu.vector_load %arg8[%swap3A_374, %swap3A_375] {strides = array<i32>} : memref<3x2048xf32, #tpu.memory_space<vmem>>, vector<1x16xf32>,
          %swap3A_377 = vector.shape_cast %swap3A_376 : vector<1x16xf32> to vector<16xf32>
          %swap3A_378 = vector.shape_cast %sub3A_372 : vector<16xf32> to vector<1x16xf32>
          tpu.vector_store %arg8[%swap3A_374, %swap3A_375], %swap3A_378 {strides = array<i32>} : memref<3x2048xf32, #tpu.memory_space<vmem>>, vector<1x16xf32>,
          %convert_element_type3A_379 = arith.sitofp %convert_element_type3A_362 : vector<16xi32> to vector<16xf32>
          %sub3A_380 = arith.subf %add3A_359, %convert_element_type3A_379 : vector<16xf32>
          %swap3A_381 = arith.constant 2 : i32
          %swap3A_382 = arith.index_cast %swap3A_381 : i32 to index
          %swap3A_383 = arith.index_cast %mul3A_335 : i32 to index
          %swap3A_384 = tpu.vector_load %arg8[%swap3A_382, %swap3A_383] {strides = array<i32>} : memref<3x2048xf32, #tpu.memory_space<vmem>>, vector<1x16xf32>,
          %swap3A_385 = vector.shape_cast %swap3A_384 : vector<1x16xf32> to vector<16xf32>
          %swap3A_386 = vector.shape_cast %sub3A_380 : vector<16xf32> to vector<1x16xf32>
          tpu.vector_store %arg8[%swap3A_382, %swap3A_383], %swap3A_386 {strides = array<i32>} : memref<3x2048xf32, #tpu.memory_space<vmem>>, vector<1x16xf32>,
          %min3A_387 = arith.constant 62 : i32
          %min3A_388 = vector.broadcast %min3A_387 : i32 to vector<16xi32>
          %min3A_389 = arith.minsi %convert_element_type3A_360, %min3A_388 : vector<16xi32>
          %min3A_390 = arith.constant 62 : i32
          %min3A_391 = vector.broadcast %min3A_390 : i32 to vector<16xi32>
          %min3A_392 = arith.minsi %convert_element_type3A_361, %min3A_391 : vector<16xi32>
          %min3A_393 = arith.constant 62 : i32
          %min3A_394 = vector.broadcast %min3A_393 : i32 to vector<16xi32>
          %min3A_395 = arith.minsi %convert_element_type3A_362, %min3A_394 : vector<16xi32>
          %shift_left3A_396 = arith.constant 12 : i32
          %shift_left3A_397 = vector.broadcast %shift_left3A_396 : i32 to vector<16xi32>
          %shift_left3A_398 = arith.shli %min3A_389, %shift_left3A_397 : vector<16xi32>
          %shift_left3A_399 = arith.constant 6 : i32
          %shift_left3A_400 = vector.broadcast %shift_left3A_399 : i32 to vector<16xi32>
          %shift_left3A_401 = arith.shli %min3A_392, %shift_left3A_400 : vector<16xi32>
          %add3A_402 = arith.addi %shift_left3A_398, %shift_left3A_401 : vector<16xi32>
          %add3A_403 = arith.addi %add3A_402, %min3A_395 : vector<16xi32>
          %add3A_404 = vector.broadcast %mul3A_4 : i32 to vector<16xi32>
          %add3A_405 = arith.addi %add3A_403, %add3A_404 : vector<16xi32>
          %add3A_406 = arith.constant 0 : i32
          %add3A_407 = vector.broadcast %add3A_406 : i32 to vector<16xi32>
          %add3A_408 = arith.addi %add3A_405, %add3A_407 : vector<16xi32>
          %add3A_409 = arith.constant 0 : i32
          %add3A_410 = arith.addi %add3A_409, %mul3A_335 : i32
          %swap3A_411 = arith.index_cast %add3A_410 : i32 to index
          %swap3A_412 = tpu.vector_load %arg10[%swap3A_411] {strides = array<i32>} : memref<8192xi32, #tpu.memory_space<vmem>>, vector<16xi32>,
          %swap3A_413 = vector.shape_cast %swap3A_412 : vector<16xi32> to vector<16xi32>
          %swap3A_414 = vector.shape_cast %add3A_408 : vector<16xi32> to vector<16xi32>
          tpu.vector_store %arg10[%swap3A_411], %swap3A_414 {strides = array<i32>} : memref<8192xi32, #tpu.memory_space<vmem>>, vector<16xi32>,
          %add3A_415 = arith.constant 64 : i32
          %add3A_416 = vector.broadcast %add3A_415 : i32 to vector<16xi32>
          %add3A_417 = arith.addi %add3A_405, %add3A_416 : vector<16xi32>
          %add3A_418 = arith.constant 2048 : i32
          %add3A_419 = arith.addi %add3A_418, %mul3A_335 : i32
          %swap3A_420 = arith.index_cast %add3A_419 : i32 to index
          %swap3A_421 = tpu.vector_load %arg10[%swap3A_420] {strides = array<i32>} : memref<8192xi32, #tpu.memory_space<vmem>>, vector<16xi32>,
          %swap3A_422 = vector.shape_cast %swap3A_421 : vector<16xi32> to vector<16xi32>
          %swap3A_423 = vector.shape_cast %add3A_417 : vector<16xi32> to vector<16xi32>
          tpu.vector_store %arg10[%swap3A_420], %swap3A_423 {strides = array<i32>} : memref<8192xi32, #tpu.memory_space<vmem>>, vector<16xi32>,
          %add3A_424 = arith.constant 4096 : i32
          %add3A_425 = vector.broadcast %add3A_424 : i32 to vector<16xi32>
          %add3A_426 = arith.addi %add3A_405, %add3A_425 : vector<16xi32>
          %add3A_427 = arith.constant 4096 : i32
          %add3A_428 = arith.addi %add3A_427, %mul3A_335 : i32
          %swap3A_429 = arith.index_cast %add3A_428 : i32 to index
          %swap3A_430 = tpu.vector_load %arg10[%swap3A_429] {strides = array<i32>} : memref<8192xi32, #tpu.memory_space<vmem>>, vector<16xi32>,
          %swap3A_431 = vector.shape_cast %swap3A_430 : vector<16xi32> to vector<16xi32>
          %swap3A_432 = vector.shape_cast %add3A_426 : vector<16xi32> to vector<16xi32>
          tpu.vector_store %arg10[%swap3A_429], %swap3A_432 {strides = array<i32>} : memref<8192xi32, #tpu.memory_space<vmem>>, vector<16xi32>,
          %add3A_433 = arith.constant 4160 : i32
          %add3A_434 = vector.broadcast %add3A_433 : i32 to vector<16xi32>
          %add3A_435 = arith.addi %add3A_405, %add3A_434 : vector<16xi32>
          %add3A_436 = arith.constant 6144 : i32
          %add3A_437 = arith.addi %add3A_436, %mul3A_335 : i32
          %swap3A_438 = arith.index_cast %add3A_437 : i32 to index
          %swap3A_439 = tpu.vector_load %arg10[%swap3A_438] {strides = array<i32>} : memref<8192xi32, #tpu.memory_space<vmem>>, vector<16xi32>,
          %swap3A_440 = vector.shape_cast %swap3A_439 : vector<16xi32> to vector<16xi32>
          %swap3A_441 = vector.shape_cast %add3A_435 : vector<16xi32> to vector<16xi32>
          tpu.vector_store %arg10[%swap3A_438], %swap3A_441 {strides = array<i32>} : memref<8192xi32, #tpu.memory_space<vmem>>, vector<16xi32>,
          %scan3A_442 = arith.constant 3 : i32
          %scan3A_443 = arith.addi %scan3A_118, %scan3A_442 : i32
          %mul3A_444 = arith.constant 16 : i32
          %mul3A_445 = arith.muli %scan3A_443, %mul3A_444 : i32
          %get3A_446 = arith.constant 0 : i32
          %get3A_447 = arith.index_cast %get3A_446 : i32 to index
          %get3A_448 = arith.index_cast %mul3A_445 : i32 to index
          %get3A_449 = tpu.vector_load %arg6[%get3A_447, %get3A_448] {strides = array<i32>} : memref<3x2048xf32, #tpu.memory_space<vmem>>, vector<1x16xf32>,
          %get3A_450 = vector.shape_cast %get3A_449 : vector<1x16xf32> to vector<16xf32>
          %add3A_451 = arith.constant 3.200000e+01 : f32
          %add3A_452 = vector.broadcast %add3A_451 : f32 to vector<16xf32>
          %add3A_453 = arith.addf %get3A_450, %add3A_452 : vector<16xf32>
          %get3A_454 = arith.constant 1 : i32
          %get3A_455 = arith.index_cast %get3A_454 : i32 to index
          %get3A_456 = arith.index_cast %mul3A_445 : i32 to index
          %get3A_457 = tpu.vector_load %arg6[%get3A_455, %get3A_456] {strides = array<i32>} : memref<3x2048xf32, #tpu.memory_space<vmem>>, vector<1x16xf32>,
          %get3A_458 = vector.shape_cast %get3A_457 : vector<1x16xf32> to vector<16xf32>
          %add3A_459 = arith.constant 3.200000e+01 : f32
          %add3A_460 = vector.broadcast %add3A_459 : f32 to vector<16xf32>
          %add3A_461 = arith.addf %get3A_458, %add3A_460 : vector<16xf32>
          %get3A_462 = arith.constant 2 : i32
          %get3A_463 = arith.index_cast %get3A_462 : i32 to index
          %get3A_464 = arith.index_cast %mul3A_445 : i32 to index
          %get3A_465 = tpu.vector_load %arg6[%get3A_463, %get3A_464] {strides = array<i32>} : memref<3x2048xf32, #tpu.memory_space<vmem>>, vector<1x16xf32>,
          %get3A_466 = vector.shape_cast %get3A_465 : vector<1x16xf32> to vector<16xf32>
          %add3A_467 = arith.constant 3.200000e+01 : f32
          %add3A_468 = vector.broadcast %add3A_467 : f32 to vector<16xf32>
          %add3A_469 = arith.addf %get3A_466, %add3A_468 : vector<16xf32>
          %convert_element_type3A_470 = arith.fptosi %add3A_453 : vector<16xf32> to vector<16xi32>
          %convert_element_type3A_471 = arith.fptosi %add3A_461 : vector<16xf32> to vector<16xi32>
          %convert_element_type3A_472 = arith.fptosi %add3A_469 : vector<16xf32> to vector<16xi32>
          %convert_element_type3A_473 = arith.sitofp %convert_element_type3A_470 : vector<16xi32> to vector<16xf32>
          %sub3A_474 = arith.subf %add3A_453, %convert_element_type3A_473 : vector<16xf32>
          %swap3A_475 = arith.constant 0 : i32
          %swap3A_476 = arith.index_cast %swap3A_475 : i32 to index
          %swap3A_477 = arith.index_cast %mul3A_445 : i32 to index
          %swap3A_478 = tpu.vector_load %arg8[%swap3A_476, %swap3A_477] {strides = array<i32>} : memref<3x2048xf32, #tpu.memory_space<vmem>>, vector<1x16xf32>,
          %swap3A_479 = vector.shape_cast %swap3A_478 : vector<1x16xf32> to vector<16xf32>
          %swap3A_480 = vector.shape_cast %sub3A_474 : vector<16xf32> to vector<1x16xf32>
          tpu.vector_store %arg8[%swap3A_476, %swap3A_477], %swap3A_480 {strides = array<i32>} : memref<3x2048xf32, #tpu.memory_space<vmem>>, vector<1x16xf32>,
          %convert_element_type3A_481 = arith.sitofp %convert_element_type3A_471 : vector<16xi32> to vector<16xf32>
          %sub3A_482 = arith.subf %add3A_461, %convert_element_type3A_481 : vector<16xf32>
          %swap3A_483 = arith.constant 1 : i32
          %swap3A_484 = arith.index_cast %swap3A_483 : i32 to index
          %swap3A_485 = arith.index_cast %mul3A_445 : i32 to index
          %swap3A_486 = tpu.vector_load %arg8[%swap3A_484, %swap3A_485] {strides = array<i32>} : memref<3x2048xf32, #tpu.memory_space<vmem>>, vector<1x16xf32>,
          %swap3A_487 = vector.shape_cast %swap3A_486 : vector<1x16xf32> to vector<16xf32>
          %swap3A_488 = vector.shape_cast %sub3A_482 : vector<16xf32> to vector<1x16xf32>
          tpu.vector_store %arg8[%swap3A_484, %swap3A_485], %swap3A_488 {strides = array<i32>} : memref<3x2048xf32, #tpu.memory_space<vmem>>, vector<1x16xf32>,
          %convert_element_type3A_489 = arith.sitofp %convert_element_type3A_472 : vector<16xi32> to vector<16xf32>
          %sub3A_490 = arith.subf %add3A_469, %convert_element_type3A_489 : vector<16xf32>
          %swap3A_491 = arith.constant 2 : i32
          %swap3A_492 = arith.index_cast %swap3A_491 : i32 to index
          %swap3A_493 = arith.index_cast %mul3A_445 : i32 to index
          %swap3A_494 = tpu.vector_load %arg8[%swap3A_492, %swap3A_493] {strides = array<i32>} : memref<3x2048xf32, #tpu.memory_space<vmem>>, vector<1x16xf32>,
          %swap3A_495 = vector.shape_cast %swap3A_494 : vector<1x16xf32> to vector<16xf32>
          %swap3A_496 = vector.shape_cast %sub3A_490 : vector<16xf32> to vector<1x16xf32>
          tpu.vector_store %arg8[%swap3A_492, %swap3A_493], %swap3A_496 {strides = array<i32>} : memref<3x2048xf32, #tpu.memory_space<vmem>>, vector<1x16xf32>,
          %min3A_497 = arith.constant 62 : i32
          %min3A_498 = vector.broadcast %min3A_497 : i32 to vector<16xi32>
          %min3A_499 = arith.minsi %convert_element_type3A_470, %min3A_498 : vector<16xi32>
          %min3A_500 = arith.constant 62 : i32
          %min3A_501 = vector.broadcast %min3A_500 : i32 to vector<16xi32>
          %min3A_502 = arith.minsi %convert_element_type3A_471, %min3A_501 : vector<16xi32>
          %min3A_503 = arith.constant 62 : i32
          %min3A_504 = vector.broadcast %min3A_503 : i32 to vector<16xi32>
          %min3A_505 = arith.minsi %convert_element_type3A_472, %min3A_504 : vector<16xi32>
          %shift_left3A_506 = arith.constant 12 : i32
          %shift_left3A_507 = vector.broadcast %shift_left3A_506 : i32 to vector<16xi32>
          %shift_left3A_508 = arith.shli %min3A_499, %shift_left3A_507 : vector<16xi32>
          %shift_left3A_509 = arith.constant 6 : i32
          %shift_left3A_510 = vector.broadcast %shift_left3A_509 : i32 to vector<16xi32>
          %shift_left3A_511 = arith.shli %min3A_502, %shift_left3A_510 : vector<16xi32>
          %add3A_512 = arith.addi %shift_left3A_508, %shift_left3A_511 : vector<16xi32>
          %add3A_513 = arith.addi %add3A_512, %min3A_505 : vector<16xi32>
          %add3A_514 = vector.broadcast %mul3A_4 : i32 to vector<16xi32>
          %add3A_515 = arith.addi %add3A_513, %add3A_514 : vector<16xi32>
          %add3A_516 = arith.constant 0 : i32
          %add3A_517 = vector.broadcast %add3A_516 : i32 to vector<16xi32>
          %add3A_518 = arith.addi %add3A_515, %add3A_517 : vector<16xi32>
          %add3A_519 = arith.constant 0 : i32
          %add3A_520 = arith.addi %add3A_519, %mul3A_445 : i32
          %swap3A_521 = arith.index_cast %add3A_520 : i32 to index
          %swap3A_522 = tpu.vector_load %arg10[%swap3A_521] {strides = array<i32>} : memref<8192xi32, #tpu.memory_space<vmem>>, vector<16xi32>,
          %swap3A_523 = vector.shape_cast %swap3A_522 : vector<16xi32> to vector<16xi32>
          %swap3A_524 = vector.shape_cast %add3A_518 : vector<16xi32> to vector<16xi32>
          tpu.vector_store %arg10[%swap3A_521], %swap3A_524 {strides = array<i32>} : memref<8192xi32, #tpu.memory_space<vmem>>, vector<16xi32>,
          %add3A_525 = arith.constant 64 : i32
          %add3A_526 = vector.broadcast %add3A_525 : i32 to vector<16xi32>
          %add3A_527 = arith.addi %add3A_515, %add3A_526 : vector<16xi32>
          %add3A_528 = arith.constant 2048 : i32
          %add3A_529 = arith.addi %add3A_528, %mul3A_445 : i32
          %swap3A_530 = arith.index_cast %add3A_529 : i32 to index
          %swap3A_531 = tpu.vector_load %arg10[%swap3A_530] {strides = array<i32>} : memref<8192xi32, #tpu.memory_space<vmem>>, vector<16xi32>,
          %swap3A_532 = vector.shape_cast %swap3A_531 : vector<16xi32> to vector<16xi32>
          %swap3A_533 = vector.shape_cast %add3A_527 : vector<16xi32> to vector<16xi32>
          tpu.vector_store %arg10[%swap3A_530], %swap3A_533 {strides = array<i32>} : memref<8192xi32, #tpu.memory_space<vmem>>, vector<16xi32>,
          %add3A_534 = arith.constant 4096 : i32
          %add3A_535 = vector.broadcast %add3A_534 : i32 to vector<16xi32>
          %add3A_536 = arith.addi %add3A_515, %add3A_535 : vector<16xi32>
          %add3A_537 = arith.constant 4096 : i32
          %add3A_538 = arith.addi %add3A_537, %mul3A_445 : i32
          %swap3A_539 = arith.index_cast %add3A_538 : i32 to index
          %swap3A_540 = tpu.vector_load %arg10[%swap3A_539] {strides = array<i32>} : memref<8192xi32, #tpu.memory_space<vmem>>, vector<16xi32>,
          %swap3A_541 = vector.shape_cast %swap3A_540 : vector<16xi32> to vector<16xi32>
          %swap3A_542 = vector.shape_cast %add3A_536 : vector<16xi32> to vector<16xi32>
          tpu.vector_store %arg10[%swap3A_539], %swap3A_542 {strides = array<i32>} : memref<8192xi32, #tpu.memory_space<vmem>>, vector<16xi32>,
          %add3A_543 = arith.constant 4160 : i32
          %add3A_544 = vector.broadcast %add3A_543 : i32 to vector<16xi32>
          %add3A_545 = arith.addi %add3A_515, %add3A_544 : vector<16xi32>
          %add3A_546 = arith.constant 6144 : i32
          %add3A_547 = arith.addi %add3A_546, %mul3A_445 : i32
          %swap3A_548 = arith.index_cast %add3A_547 : i32 to index
          %swap3A_549 = tpu.vector_load %arg10[%swap3A_548] {strides = array<i32>} : memref<8192xi32, #tpu.memory_space<vmem>>, vector<16xi32>,
          %swap3A_550 = vector.shape_cast %swap3A_549 : vector<16xi32> to vector<16xi32>
          %swap3A_551 = vector.shape_cast %add3A_545 : vector<16xi32> to vector<16xi32>
          tpu.vector_store %arg10[%swap3A_548], %swap3A_551 {strides = array<i32>} : memref<8192xi32, #tpu.memory_space<vmem>>, vector<16xi32>,
        }
        %scan3A_115 = arith.constant 128 : i32
        %dma_start3A_116 = arith.constant 0 : i32
        %dma_start3A_117 = tpu.memref_slice %arg2[%dma_start3A_116] : memref<8388608xi32, #tpu.memory_space<hbm>> -> memref<8388608xi32, #tpu.memory_space<hbm>>
        tpu.enqueue_indirect_dma source(%dma_start3A_117 : memref<8388608xi32, #tpu.memory_space<hbm>>) target(%arg12 : memref<8192xi32, #tpu.memory_space<vmem>>) offsets(%arg10 : memref<8192xi32, #tpu.memory_space<vmem>>) semaphore(%arg18 : memref<!tpu.dma_semaphore, #tpu.memory_space<semaphore_mem>>)
      } else {
      }
      %add3A_47 = arith.constant 2 : i32
      %add3A_48 = arith.addi %mul3A_42, %add3A_47 : i32
      %lt3A_49 = arith.constant 32 : i32
      %lt3A_50 = arith.cmpi slt, %add3A_48, %lt3A_49 : i32
      %convert_element_type3A_51 = arith.extui %lt3A_50 : i1 to i32
      %cond3A_52 = arith.constant 0 : i32
      %cond3A_53 = arith.cmpi ne, %convert_element_type3A_51, %cond3A_52 : i32
      scf.if %cond3A_53 {
        %add3A_105 = arith.constant 2 : i32
        %add3A_106 = arith.addi %mul3A_42, %add3A_105 : i32
        %mul3A_107 = arith.constant 2048 : i32
        %mul3A_108 = arith.muli %add3A_106, %mul3A_107 : i32
        %add3A_109 = arith.addi %mul3A_2, %mul3A_108 : i32
        %dma_start3A_110 = arith.constant 0 : i32
        %dma_start3A_111 = tpu.memref_slice %arg3[%dma_start3A_110, %add3A_109] : memref<3x2097152xf32, #tpu.memory_space<hbm>> -> memref<3x2048xf32, #tpu.memory_space<hbm>>
        %dma_start3A_112 = arith.constant 0 : i32
        %dma_start3A_113 = tpu.memref_slice %arg3[%dma_start3A_112, %add3A_109] : memref<3x2097152xf32, #tpu.memory_space<hbm>> -> memref<3x2048xf32, #tpu.memory_space<hbm>>
        tpu.enqueue_dma source(%dma_start3A_113 : memref<3x2048xf32, #tpu.memory_space<hbm>>) target(%arg5 : memref<3x2048xf32, #tpu.memory_space<vmem>>) target_semaphore(%arg15 : memref<!tpu.dma_semaphore, #tpu.memory_space<semaphore_mem>>)
      } else {
      }
      %ge3A = arith.constant 2 : i32
      %ge3A_54 = arith.cmpi sge, %mul3A_42, %ge3A : i32
      %convert_element_type3A_55 = arith.extui %ge3A_54 : i1 to i32
      %cond3A_56 = arith.constant 0 : i32
      %cond3A_57 = arith.cmpi ne, %convert_element_type3A_55, %cond3A_56 : i32
      scf.if %cond3A_57 {
        %dma_wait3A_105 = arith.constant 0 : i32
        %dma_wait3A_106 = tpu.memref_slice %arg4[%dma_wait3A_105] : memref<2097152xf32, #tpu.memory_space<hbm>> -> memref<2048xf32, #tpu.memory_space<hbm>>
        %dma_wait3A_107 = arith.constant 0 : i32
        %dma_wait3A_108 = tpu.memref_slice %arg4[%dma_wait3A_107] : memref<2097152xf32, #tpu.memory_space<hbm>> -> memref<2048xf32, #tpu.memory_space<hbm>>
        tpu.wait_dma2 semaphore(%arg19 : memref<!tpu.dma_semaphore, #tpu.memory_space<semaphore_mem>>) src(%arg13 : memref<2048xf32, #tpu.memory_space<vmem>>) dst(%dma_wait3A_108 : memref<2048xf32, #tpu.memory_space<hbm>>)
      } else {
      }
      %dma_wait3A_58 = arith.constant 0 : i32
      %dma_wait3A_59 = tpu.memref_slice %arg2[%dma_wait3A_58] : memref<8388608xi32, #tpu.memory_space<hbm>> -> memref<8388608xi32, #tpu.memory_space<hbm>>
      tpu.wait_indirect_dma semaphore(%arg17 : memref<!tpu.dma_semaphore, #tpu.memory_space<semaphore_mem>>) src(%dma_wait3A_59 : memref<8388608xi32, #tpu.memory_space<hbm>>) dst(%arg11 : memref<8192xi32, #tpu.memory_space<vmem>>)
      %scan3A_60 = arith.constant 0 : i32
      %scan3A_61 = arith.constant 128 : i32
      %scan3A_62 = arith.addi %scan3A_60, %scan3A_61 : i32
      %scan3A_63 = arith.constant 4 : i32
      scf.for %scan3A_105 = %scan3A_60 to %scan3A_62 step %scan3A_63  : i32 {
        %mul3A_106 = arith.constant 16 : i32
        %mul3A_107 = arith.muli %scan3A_105, %mul3A_106 : i32
        %get3A = arith.constant 0 : i32
        %get3A_108 = arith.index_cast %get3A : i32 to index
        %get3A_109 = arith.index_cast %mul3A_107 : i32 to index
        %get3A_110 = tpu.vector_load %arg7[%get3A_108, %get3A_109] {strides = array<i32>} : memref<3x2048xf32, #tpu.memory_space<vmem>>, vector<1x16xf32>,
        %get3A_111 = vector.shape_cast %get3A_110 : vector<1x16xf32> to vector<16xf32>
        %get3A_112 = arith.constant 1 : i32
        %get3A_113 = arith.index_cast %get3A_112 : i32 to index
        %get3A_114 = arith.index_cast %mul3A_107 : i32 to index
        %get3A_115 = tpu.vector_load %arg7[%get3A_113, %get3A_114] {strides = array<i32>} : memref<3x2048xf32, #tpu.memory_space<vmem>>, vector<1x16xf32>,
        %get3A_116 = vector.shape_cast %get3A_115 : vector<1x16xf32> to vector<16xf32>
        %get3A_117 = arith.constant 2 : i32
        %get3A_118 = arith.index_cast %get3A_117 : i32 to index
        %get3A_119 = arith.index_cast %mul3A_107 : i32 to index
        %get3A_120 = tpu.vector_load %arg7[%get3A_118, %get3A_119] {strides = array<i32>} : memref<3x2048xf32, #tpu.memory_space<vmem>>, vector<1x16xf32>,
        %get3A_121 = vector.shape_cast %get3A_120 : vector<1x16xf32> to vector<16xf32>
        %add3A_122 = arith.constant 0 : i32
        %add3A_123 = arith.addi %add3A_122, %mul3A_107 : i32
        %get3A_124 = arith.index_cast %add3A_123 : i32 to index
        %get3A_125 = tpu.vector_load %arg11[%get3A_124] {strides = array<i32>} : memref<8192xi32, #tpu.memory_space<vmem>>, vector<16xi32>,
        %get3A_126 = vector.shape_cast %get3A_125 : vector<16xi32> to vector<16xi32>
        %shift_left3A = arith.constant 16 : i32
        %shift_left3A_127 = vector.broadcast %shift_left3A : i32 to vector<16xi32>
        %shift_left3A_128 = arith.shli %get3A_126, %shift_left3A_127 : vector<16xi32>
        %bitcast_convert_type3A = tpu.bitcast %shift_left3A_128 : vector<16xi32> -> vector<16xf32>
        %and3A = arith.constant -65536 : i32
        %and3A_129 = vector.broadcast %and3A : i32 to vector<16xi32>
        %and3A_130 = arith.andi %get3A_126, %and3A_129 : vector<16xi32>
        %bitcast_convert_type3A_131 = tpu.bitcast %and3A_130 : vector<16xi32> -> vector<16xf32>
        %sub3A = arith.subf %bitcast_convert_type3A_131, %bitcast_convert_type3A : vector<16xf32>
        %mul3A_132 = arith.mulf %get3A_121, %sub3A : vector<16xf32>
        %add3A_133 = arith.addf %bitcast_convert_type3A, %mul3A_132 : vector<16xf32>
        %add3A_134 = arith.constant 2048 : i32
        %add3A_135 = arith.addi %add3A_134, %mul3A_107 : i32
        %get3A_136 = arith.index_cast %add3A_135 : i32 to index
        %get3A_137 = tpu.vector_load %arg11[%get3A_136] {strides = array<i32>} : memref<8192xi32, #tpu.memory_space<vmem>>, vector<16xi32>,
        %get3A_138 = vector.shape_cast %get3A_137 : vector<16xi32> to vector<16xi32>
        %shift_left3A_139 = arith.constant 16 : i32
        %shift_left3A_140 = vector.broadcast %shift_left3A_139 : i32 to vector<16xi32>
        %shift_left3A_141 = arith.shli %get3A_138, %shift_left3A_140 : vector<16xi32>
        %bitcast_convert_type3A_142 = tpu.bitcast %shift_left3A_141 : vector<16xi32> -> vector<16xf32>
        %and3A_143 = arith.constant -65536 : i32
        %and3A_144 = vector.broadcast %and3A_143 : i32 to vector<16xi32>
        %and3A_145 = arith.andi %get3A_138, %and3A_144 : vector<16xi32>
        %bitcast_convert_type3A_146 = tpu.bitcast %and3A_145 : vector<16xi32> -> vector<16xf32>
        %sub3A_147 = arith.subf %bitcast_convert_type3A_146, %bitcast_convert_type3A_142 : vector<16xf32>
        %mul3A_148 = arith.mulf %get3A_121, %sub3A_147 : vector<16xf32>
        %add3A_149 = arith.addf %bitcast_convert_type3A_142, %mul3A_148 : vector<16xf32>
        %add3A_150 = arith.constant 4096 : i32
        %add3A_151 = arith.addi %add3A_150, %mul3A_107 : i32
        %get3A_152 = arith.index_cast %add3A_151 : i32 to index
        %get3A_153 = tpu.vector_load %arg11[%get3A_152] {strides = array<i32>} : memref<8192xi32, #tpu.memory_space<vmem>>, vector<16xi32>,
        %get3A_154 = vector.shape_cast %get3A_153 : vector<16xi32> to vector<16xi32>
        %shift_left3A_155 = arith.constant 16 : i32
        %shift_left3A_156 = vector.broadcast %shift_left3A_155 : i32 to vector<16xi32>
        %shift_left3A_157 = arith.shli %get3A_154, %shift_left3A_156 : vector<16xi32>
        %bitcast_convert_type3A_158 = tpu.bitcast %shift_left3A_157 : vector<16xi32> -> vector<16xf32>
        %and3A_159 = arith.constant -65536 : i32
        %and3A_160 = vector.broadcast %and3A_159 : i32 to vector<16xi32>
        %and3A_161 = arith.andi %get3A_154, %and3A_160 : vector<16xi32>
        %bitcast_convert_type3A_162 = tpu.bitcast %and3A_161 : vector<16xi32> -> vector<16xf32>
        %sub3A_163 = arith.subf %bitcast_convert_type3A_162, %bitcast_convert_type3A_158 : vector<16xf32>
        %mul3A_164 = arith.mulf %get3A_121, %sub3A_163 : vector<16xf32>
        %add3A_165 = arith.addf %bitcast_convert_type3A_158, %mul3A_164 : vector<16xf32>
        %add3A_166 = arith.constant 6144 : i32
        %add3A_167 = arith.addi %add3A_166, %mul3A_107 : i32
        %get3A_168 = arith.index_cast %add3A_167 : i32 to index
        %get3A_169 = tpu.vector_load %arg11[%get3A_168] {strides = array<i32>} : memref<8192xi32, #tpu.memory_space<vmem>>, vector<16xi32>,
        %get3A_170 = vector.shape_cast %get3A_169 : vector<16xi32> to vector<16xi32>
        %shift_left3A_171 = arith.constant 16 : i32
        %shift_left3A_172 = vector.broadcast %shift_left3A_171 : i32 to vector<16xi32>
        %shift_left3A_173 = arith.shli %get3A_170, %shift_left3A_172 : vector<16xi32>
        %bitcast_convert_type3A_174 = tpu.bitcast %shift_left3A_173 : vector<16xi32> -> vector<16xf32>
        %and3A_175 = arith.constant -65536 : i32
        %and3A_176 = vector.broadcast %and3A_175 : i32 to vector<16xi32>
        %and3A_177 = arith.andi %get3A_170, %and3A_176 : vector<16xi32>
        %bitcast_convert_type3A_178 = tpu.bitcast %and3A_177 : vector<16xi32> -> vector<16xf32>
        %sub3A_179 = arith.subf %bitcast_convert_type3A_178, %bitcast_convert_type3A_174 : vector<16xf32>
        %mul3A_180 = arith.mulf %get3A_121, %sub3A_179 : vector<16xf32>
        %add3A_181 = arith.addf %bitcast_convert_type3A_174, %mul3A_180 : vector<16xf32>
        %sub3A_182 = arith.subf %add3A_149, %add3A_133 : vector<16xf32>
        %mul3A_183 = arith.mulf %get3A_116, %sub3A_182 : vector<16xf32>
        %add3A_184 = arith.addf %add3A_133, %mul3A_183 : vector<16xf32>
        %sub3A_185 = arith.subf %add3A_181, %add3A_165 : vector<16xf32>
        %mul3A_186 = arith.mulf %get3A_116, %sub3A_185 : vector<16xf32>
        %add3A_187 = arith.addf %add3A_165, %mul3A_186 : vector<16xf32>
        %sub3A_188 = arith.subf %add3A_187, %add3A_184 : vector<16xf32>
        %mul3A_189 = arith.mulf %get3A_111, %sub3A_188 : vector<16xf32>
        %add3A_190 = arith.addf %add3A_184, %mul3A_189 : vector<16xf32>
        %swap3A = arith.index_cast %mul3A_107 : i32 to index
        %swap3A_191 = tpu.vector_load %arg13[%swap3A] {strides = array<i32>} : memref<2048xf32, #tpu.memory_space<vmem>>, vector<16xf32>,
        %swap3A_192 = vector.shape_cast %swap3A_191 : vector<16xf32> to vector<16xf32>
        %swap3A_193 = vector.shape_cast %add3A_190 : vector<16xf32> to vector<16xf32>
        tpu.vector_store %arg13[%swap3A], %swap3A_193 {strides = array<i32>} : memref<2048xf32, #tpu.memory_space<vmem>>, vector<16xf32>,
        %scan3A_194 = arith.constant 1 : i32
        %scan3A_195 = arith.addi %scan3A_105, %scan3A_194 : i32
        %mul3A_196 = arith.constant 16 : i32
        %mul3A_197 = arith.muli %scan3A_195, %mul3A_196 : i32
        %get3A_198 = arith.constant 0 : i32
        %get3A_199 = arith.index_cast %get3A_198 : i32 to index
        %get3A_200 = arith.index_cast %mul3A_197 : i32 to index
        %get3A_201 = tpu.vector_load %arg7[%get3A_199, %get3A_200] {strides = array<i32>} : memref<3x2048xf32, #tpu.memory_space<vmem>>, vector<1x16xf32>,
        %get3A_202 = vector.shape_cast %get3A_201 : vector<1x16xf32> to vector<16xf32>
        %get3A_203 = arith.constant 1 : i32
        %get3A_204 = arith.index_cast %get3A_203 : i32 to index
        %get3A_205 = arith.index_cast %mul3A_197 : i32 to index
        %get3A_206 = tpu.vector_load %arg7[%get3A_204, %get3A_205] {strides = array<i32>} : memref<3x2048xf32, #tpu.memory_space<vmem>>, vector<1x16xf32>,
        %get3A_207 = vector.shape_cast %get3A_206 : vector<1x16xf32> to vector<16xf32>
        %get3A_208 = arith.constant 2 : i32
        %get3A_209 = arith.index_cast %get3A_208 : i32 to index
        %get3A_210 = arith.index_cast %mul3A_197 : i32 to index
        %get3A_211 = tpu.vector_load %arg7[%get3A_209, %get3A_210] {strides = array<i32>} : memref<3x2048xf32, #tpu.memory_space<vmem>>, vector<1x16xf32>,
        %get3A_212 = vector.shape_cast %get3A_211 : vector<1x16xf32> to vector<16xf32>
        %add3A_213 = arith.constant 0 : i32
        %add3A_214 = arith.addi %add3A_213, %mul3A_197 : i32
        %get3A_215 = arith.index_cast %add3A_214 : i32 to index
        %get3A_216 = tpu.vector_load %arg11[%get3A_215] {strides = array<i32>} : memref<8192xi32, #tpu.memory_space<vmem>>, vector<16xi32>,
        %get3A_217 = vector.shape_cast %get3A_216 : vector<16xi32> to vector<16xi32>
        %shift_left3A_218 = arith.constant 16 : i32
        %shift_left3A_219 = vector.broadcast %shift_left3A_218 : i32 to vector<16xi32>
        %shift_left3A_220 = arith.shli %get3A_217, %shift_left3A_219 : vector<16xi32>
        %bitcast_convert_type3A_221 = tpu.bitcast %shift_left3A_220 : vector<16xi32> -> vector<16xf32>
        %and3A_222 = arith.constant -65536 : i32
        %and3A_223 = vector.broadcast %and3A_222 : i32 to vector<16xi32>
        %and3A_224 = arith.andi %get3A_217, %and3A_223 : vector<16xi32>
        %bitcast_convert_type3A_225 = tpu.bitcast %and3A_224 : vector<16xi32> -> vector<16xf32>
        %sub3A_226 = arith.subf %bitcast_convert_type3A_225, %bitcast_convert_type3A_221 : vector<16xf32>
        %mul3A_227 = arith.mulf %get3A_212, %sub3A_226 : vector<16xf32>
        %add3A_228 = arith.addf %bitcast_convert_type3A_221, %mul3A_227 : vector<16xf32>
        %add3A_229 = arith.constant 2048 : i32
        %add3A_230 = arith.addi %add3A_229, %mul3A_197 : i32
        %get3A_231 = arith.index_cast %add3A_230 : i32 to index
        %get3A_232 = tpu.vector_load %arg11[%get3A_231] {strides = array<i32>} : memref<8192xi32, #tpu.memory_space<vmem>>, vector<16xi32>,
        %get3A_233 = vector.shape_cast %get3A_232 : vector<16xi32> to vector<16xi32>
        %shift_left3A_234 = arith.constant 16 : i32
        %shift_left3A_235 = vector.broadcast %shift_left3A_234 : i32 to vector<16xi32>
        %shift_left3A_236 = arith.shli %get3A_233, %shift_left3A_235 : vector<16xi32>
        %bitcast_convert_type3A_237 = tpu.bitcast %shift_left3A_236 : vector<16xi32> -> vector<16xf32>
        %and3A_238 = arith.constant -65536 : i32
        %and3A_239 = vector.broadcast %and3A_238 : i32 to vector<16xi32>
        %and3A_240 = arith.andi %get3A_233, %and3A_239 : vector<16xi32>
        %bitcast_convert_type3A_241 = tpu.bitcast %and3A_240 : vector<16xi32> -> vector<16xf32>
        %sub3A_242 = arith.subf %bitcast_convert_type3A_241, %bitcast_convert_type3A_237 : vector<16xf32>
        %mul3A_243 = arith.mulf %get3A_212, %sub3A_242 : vector<16xf32>
        %add3A_244 = arith.addf %bitcast_convert_type3A_237, %mul3A_243 : vector<16xf32>
        %add3A_245 = arith.constant 4096 : i32
        %add3A_246 = arith.addi %add3A_245, %mul3A_197 : i32
        %get3A_247 = arith.index_cast %add3A_246 : i32 to index
        %get3A_248 = tpu.vector_load %arg11[%get3A_247] {strides = array<i32>} : memref<8192xi32, #tpu.memory_space<vmem>>, vector<16xi32>,
        %get3A_249 = vector.shape_cast %get3A_248 : vector<16xi32> to vector<16xi32>
        %shift_left3A_250 = arith.constant 16 : i32
        %shift_left3A_251 = vector.broadcast %shift_left3A_250 : i32 to vector<16xi32>
        %shift_left3A_252 = arith.shli %get3A_249, %shift_left3A_251 : vector<16xi32>
        %bitcast_convert_type3A_253 = tpu.bitcast %shift_left3A_252 : vector<16xi32> -> vector<16xf32>
        %and3A_254 = arith.constant -65536 : i32
        %and3A_255 = vector.broadcast %and3A_254 : i32 to vector<16xi32>
        %and3A_256 = arith.andi %get3A_249, %and3A_255 : vector<16xi32>
        %bitcast_convert_type3A_257 = tpu.bitcast %and3A_256 : vector<16xi32> -> vector<16xf32>
        %sub3A_258 = arith.subf %bitcast_convert_type3A_257, %bitcast_convert_type3A_253 : vector<16xf32>
        %mul3A_259 = arith.mulf %get3A_212, %sub3A_258 : vector<16xf32>
        %add3A_260 = arith.addf %bitcast_convert_type3A_253, %mul3A_259 : vector<16xf32>
        %add3A_261 = arith.constant 6144 : i32
        %add3A_262 = arith.addi %add3A_261, %mul3A_197 : i32
        %get3A_263 = arith.index_cast %add3A_262 : i32 to index
        %get3A_264 = tpu.vector_load %arg11[%get3A_263] {strides = array<i32>} : memref<8192xi32, #tpu.memory_space<vmem>>, vector<16xi32>,
        %get3A_265 = vector.shape_cast %get3A_264 : vector<16xi32> to vector<16xi32>
        %shift_left3A_266 = arith.constant 16 : i32
        %shift_left3A_267 = vector.broadcast %shift_left3A_266 : i32 to vector<16xi32>
        %shift_left3A_268 = arith.shli %get3A_265, %shift_left3A_267 : vector<16xi32>
        %bitcast_convert_type3A_269 = tpu.bitcast %shift_left3A_268 : vector<16xi32> -> vector<16xf32>
        %and3A_270 = arith.constant -65536 : i32
        %and3A_271 = vector.broadcast %and3A_270 : i32 to vector<16xi32>
        %and3A_272 = arith.andi %get3A_265, %and3A_271 : vector<16xi32>
        %bitcast_convert_type3A_273 = tpu.bitcast %and3A_272 : vector<16xi32> -> vector<16xf32>
        %sub3A_274 = arith.subf %bitcast_convert_type3A_273, %bitcast_convert_type3A_269 : vector<16xf32>
        %mul3A_275 = arith.mulf %get3A_212, %sub3A_274 : vector<16xf32>
        %add3A_276 = arith.addf %bitcast_convert_type3A_269, %mul3A_275 : vector<16xf32>
        %sub3A_277 = arith.subf %add3A_244, %add3A_228 : vector<16xf32>
        %mul3A_278 = arith.mulf %get3A_207, %sub3A_277 : vector<16xf32>
        %add3A_279 = arith.addf %add3A_228, %mul3A_278 : vector<16xf32>
        %sub3A_280 = arith.subf %add3A_276, %add3A_260 : vector<16xf32>
        %mul3A_281 = arith.mulf %get3A_207, %sub3A_280 : vector<16xf32>
        %add3A_282 = arith.addf %add3A_260, %mul3A_281 : vector<16xf32>
        %sub3A_283 = arith.subf %add3A_282, %add3A_279 : vector<16xf32>
        %mul3A_284 = arith.mulf %get3A_202, %sub3A_283 : vector<16xf32>
        %add3A_285 = arith.addf %add3A_279, %mul3A_284 : vector<16xf32>
        %swap3A_286 = arith.index_cast %mul3A_197 : i32 to index
        %swap3A_287 = tpu.vector_load %arg13[%swap3A_286] {strides = array<i32>} : memref<2048xf32, #tpu.memory_space<vmem>>, vector<16xf32>,
        %swap3A_288 = vector.shape_cast %swap3A_287 : vector<16xf32> to vector<16xf32>
        %swap3A_289 = vector.shape_cast %add3A_285 : vector<16xf32> to vector<16xf32>
        tpu.vector_store %arg13[%swap3A_286], %swap3A_289 {strides = array<i32>} : memref<2048xf32, #tpu.memory_space<vmem>>, vector<16xf32>,
        %scan3A_290 = arith.constant 2 : i32
        %scan3A_291 = arith.addi %scan3A_105, %scan3A_290 : i32
        %mul3A_292 = arith.constant 16 : i32
        %mul3A_293 = arith.muli %scan3A_291, %mul3A_292 : i32
        %get3A_294 = arith.constant 0 : i32
        %get3A_295 = arith.index_cast %get3A_294 : i32 to index
        %get3A_296 = arith.index_cast %mul3A_293 : i32 to index
        %get3A_297 = tpu.vector_load %arg7[%get3A_295, %get3A_296] {strides = array<i32>} : memref<3x2048xf32, #tpu.memory_space<vmem>>, vector<1x16xf32>,
        %get3A_298 = vector.shape_cast %get3A_297 : vector<1x16xf32> to vector<16xf32>
        %get3A_299 = arith.constant 1 : i32
        %get3A_300 = arith.index_cast %get3A_299 : i32 to index
        %get3A_301 = arith.index_cast %mul3A_293 : i32 to index
        %get3A_302 = tpu.vector_load %arg7[%get3A_300, %get3A_301] {strides = array<i32>} : memref<3x2048xf32, #tpu.memory_space<vmem>>, vector<1x16xf32>,
        %get3A_303 = vector.shape_cast %get3A_302 : vector<1x16xf32> to vector<16xf32>
        %get3A_304 = arith.constant 2 : i32
        %get3A_305 = arith.index_cast %get3A_304 : i32 to index
        %get3A_306 = arith.index_cast %mul3A_293 : i32 to index
        %get3A_307 = tpu.vector_load %arg7[%get3A_305, %get3A_306] {strides = array<i32>} : memref<3x2048xf32, #tpu.memory_space<vmem>>, vector<1x16xf32>,
        %get3A_308 = vector.shape_cast %get3A_307 : vector<1x16xf32> to vector<16xf32>
        %add3A_309 = arith.constant 0 : i32
        %add3A_310 = arith.addi %add3A_309, %mul3A_293 : i32
        %get3A_311 = arith.index_cast %add3A_310 : i32 to index
        %get3A_312 = tpu.vector_load %arg11[%get3A_311] {strides = array<i32>} : memref<8192xi32, #tpu.memory_space<vmem>>, vector<16xi32>,
        %get3A_313 = vector.shape_cast %get3A_312 : vector<16xi32> to vector<16xi32>
        %shift_left3A_314 = arith.constant 16 : i32
        %shift_left3A_315 = vector.broadcast %shift_left3A_314 : i32 to vector<16xi32>
        %shift_left3A_316 = arith.shli %get3A_313, %shift_left3A_315 : vector<16xi32>
        %bitcast_convert_type3A_317 = tpu.bitcast %shift_left3A_316 : vector<16xi32> -> vector<16xf32>
        %and3A_318 = arith.constant -65536 : i32
        %and3A_319 = vector.broadcast %and3A_318 : i32 to vector<16xi32>
        %and3A_320 = arith.andi %get3A_313, %and3A_319 : vector<16xi32>
        %bitcast_convert_type3A_321 = tpu.bitcast %and3A_320 : vector<16xi32> -> vector<16xf32>
        %sub3A_322 = arith.subf %bitcast_convert_type3A_321, %bitcast_convert_type3A_317 : vector<16xf32>
        %mul3A_323 = arith.mulf %get3A_308, %sub3A_322 : vector<16xf32>
        %add3A_324 = arith.addf %bitcast_convert_type3A_317, %mul3A_323 : vector<16xf32>
        %add3A_325 = arith.constant 2048 : i32
        %add3A_326 = arith.addi %add3A_325, %mul3A_293 : i32
        %get3A_327 = arith.index_cast %add3A_326 : i32 to index
        %get3A_328 = tpu.vector_load %arg11[%get3A_327] {strides = array<i32>} : memref<8192xi32, #tpu.memory_space<vmem>>, vector<16xi32>,
        %get3A_329 = vector.shape_cast %get3A_328 : vector<16xi32> to vector<16xi32>
        %shift_left3A_330 = arith.constant 16 : i32
        %shift_left3A_331 = vector.broadcast %shift_left3A_330 : i32 to vector<16xi32>
        %shift_left3A_332 = arith.shli %get3A_329, %shift_left3A_331 : vector<16xi32>
        %bitcast_convert_type3A_333 = tpu.bitcast %shift_left3A_332 : vector<16xi32> -> vector<16xf32>
        %and3A_334 = arith.constant -65536 : i32
        %and3A_335 = vector.broadcast %and3A_334 : i32 to vector<16xi32>
        %and3A_336 = arith.andi %get3A_329, %and3A_335 : vector<16xi32>
        %bitcast_convert_type3A_337 = tpu.bitcast %and3A_336 : vector<16xi32> -> vector<16xf32>
        %sub3A_338 = arith.subf %bitcast_convert_type3A_337, %bitcast_convert_type3A_333 : vector<16xf32>
        %mul3A_339 = arith.mulf %get3A_308, %sub3A_338 : vector<16xf32>
        %add3A_340 = arith.addf %bitcast_convert_type3A_333, %mul3A_339 : vector<16xf32>
        %add3A_341 = arith.constant 4096 : i32
        %add3A_342 = arith.addi %add3A_341, %mul3A_293 : i32
        %get3A_343 = arith.index_cast %add3A_342 : i32 to index
        %get3A_344 = tpu.vector_load %arg11[%get3A_343] {strides = array<i32>} : memref<8192xi32, #tpu.memory_space<vmem>>, vector<16xi32>,
        %get3A_345 = vector.shape_cast %get3A_344 : vector<16xi32> to vector<16xi32>
        %shift_left3A_346 = arith.constant 16 : i32
        %shift_left3A_347 = vector.broadcast %shift_left3A_346 : i32 to vector<16xi32>
        %shift_left3A_348 = arith.shli %get3A_345, %shift_left3A_347 : vector<16xi32>
        %bitcast_convert_type3A_349 = tpu.bitcast %shift_left3A_348 : vector<16xi32> -> vector<16xf32>
        %and3A_350 = arith.constant -65536 : i32
        %and3A_351 = vector.broadcast %and3A_350 : i32 to vector<16xi32>
        %and3A_352 = arith.andi %get3A_345, %and3A_351 : vector<16xi32>
        %bitcast_convert_type3A_353 = tpu.bitcast %and3A_352 : vector<16xi32> -> vector<16xf32>
        %sub3A_354 = arith.subf %bitcast_convert_type3A_353, %bitcast_convert_type3A_349 : vector<16xf32>
        %mul3A_355 = arith.mulf %get3A_308, %sub3A_354 : vector<16xf32>
        %add3A_356 = arith.addf %bitcast_convert_type3A_349, %mul3A_355 : vector<16xf32>
        %add3A_357 = arith.constant 6144 : i32
        %add3A_358 = arith.addi %add3A_357, %mul3A_293 : i32
        %get3A_359 = arith.index_cast %add3A_358 : i32 to index
        %get3A_360 = tpu.vector_load %arg11[%get3A_359] {strides = array<i32>} : memref<8192xi32, #tpu.memory_space<vmem>>, vector<16xi32>,
        %get3A_361 = vector.shape_cast %get3A_360 : vector<16xi32> to vector<16xi32>
        %shift_left3A_362 = arith.constant 16 : i32
        %shift_left3A_363 = vector.broadcast %shift_left3A_362 : i32 to vector<16xi32>
        %shift_left3A_364 = arith.shli %get3A_361, %shift_left3A_363 : vector<16xi32>
        %bitcast_convert_type3A_365 = tpu.bitcast %shift_left3A_364 : vector<16xi32> -> vector<16xf32>
        %and3A_366 = arith.constant -65536 : i32
        %and3A_367 = vector.broadcast %and3A_366 : i32 to vector<16xi32>
        %and3A_368 = arith.andi %get3A_361, %and3A_367 : vector<16xi32>
        %bitcast_convert_type3A_369 = tpu.bitcast %and3A_368 : vector<16xi32> -> vector<16xf32>
        %sub3A_370 = arith.subf %bitcast_convert_type3A_369, %bitcast_convert_type3A_365 : vector<16xf32>
        %mul3A_371 = arith.mulf %get3A_308, %sub3A_370 : vector<16xf32>
        %add3A_372 = arith.addf %bitcast_convert_type3A_365, %mul3A_371 : vector<16xf32>
        %sub3A_373 = arith.subf %add3A_340, %add3A_324 : vector<16xf32>
        %mul3A_374 = arith.mulf %get3A_303, %sub3A_373 : vector<16xf32>
        %add3A_375 = arith.addf %add3A_324, %mul3A_374 : vector<16xf32>
        %sub3A_376 = arith.subf %add3A_372, %add3A_356 : vector<16xf32>
        %mul3A_377 = arith.mulf %get3A_303, %sub3A_376 : vector<16xf32>
        %add3A_378 = arith.addf %add3A_356, %mul3A_377 : vector<16xf32>
        %sub3A_379 = arith.subf %add3A_378, %add3A_375 : vector<16xf32>
        %mul3A_380 = arith.mulf %get3A_298, %sub3A_379 : vector<16xf32>
        %add3A_381 = arith.addf %add3A_375, %mul3A_380 : vector<16xf32>
        %swap3A_382 = arith.index_cast %mul3A_293 : i32 to index
        %swap3A_383 = tpu.vector_load %arg13[%swap3A_382] {strides = array<i32>} : memref<2048xf32, #tpu.memory_space<vmem>>, vector<16xf32>,
        %swap3A_384 = vector.shape_cast %swap3A_383 : vector<16xf32> to vector<16xf32>
        %swap3A_385 = vector.shape_cast %add3A_381 : vector<16xf32> to vector<16xf32>
        tpu.vector_store %arg13[%swap3A_382], %swap3A_385 {strides = array<i32>} : memref<2048xf32, #tpu.memory_space<vmem>>, vector<16xf32>,
        %scan3A_386 = arith.constant 3 : i32
        %scan3A_387 = arith.addi %scan3A_105, %scan3A_386 : i32
        %mul3A_388 = arith.constant 16 : i32
        %mul3A_389 = arith.muli %scan3A_387, %mul3A_388 : i32
        %get3A_390 = arith.constant 0 : i32
        %get3A_391 = arith.index_cast %get3A_390 : i32 to index
        %get3A_392 = arith.index_cast %mul3A_389 : i32 to index
        %get3A_393 = tpu.vector_load %arg7[%get3A_391, %get3A_392] {strides = array<i32>} : memref<3x2048xf32, #tpu.memory_space<vmem>>, vector<1x16xf32>,
        %get3A_394 = vector.shape_cast %get3A_393 : vector<1x16xf32> to vector<16xf32>
        %get3A_395 = arith.constant 1 : i32
        %get3A_396 = arith.index_cast %get3A_395 : i32 to index
        %get3A_397 = arith.index_cast %mul3A_389 : i32 to index
        %get3A_398 = tpu.vector_load %arg7[%get3A_396, %get3A_397] {strides = array<i32>} : memref<3x2048xf32, #tpu.memory_space<vmem>>, vector<1x16xf32>,
        %get3A_399 = vector.shape_cast %get3A_398 : vector<1x16xf32> to vector<16xf32>
        %get3A_400 = arith.constant 2 : i32
        %get3A_401 = arith.index_cast %get3A_400 : i32 to index
        %get3A_402 = arith.index_cast %mul3A_389 : i32 to index
        %get3A_403 = tpu.vector_load %arg7[%get3A_401, %get3A_402] {strides = array<i32>} : memref<3x2048xf32, #tpu.memory_space<vmem>>, vector<1x16xf32>,
        %get3A_404 = vector.shape_cast %get3A_403 : vector<1x16xf32> to vector<16xf32>
        %add3A_405 = arith.constant 0 : i32
        %add3A_406 = arith.addi %add3A_405, %mul3A_389 : i32
        %get3A_407 = arith.index_cast %add3A_406 : i32 to index
        %get3A_408 = tpu.vector_load %arg11[%get3A_407] {strides = array<i32>} : memref<8192xi32, #tpu.memory_space<vmem>>, vector<16xi32>,
        %get3A_409 = vector.shape_cast %get3A_408 : vector<16xi32> to vector<16xi32>
        %shift_left3A_410 = arith.constant 16 : i32
        %shift_left3A_411 = vector.broadcast %shift_left3A_410 : i32 to vector<16xi32>
        %shift_left3A_412 = arith.shli %get3A_409, %shift_left3A_411 : vector<16xi32>
        %bitcast_convert_type3A_413 = tpu.bitcast %shift_left3A_412 : vector<16xi32> -> vector<16xf32>
        %and3A_414 = arith.constant -65536 : i32
        %and3A_415 = vector.broadcast %and3A_414 : i32 to vector<16xi32>
        %and3A_416 = arith.andi %get3A_409, %and3A_415 : vector<16xi32>
        %bitcast_convert_type3A_417 = tpu.bitcast %and3A_416 : vector<16xi32> -> vector<16xf32>
        %sub3A_418 = arith.subf %bitcast_convert_type3A_417, %bitcast_convert_type3A_413 : vector<16xf32>
        %mul3A_419 = arith.mulf %get3A_404, %sub3A_418 : vector<16xf32>
        %add3A_420 = arith.addf %bitcast_convert_type3A_413, %mul3A_419 : vector<16xf32>
        %add3A_421 = arith.constant 2048 : i32
        %add3A_422 = arith.addi %add3A_421, %mul3A_389 : i32
        %get3A_423 = arith.index_cast %add3A_422 : i32 to index
        %get3A_424 = tpu.vector_load %arg11[%get3A_423] {strides = array<i32>} : memref<8192xi32, #tpu.memory_space<vmem>>, vector<16xi32>,
        %get3A_425 = vector.shape_cast %get3A_424 : vector<16xi32> to vector<16xi32>
        %shift_left3A_426 = arith.constant 16 : i32
        %shift_left3A_427 = vector.broadcast %shift_left3A_426 : i32 to vector<16xi32>
        %shift_left3A_428 = arith.shli %get3A_425, %shift_left3A_427 : vector<16xi32>
        %bitcast_convert_type3A_429 = tpu.bitcast %shift_left3A_428 : vector<16xi32> -> vector<16xf32>
        %and3A_430 = arith.constant -65536 : i32
        %and3A_431 = vector.broadcast %and3A_430 : i32 to vector<16xi32>
        %and3A_432 = arith.andi %get3A_425, %and3A_431 : vector<16xi32>
        %bitcast_convert_type3A_433 = tpu.bitcast %and3A_432 : vector<16xi32> -> vector<16xf32>
        %sub3A_434 = arith.subf %bitcast_convert_type3A_433, %bitcast_convert_type3A_429 : vector<16xf32>
        %mul3A_435 = arith.mulf %get3A_404, %sub3A_434 : vector<16xf32>
        %add3A_436 = arith.addf %bitcast_convert_type3A_429, %mul3A_435 : vector<16xf32>
        %add3A_437 = arith.constant 4096 : i32
        %add3A_438 = arith.addi %add3A_437, %mul3A_389 : i32
        %get3A_439 = arith.index_cast %add3A_438 : i32 to index
        %get3A_440 = tpu.vector_load %arg11[%get3A_439] {strides = array<i32>} : memref<8192xi32, #tpu.memory_space<vmem>>, vector<16xi32>,
        %get3A_441 = vector.shape_cast %get3A_440 : vector<16xi32> to vector<16xi32>
        %shift_left3A_442 = arith.constant 16 : i32
        %shift_left3A_443 = vector.broadcast %shift_left3A_442 : i32 to vector<16xi32>
        %shift_left3A_444 = arith.shli %get3A_441, %shift_left3A_443 : vector<16xi32>
        %bitcast_convert_type3A_445 = tpu.bitcast %shift_left3A_444 : vector<16xi32> -> vector<16xf32>
        %and3A_446 = arith.constant -65536 : i32
        %and3A_447 = vector.broadcast %and3A_446 : i32 to vector<16xi32>
        %and3A_448 = arith.andi %get3A_441, %and3A_447 : vector<16xi32>
        %bitcast_convert_type3A_449 = tpu.bitcast %and3A_448 : vector<16xi32> -> vector<16xf32>
        %sub3A_450 = arith.subf %bitcast_convert_type3A_449, %bitcast_convert_type3A_445 : vector<16xf32>
        %mul3A_451 = arith.mulf %get3A_404, %sub3A_450 : vector<16xf32>
        %add3A_452 = arith.addf %bitcast_convert_type3A_445, %mul3A_451 : vector<16xf32>
        %add3A_453 = arith.constant 6144 : i32
        %add3A_454 = arith.addi %add3A_453, %mul3A_389 : i32
        %get3A_455 = arith.index_cast %add3A_454 : i32 to index
        %get3A_456 = tpu.vector_load %arg11[%get3A_455] {strides = array<i32>} : memref<8192xi32, #tpu.memory_space<vmem>>, vector<16xi32>,
        %get3A_457 = vector.shape_cast %get3A_456 : vector<16xi32> to vector<16xi32>
        %shift_left3A_458 = arith.constant 16 : i32
        %shift_left3A_459 = vector.broadcast %shift_left3A_458 : i32 to vector<16xi32>
        %shift_left3A_460 = arith.shli %get3A_457, %shift_left3A_459 : vector<16xi32>
        %bitcast_convert_type3A_461 = tpu.bitcast %shift_left3A_460 : vector<16xi32> -> vector<16xf32>
        %and3A_462 = arith.constant -65536 : i32
        %and3A_463 = vector.broadcast %and3A_462 : i32 to vector<16xi32>
        %and3A_464 = arith.andi %get3A_457, %and3A_463 : vector<16xi32>
        %bitcast_convert_type3A_465 = tpu.bitcast %and3A_464 : vector<16xi32> -> vector<16xf32>
        %sub3A_466 = arith.subf %bitcast_convert_type3A_465, %bitcast_convert_type3A_461 : vector<16xf32>
        %mul3A_467 = arith.mulf %get3A_404, %sub3A_466 : vector<16xf32>
        %add3A_468 = arith.addf %bitcast_convert_type3A_461, %mul3A_467 : vector<16xf32>
        %sub3A_469 = arith.subf %add3A_436, %add3A_420 : vector<16xf32>
        %mul3A_470 = arith.mulf %get3A_399, %sub3A_469 : vector<16xf32>
        %add3A_471 = arith.addf %add3A_420, %mul3A_470 : vector<16xf32>
        %sub3A_472 = arith.subf %add3A_468, %add3A_452 : vector<16xf32>
        %mul3A_473 = arith.mulf %get3A_399, %sub3A_472 : vector<16xf32>
        %add3A_474 = arith.addf %add3A_452, %mul3A_473 : vector<16xf32>
        %sub3A_475 = arith.subf %add3A_474, %add3A_471 : vector<16xf32>
        %mul3A_476 = arith.mulf %get3A_394, %sub3A_475 : vector<16xf32>
        %add3A_477 = arith.addf %add3A_471, %mul3A_476 : vector<16xf32>
        %swap3A_478 = arith.index_cast %mul3A_389 : i32 to index
        %swap3A_479 = tpu.vector_load %arg13[%swap3A_478] {strides = array<i32>} : memref<2048xf32, #tpu.memory_space<vmem>>, vector<16xf32>,
        %swap3A_480 = vector.shape_cast %swap3A_479 : vector<16xf32> to vector<16xf32>
        %swap3A_481 = vector.shape_cast %add3A_477 : vector<16xf32> to vector<16xf32>
        tpu.vector_store %arg13[%swap3A_478], %swap3A_481 {strides = array<i32>} : memref<2048xf32, #tpu.memory_space<vmem>>, vector<16xf32>,
      }
      %scan3A_64 = arith.constant 128 : i32
      %mul3A_65 = arith.constant 2048 : i32
      %mul3A_66 = arith.muli %mul3A_42, %mul3A_65 : i32
      %add3A_67 = arith.addi %mul3A_2, %mul3A_66 : i32
      %dma_start3A_68 = tpu.memref_slice %arg4[%add3A_67] : memref<2097152xf32, #tpu.memory_space<hbm>> -> memref<2048xf32, #tpu.memory_space<hbm>>
      %dma_start3A_69 = tpu.memref_slice %arg4[%add3A_67] : memref<2097152xf32, #tpu.memory_space<hbm>> -> memref<2048xf32, #tpu.memory_space<hbm>>
      tpu.enqueue_dma source(%arg13 : memref<2048xf32, #tpu.memory_space<vmem>>) target(%dma_start3A_69 : memref<2048xf32, #tpu.memory_space<hbm>>) target_semaphore(%arg19 : memref<!tpu.dma_semaphore, #tpu.memory_space<semaphore_mem>>)
      %mul3A_70 = arith.constant 2 : i32
      %mul3A_71 = arith.muli %mul3A_70, %scan3A_40 : i32
      %add3A_72 = arith.constant 1 : i32
      %add3A_73 = arith.addi %mul3A_71, %add3A_72 : i32
      %add3A_74 = arith.constant 1 : i32
      %add3A_75 = arith.addi %add3A_73, %add3A_74 : i32
      %lt3A_76 = arith.constant 32 : i32
      %lt3A_77 = arith.cmpi slt, %add3A_75, %lt3A_76 : i32
      %convert_element_type3A_78 = arith.extui %lt3A_77 : i1 to i32
      %cond3A_79 = arith.constant 0 : i32
      %cond3A_80 = arith.cmpi ne, %convert_element_type3A_78, %cond3A_79 : i32
      scf.if %cond3A_80 {
        %dma_wait3A_105 = arith.constant 0 : i32
        %dma_wait3A_106 = arith.constant 0 : i32
        %dma_wait3A_107 = tpu.memref_slice %arg3[%dma_wait3A_105, %dma_wait3A_106] : memref<3x2097152xf32, #tpu.memory_space<hbm>> -> memref<3x2048xf32, #tpu.memory_space<hbm>>
        %dma_wait3A_108 = arith.constant 0 : i32
        %dma_wait3A_109 = arith.constant 0 : i32
        %dma_wait3A_110 = tpu.memref_slice %arg3[%dma_wait3A_108, %dma_wait3A_109] : memref<3x2097152xf32, #tpu.memory_space<hbm>> -> memref<3x2048xf32, #tpu.memory_space<hbm>>
        tpu.wait_dma2 semaphore(%arg15 : memref<!tpu.dma_semaphore, #tpu.memory_space<semaphore_mem>>) src(%dma_wait3A_110 : memref<3x2048xf32, #tpu.memory_space<hbm>>) dst(%arg5 : memref<3x2048xf32, #tpu.memory_space<vmem>>)
        %scan3A_111 = arith.constant 0 : i32
        %scan3A_112 = arith.constant 128 : i32
        %scan3A_113 = arith.addi %scan3A_111, %scan3A_112 : i32
        %scan3A_114 = arith.constant 4 : i32
        scf.for %scan3A_118 = %scan3A_111 to %scan3A_113 step %scan3A_114  : i32 {
          %mul3A_119 = arith.constant 16 : i32
          %mul3A_120 = arith.muli %scan3A_118, %mul3A_119 : i32
          %get3A = arith.constant 0 : i32
          %get3A_121 = arith.index_cast %get3A : i32 to index
          %get3A_122 = arith.index_cast %mul3A_120 : i32 to index
          %get3A_123 = tpu.vector_load %arg5[%get3A_121, %get3A_122] {strides = array<i32>} : memref<3x2048xf32, #tpu.memory_space<vmem>>, vector<1x16xf32>,
          %get3A_124 = vector.shape_cast %get3A_123 : vector<1x16xf32> to vector<16xf32>
          %add3A_125 = arith.constant 3.200000e+01 : f32
          %add3A_126 = vector.broadcast %add3A_125 : f32 to vector<16xf32>
          %add3A_127 = arith.addf %get3A_124, %add3A_126 : vector<16xf32>
          %get3A_128 = arith.constant 1 : i32
          %get3A_129 = arith.index_cast %get3A_128 : i32 to index
          %get3A_130 = arith.index_cast %mul3A_120 : i32 to index
          %get3A_131 = tpu.vector_load %arg5[%get3A_129, %get3A_130] {strides = array<i32>} : memref<3x2048xf32, #tpu.memory_space<vmem>>, vector<1x16xf32>,
          %get3A_132 = vector.shape_cast %get3A_131 : vector<1x16xf32> to vector<16xf32>
          %add3A_133 = arith.constant 3.200000e+01 : f32
          %add3A_134 = vector.broadcast %add3A_133 : f32 to vector<16xf32>
          %add3A_135 = arith.addf %get3A_132, %add3A_134 : vector<16xf32>
          %get3A_136 = arith.constant 2 : i32
          %get3A_137 = arith.index_cast %get3A_136 : i32 to index
          %get3A_138 = arith.index_cast %mul3A_120 : i32 to index
          %get3A_139 = tpu.vector_load %arg5[%get3A_137, %get3A_138] {strides = array<i32>} : memref<3x2048xf32, #tpu.memory_space<vmem>>, vector<1x16xf32>,
          %get3A_140 = vector.shape_cast %get3A_139 : vector<1x16xf32> to vector<16xf32>
          %add3A_141 = arith.constant 3.200000e+01 : f32
          %add3A_142 = vector.broadcast %add3A_141 : f32 to vector<16xf32>
          %add3A_143 = arith.addf %get3A_140, %add3A_142 : vector<16xf32>
          %convert_element_type3A_144 = arith.fptosi %add3A_127 : vector<16xf32> to vector<16xi32>
          %convert_element_type3A_145 = arith.fptosi %add3A_135 : vector<16xf32> to vector<16xi32>
          %convert_element_type3A_146 = arith.fptosi %add3A_143 : vector<16xf32> to vector<16xi32>
          %convert_element_type3A_147 = arith.sitofp %convert_element_type3A_144 : vector<16xi32> to vector<16xf32>
          %sub3A = arith.subf %add3A_127, %convert_element_type3A_147 : vector<16xf32>
          %swap3A = arith.constant 0 : i32
          %swap3A_148 = arith.index_cast %swap3A : i32 to index
          %swap3A_149 = arith.index_cast %mul3A_120 : i32 to index
          %swap3A_150 = tpu.vector_load %arg7[%swap3A_148, %swap3A_149] {strides = array<i32>} : memref<3x2048xf32, #tpu.memory_space<vmem>>, vector<1x16xf32>,
          %swap3A_151 = vector.shape_cast %swap3A_150 : vector<1x16xf32> to vector<16xf32>
          %swap3A_152 = vector.shape_cast %sub3A : vector<16xf32> to vector<1x16xf32>
          tpu.vector_store %arg7[%swap3A_148, %swap3A_149], %swap3A_152 {strides = array<i32>} : memref<3x2048xf32, #tpu.memory_space<vmem>>, vector<1x16xf32>,
          %convert_element_type3A_153 = arith.sitofp %convert_element_type3A_145 : vector<16xi32> to vector<16xf32>
          %sub3A_154 = arith.subf %add3A_135, %convert_element_type3A_153 : vector<16xf32>
          %swap3A_155 = arith.constant 1 : i32
          %swap3A_156 = arith.index_cast %swap3A_155 : i32 to index
          %swap3A_157 = arith.index_cast %mul3A_120 : i32 to index
          %swap3A_158 = tpu.vector_load %arg7[%swap3A_156, %swap3A_157] {strides = array<i32>} : memref<3x2048xf32, #tpu.memory_space<vmem>>, vector<1x16xf32>,
          %swap3A_159 = vector.shape_cast %swap3A_158 : vector<1x16xf32> to vector<16xf32>
          %swap3A_160 = vector.shape_cast %sub3A_154 : vector<16xf32> to vector<1x16xf32>
          tpu.vector_store %arg7[%swap3A_156, %swap3A_157], %swap3A_160 {strides = array<i32>} : memref<3x2048xf32, #tpu.memory_space<vmem>>, vector<1x16xf32>,
          %convert_element_type3A_161 = arith.sitofp %convert_element_type3A_146 : vector<16xi32> to vector<16xf32>
          %sub3A_162 = arith.subf %add3A_143, %convert_element_type3A_161 : vector<16xf32>
          %swap3A_163 = arith.constant 2 : i32
          %swap3A_164 = arith.index_cast %swap3A_163 : i32 to index
          %swap3A_165 = arith.index_cast %mul3A_120 : i32 to index
          %swap3A_166 = tpu.vector_load %arg7[%swap3A_164, %swap3A_165] {strides = array<i32>} : memref<3x2048xf32, #tpu.memory_space<vmem>>, vector<1x16xf32>,
          %swap3A_167 = vector.shape_cast %swap3A_166 : vector<1x16xf32> to vector<16xf32>
          %swap3A_168 = vector.shape_cast %sub3A_162 : vector<16xf32> to vector<1x16xf32>
          tpu.vector_store %arg7[%swap3A_164, %swap3A_165], %swap3A_168 {strides = array<i32>} : memref<3x2048xf32, #tpu.memory_space<vmem>>, vector<1x16xf32>,
          %min3A = arith.constant 62 : i32
          %min3A_169 = vector.broadcast %min3A : i32 to vector<16xi32>
          %min3A_170 = arith.minsi %convert_element_type3A_144, %min3A_169 : vector<16xi32>
          %min3A_171 = arith.constant 62 : i32
          %min3A_172 = vector.broadcast %min3A_171 : i32 to vector<16xi32>
          %min3A_173 = arith.minsi %convert_element_type3A_145, %min3A_172 : vector<16xi32>
          %min3A_174 = arith.constant 62 : i32
          %min3A_175 = vector.broadcast %min3A_174 : i32 to vector<16xi32>
          %min3A_176 = arith.minsi %convert_element_type3A_146, %min3A_175 : vector<16xi32>
          %shift_left3A = arith.constant 12 : i32
          %shift_left3A_177 = vector.broadcast %shift_left3A : i32 to vector<16xi32>
          %shift_left3A_178 = arith.shli %min3A_170, %shift_left3A_177 : vector<16xi32>
          %shift_left3A_179 = arith.constant 6 : i32
          %shift_left3A_180 = vector.broadcast %shift_left3A_179 : i32 to vector<16xi32>
          %shift_left3A_181 = arith.shli %min3A_173, %shift_left3A_180 : vector<16xi32>
          %add3A_182 = arith.addi %shift_left3A_178, %shift_left3A_181 : vector<16xi32>
          %add3A_183 = arith.addi %add3A_182, %min3A_176 : vector<16xi32>
          %add3A_184 = vector.broadcast %mul3A_4 : i32 to vector<16xi32>
          %add3A_185 = arith.addi %add3A_183, %add3A_184 : vector<16xi32>
          %add3A_186 = arith.constant 0 : i32
          %add3A_187 = vector.broadcast %add3A_186 : i32 to vector<16xi32>
          %add3A_188 = arith.addi %add3A_185, %add3A_187 : vector<16xi32>
          %add3A_189 = arith.constant 0 : i32
          %add3A_190 = arith.addi %add3A_189, %mul3A_120 : i32
          %swap3A_191 = arith.index_cast %add3A_190 : i32 to index
          %swap3A_192 = tpu.vector_load %arg9[%swap3A_191] {strides = array<i32>} : memref<8192xi32, #tpu.memory_space<vmem>>, vector<16xi32>,
          %swap3A_193 = vector.shape_cast %swap3A_192 : vector<16xi32> to vector<16xi32>
          %swap3A_194 = vector.shape_cast %add3A_188 : vector<16xi32> to vector<16xi32>
          tpu.vector_store %arg9[%swap3A_191], %swap3A_194 {strides = array<i32>} : memref<8192xi32, #tpu.memory_space<vmem>>, vector<16xi32>,
          %add3A_195 = arith.constant 64 : i32
          %add3A_196 = vector.broadcast %add3A_195 : i32 to vector<16xi32>
          %add3A_197 = arith.addi %add3A_185, %add3A_196 : vector<16xi32>
          %add3A_198 = arith.constant 2048 : i32
          %add3A_199 = arith.addi %add3A_198, %mul3A_120 : i32
          %swap3A_200 = arith.index_cast %add3A_199 : i32 to index
          %swap3A_201 = tpu.vector_load %arg9[%swap3A_200] {strides = array<i32>} : memref<8192xi32, #tpu.memory_space<vmem>>, vector<16xi32>,
          %swap3A_202 = vector.shape_cast %swap3A_201 : vector<16xi32> to vector<16xi32>
          %swap3A_203 = vector.shape_cast %add3A_197 : vector<16xi32> to vector<16xi32>
          tpu.vector_store %arg9[%swap3A_200], %swap3A_203 {strides = array<i32>} : memref<8192xi32, #tpu.memory_space<vmem>>, vector<16xi32>,
          %add3A_204 = arith.constant 4096 : i32
          %add3A_205 = vector.broadcast %add3A_204 : i32 to vector<16xi32>
          %add3A_206 = arith.addi %add3A_185, %add3A_205 : vector<16xi32>
          %add3A_207 = arith.constant 4096 : i32
          %add3A_208 = arith.addi %add3A_207, %mul3A_120 : i32
          %swap3A_209 = arith.index_cast %add3A_208 : i32 to index
          %swap3A_210 = tpu.vector_load %arg9[%swap3A_209] {strides = array<i32>} : memref<8192xi32, #tpu.memory_space<vmem>>, vector<16xi32>,
          %swap3A_211 = vector.shape_cast %swap3A_210 : vector<16xi32> to vector<16xi32>
          %swap3A_212 = vector.shape_cast %add3A_206 : vector<16xi32> to vector<16xi32>
          tpu.vector_store %arg9[%swap3A_209], %swap3A_212 {strides = array<i32>} : memref<8192xi32, #tpu.memory_space<vmem>>, vector<16xi32>,
          %add3A_213 = arith.constant 4160 : i32
          %add3A_214 = vector.broadcast %add3A_213 : i32 to vector<16xi32>
          %add3A_215 = arith.addi %add3A_185, %add3A_214 : vector<16xi32>
          %add3A_216 = arith.constant 6144 : i32
          %add3A_217 = arith.addi %add3A_216, %mul3A_120 : i32
          %swap3A_218 = arith.index_cast %add3A_217 : i32 to index
          %swap3A_219 = tpu.vector_load %arg9[%swap3A_218] {strides = array<i32>} : memref<8192xi32, #tpu.memory_space<vmem>>, vector<16xi32>,
          %swap3A_220 = vector.shape_cast %swap3A_219 : vector<16xi32> to vector<16xi32>
          %swap3A_221 = vector.shape_cast %add3A_215 : vector<16xi32> to vector<16xi32>
          tpu.vector_store %arg9[%swap3A_218], %swap3A_221 {strides = array<i32>} : memref<8192xi32, #tpu.memory_space<vmem>>, vector<16xi32>,
          %scan3A_222 = arith.constant 1 : i32
          %scan3A_223 = arith.addi %scan3A_118, %scan3A_222 : i32
          %mul3A_224 = arith.constant 16 : i32
          %mul3A_225 = arith.muli %scan3A_223, %mul3A_224 : i32
          %get3A_226 = arith.constant 0 : i32
          %get3A_227 = arith.index_cast %get3A_226 : i32 to index
          %get3A_228 = arith.index_cast %mul3A_225 : i32 to index
          %get3A_229 = tpu.vector_load %arg5[%get3A_227, %get3A_228] {strides = array<i32>} : memref<3x2048xf32, #tpu.memory_space<vmem>>, vector<1x16xf32>,
          %get3A_230 = vector.shape_cast %get3A_229 : vector<1x16xf32> to vector<16xf32>
          %add3A_231 = arith.constant 3.200000e+01 : f32
          %add3A_232 = vector.broadcast %add3A_231 : f32 to vector<16xf32>
          %add3A_233 = arith.addf %get3A_230, %add3A_232 : vector<16xf32>
          %get3A_234 = arith.constant 1 : i32
          %get3A_235 = arith.index_cast %get3A_234 : i32 to index
          %get3A_236 = arith.index_cast %mul3A_225 : i32 to index
          %get3A_237 = tpu.vector_load %arg5[%get3A_235, %get3A_236] {strides = array<i32>} : memref<3x2048xf32, #tpu.memory_space<vmem>>, vector<1x16xf32>,
          %get3A_238 = vector.shape_cast %get3A_237 : vector<1x16xf32> to vector<16xf32>
          %add3A_239 = arith.constant 3.200000e+01 : f32
          %add3A_240 = vector.broadcast %add3A_239 : f32 to vector<16xf32>
          %add3A_241 = arith.addf %get3A_238, %add3A_240 : vector<16xf32>
          %get3A_242 = arith.constant 2 : i32
          %get3A_243 = arith.index_cast %get3A_242 : i32 to index
          %get3A_244 = arith.index_cast %mul3A_225 : i32 to index
          %get3A_245 = tpu.vector_load %arg5[%get3A_243, %get3A_244] {strides = array<i32>} : memref<3x2048xf32, #tpu.memory_space<vmem>>, vector<1x16xf32>,
          %get3A_246 = vector.shape_cast %get3A_245 : vector<1x16xf32> to vector<16xf32>
          %add3A_247 = arith.constant 3.200000e+01 : f32
          %add3A_248 = vector.broadcast %add3A_247 : f32 to vector<16xf32>
          %add3A_249 = arith.addf %get3A_246, %add3A_248 : vector<16xf32>
          %convert_element_type3A_250 = arith.fptosi %add3A_233 : vector<16xf32> to vector<16xi32>
          %convert_element_type3A_251 = arith.fptosi %add3A_241 : vector<16xf32> to vector<16xi32>
          %convert_element_type3A_252 = arith.fptosi %add3A_249 : vector<16xf32> to vector<16xi32>
          %convert_element_type3A_253 = arith.sitofp %convert_element_type3A_250 : vector<16xi32> to vector<16xf32>
          %sub3A_254 = arith.subf %add3A_233, %convert_element_type3A_253 : vector<16xf32>
          %swap3A_255 = arith.constant 0 : i32
          %swap3A_256 = arith.index_cast %swap3A_255 : i32 to index
          %swap3A_257 = arith.index_cast %mul3A_225 : i32 to index
          %swap3A_258 = tpu.vector_load %arg7[%swap3A_256, %swap3A_257] {strides = array<i32>} : memref<3x2048xf32, #tpu.memory_space<vmem>>, vector<1x16xf32>,
          %swap3A_259 = vector.shape_cast %swap3A_258 : vector<1x16xf32> to vector<16xf32>
          %swap3A_260 = vector.shape_cast %sub3A_254 : vector<16xf32> to vector<1x16xf32>
          tpu.vector_store %arg7[%swap3A_256, %swap3A_257], %swap3A_260 {strides = array<i32>} : memref<3x2048xf32, #tpu.memory_space<vmem>>, vector<1x16xf32>,
          %convert_element_type3A_261 = arith.sitofp %convert_element_type3A_251 : vector<16xi32> to vector<16xf32>
          %sub3A_262 = arith.subf %add3A_241, %convert_element_type3A_261 : vector<16xf32>
          %swap3A_263 = arith.constant 1 : i32
          %swap3A_264 = arith.index_cast %swap3A_263 : i32 to index
          %swap3A_265 = arith.index_cast %mul3A_225 : i32 to index
          %swap3A_266 = tpu.vector_load %arg7[%swap3A_264, %swap3A_265] {strides = array<i32>} : memref<3x2048xf32, #tpu.memory_space<vmem>>, vector<1x16xf32>,
          %swap3A_267 = vector.shape_cast %swap3A_266 : vector<1x16xf32> to vector<16xf32>
          %swap3A_268 = vector.shape_cast %sub3A_262 : vector<16xf32> to vector<1x16xf32>
          tpu.vector_store %arg7[%swap3A_264, %swap3A_265], %swap3A_268 {strides = array<i32>} : memref<3x2048xf32, #tpu.memory_space<vmem>>, vector<1x16xf32>,
          %convert_element_type3A_269 = arith.sitofp %convert_element_type3A_252 : vector<16xi32> to vector<16xf32>
          %sub3A_270 = arith.subf %add3A_249, %convert_element_type3A_269 : vector<16xf32>
          %swap3A_271 = arith.constant 2 : i32
          %swap3A_272 = arith.index_cast %swap3A_271 : i32 to index
          %swap3A_273 = arith.index_cast %mul3A_225 : i32 to index
          %swap3A_274 = tpu.vector_load %arg7[%swap3A_272, %swap3A_273] {strides = array<i32>} : memref<3x2048xf32, #tpu.memory_space<vmem>>, vector<1x16xf32>,
          %swap3A_275 = vector.shape_cast %swap3A_274 : vector<1x16xf32> to vector<16xf32>
          %swap3A_276 = vector.shape_cast %sub3A_270 : vector<16xf32> to vector<1x16xf32>
          tpu.vector_store %arg7[%swap3A_272, %swap3A_273], %swap3A_276 {strides = array<i32>} : memref<3x2048xf32, #tpu.memory_space<vmem>>, vector<1x16xf32>,
          %min3A_277 = arith.constant 62 : i32
          %min3A_278 = vector.broadcast %min3A_277 : i32 to vector<16xi32>
          %min3A_279 = arith.minsi %convert_element_type3A_250, %min3A_278 : vector<16xi32>
          %min3A_280 = arith.constant 62 : i32
          %min3A_281 = vector.broadcast %min3A_280 : i32 to vector<16xi32>
          %min3A_282 = arith.minsi %convert_element_type3A_251, %min3A_281 : vector<16xi32>
          %min3A_283 = arith.constant 62 : i32
          %min3A_284 = vector.broadcast %min3A_283 : i32 to vector<16xi32>
          %min3A_285 = arith.minsi %convert_element_type3A_252, %min3A_284 : vector<16xi32>
          %shift_left3A_286 = arith.constant 12 : i32
          %shift_left3A_287 = vector.broadcast %shift_left3A_286 : i32 to vector<16xi32>
          %shift_left3A_288 = arith.shli %min3A_279, %shift_left3A_287 : vector<16xi32>
          %shift_left3A_289 = arith.constant 6 : i32
          %shift_left3A_290 = vector.broadcast %shift_left3A_289 : i32 to vector<16xi32>
          %shift_left3A_291 = arith.shli %min3A_282, %shift_left3A_290 : vector<16xi32>
          %add3A_292 = arith.addi %shift_left3A_288, %shift_left3A_291 : vector<16xi32>
          %add3A_293 = arith.addi %add3A_292, %min3A_285 : vector<16xi32>
          %add3A_294 = vector.broadcast %mul3A_4 : i32 to vector<16xi32>
          %add3A_295 = arith.addi %add3A_293, %add3A_294 : vector<16xi32>
          %add3A_296 = arith.constant 0 : i32
          %add3A_297 = vector.broadcast %add3A_296 : i32 to vector<16xi32>
          %add3A_298 = arith.addi %add3A_295, %add3A_297 : vector<16xi32>
          %add3A_299 = arith.constant 0 : i32
          %add3A_300 = arith.addi %add3A_299, %mul3A_225 : i32
          %swap3A_301 = arith.index_cast %add3A_300 : i32 to index
          %swap3A_302 = tpu.vector_load %arg9[%swap3A_301] {strides = array<i32>} : memref<8192xi32, #tpu.memory_space<vmem>>, vector<16xi32>,
          %swap3A_303 = vector.shape_cast %swap3A_302 : vector<16xi32> to vector<16xi32>
          %swap3A_304 = vector.shape_cast %add3A_298 : vector<16xi32> to vector<16xi32>
          tpu.vector_store %arg9[%swap3A_301], %swap3A_304 {strides = array<i32>} : memref<8192xi32, #tpu.memory_space<vmem>>, vector<16xi32>,
          %add3A_305 = arith.constant 64 : i32
          %add3A_306 = vector.broadcast %add3A_305 : i32 to vector<16xi32>
          %add3A_307 = arith.addi %add3A_295, %add3A_306 : vector<16xi32>
          %add3A_308 = arith.constant 2048 : i32
          %add3A_309 = arith.addi %add3A_308, %mul3A_225 : i32
          %swap3A_310 = arith.index_cast %add3A_309 : i32 to index
          %swap3A_311 = tpu.vector_load %arg9[%swap3A_310] {strides = array<i32>} : memref<8192xi32, #tpu.memory_space<vmem>>, vector<16xi32>,
          %swap3A_312 = vector.shape_cast %swap3A_311 : vector<16xi32> to vector<16xi32>
          %swap3A_313 = vector.shape_cast %add3A_307 : vector<16xi32> to vector<16xi32>
          tpu.vector_store %arg9[%swap3A_310], %swap3A_313 {strides = array<i32>} : memref<8192xi32, #tpu.memory_space<vmem>>, vector<16xi32>,
          %add3A_314 = arith.constant 4096 : i32
          %add3A_315 = vector.broadcast %add3A_314 : i32 to vector<16xi32>
          %add3A_316 = arith.addi %add3A_295, %add3A_315 : vector<16xi32>
          %add3A_317 = arith.constant 4096 : i32
          %add3A_318 = arith.addi %add3A_317, %mul3A_225 : i32
          %swap3A_319 = arith.index_cast %add3A_318 : i32 to index
          %swap3A_320 = tpu.vector_load %arg9[%swap3A_319] {strides = array<i32>} : memref<8192xi32, #tpu.memory_space<vmem>>, vector<16xi32>,
          %swap3A_321 = vector.shape_cast %swap3A_320 : vector<16xi32> to vector<16xi32>
          %swap3A_322 = vector.shape_cast %add3A_316 : vector<16xi32> to vector<16xi32>
          tpu.vector_store %arg9[%swap3A_319], %swap3A_322 {strides = array<i32>} : memref<8192xi32, #tpu.memory_space<vmem>>, vector<16xi32>,
          %add3A_323 = arith.constant 4160 : i32
          %add3A_324 = vector.broadcast %add3A_323 : i32 to vector<16xi32>
          %add3A_325 = arith.addi %add3A_295, %add3A_324 : vector<16xi32>
          %add3A_326 = arith.constant 6144 : i32
          %add3A_327 = arith.addi %add3A_326, %mul3A_225 : i32
          %swap3A_328 = arith.index_cast %add3A_327 : i32 to index
          %swap3A_329 = tpu.vector_load %arg9[%swap3A_328] {strides = array<i32>} : memref<8192xi32, #tpu.memory_space<vmem>>, vector<16xi32>,
          %swap3A_330 = vector.shape_cast %swap3A_329 : vector<16xi32> to vector<16xi32>
          %swap3A_331 = vector.shape_cast %add3A_325 : vector<16xi32> to vector<16xi32>
          tpu.vector_store %arg9[%swap3A_328], %swap3A_331 {strides = array<i32>} : memref<8192xi32, #tpu.memory_space<vmem>>, vector<16xi32>,
          %scan3A_332 = arith.constant 2 : i32
          %scan3A_333 = arith.addi %scan3A_118, %scan3A_332 : i32
          %mul3A_334 = arith.constant 16 : i32
          %mul3A_335 = arith.muli %scan3A_333, %mul3A_334 : i32
          %get3A_336 = arith.constant 0 : i32
          %get3A_337 = arith.index_cast %get3A_336 : i32 to index
          %get3A_338 = arith.index_cast %mul3A_335 : i32 to index
          %get3A_339 = tpu.vector_load %arg5[%get3A_337, %get3A_338] {strides = array<i32>} : memref<3x2048xf32, #tpu.memory_space<vmem>>, vector<1x16xf32>,
          %get3A_340 = vector.shape_cast %get3A_339 : vector<1x16xf32> to vector<16xf32>
          %add3A_341 = arith.constant 3.200000e+01 : f32
          %add3A_342 = vector.broadcast %add3A_341 : f32 to vector<16xf32>
          %add3A_343 = arith.addf %get3A_340, %add3A_342 : vector<16xf32>
          %get3A_344 = arith.constant 1 : i32
          %get3A_345 = arith.index_cast %get3A_344 : i32 to index
          %get3A_346 = arith.index_cast %mul3A_335 : i32 to index
          %get3A_347 = tpu.vector_load %arg5[%get3A_345, %get3A_346] {strides = array<i32>} : memref<3x2048xf32, #tpu.memory_space<vmem>>, vector<1x16xf32>,
          %get3A_348 = vector.shape_cast %get3A_347 : vector<1x16xf32> to vector<16xf32>
          %add3A_349 = arith.constant 3.200000e+01 : f32
          %add3A_350 = vector.broadcast %add3A_349 : f32 to vector<16xf32>
          %add3A_351 = arith.addf %get3A_348, %add3A_350 : vector<16xf32>
          %get3A_352 = arith.constant 2 : i32
          %get3A_353 = arith.index_cast %get3A_352 : i32 to index
          %get3A_354 = arith.index_cast %mul3A_335 : i32 to index
          %get3A_355 = tpu.vector_load %arg5[%get3A_353, %get3A_354] {strides = array<i32>} : memref<3x2048xf32, #tpu.memory_space<vmem>>, vector<1x16xf32>,
          %get3A_356 = vector.shape_cast %get3A_355 : vector<1x16xf32> to vector<16xf32>
          %add3A_357 = arith.constant 3.200000e+01 : f32
          %add3A_358 = vector.broadcast %add3A_357 : f32 to vector<16xf32>
          %add3A_359 = arith.addf %get3A_356, %add3A_358 : vector<16xf32>
          %convert_element_type3A_360 = arith.fptosi %add3A_343 : vector<16xf32> to vector<16xi32>
          %convert_element_type3A_361 = arith.fptosi %add3A_351 : vector<16xf32> to vector<16xi32>
          %convert_element_type3A_362 = arith.fptosi %add3A_359 : vector<16xf32> to vector<16xi32>
          %convert_element_type3A_363 = arith.sitofp %convert_element_type3A_360 : vector<16xi32> to vector<16xf32>
          %sub3A_364 = arith.subf %add3A_343, %convert_element_type3A_363 : vector<16xf32>
          %swap3A_365 = arith.constant 0 : i32
          %swap3A_366 = arith.index_cast %swap3A_365 : i32 to index
          %swap3A_367 = arith.index_cast %mul3A_335 : i32 to index
          %swap3A_368 = tpu.vector_load %arg7[%swap3A_366, %swap3A_367] {strides = array<i32>} : memref<3x2048xf32, #tpu.memory_space<vmem>>, vector<1x16xf32>,
          %swap3A_369 = vector.shape_cast %swap3A_368 : vector<1x16xf32> to vector<16xf32>
          %swap3A_370 = vector.shape_cast %sub3A_364 : vector<16xf32> to vector<1x16xf32>
          tpu.vector_store %arg7[%swap3A_366, %swap3A_367], %swap3A_370 {strides = array<i32>} : memref<3x2048xf32, #tpu.memory_space<vmem>>, vector<1x16xf32>,
          %convert_element_type3A_371 = arith.sitofp %convert_element_type3A_361 : vector<16xi32> to vector<16xf32>
          %sub3A_372 = arith.subf %add3A_351, %convert_element_type3A_371 : vector<16xf32>
          %swap3A_373 = arith.constant 1 : i32
          %swap3A_374 = arith.index_cast %swap3A_373 : i32 to index
          %swap3A_375 = arith.index_cast %mul3A_335 : i32 to index
          %swap3A_376 = tpu.vector_load %arg7[%swap3A_374, %swap3A_375] {strides = array<i32>} : memref<3x2048xf32, #tpu.memory_space<vmem>>, vector<1x16xf32>,
          %swap3A_377 = vector.shape_cast %swap3A_376 : vector<1x16xf32> to vector<16xf32>
          %swap3A_378 = vector.shape_cast %sub3A_372 : vector<16xf32> to vector<1x16xf32>
          tpu.vector_store %arg7[%swap3A_374, %swap3A_375], %swap3A_378 {strides = array<i32>} : memref<3x2048xf32, #tpu.memory_space<vmem>>, vector<1x16xf32>,
          %convert_element_type3A_379 = arith.sitofp %convert_element_type3A_362 : vector<16xi32> to vector<16xf32>
          %sub3A_380 = arith.subf %add3A_359, %convert_element_type3A_379 : vector<16xf32>
          %swap3A_381 = arith.constant 2 : i32
          %swap3A_382 = arith.index_cast %swap3A_381 : i32 to index
          %swap3A_383 = arith.index_cast %mul3A_335 : i32 to index
          %swap3A_384 = tpu.vector_load %arg7[%swap3A_382, %swap3A_383] {strides = array<i32>} : memref<3x2048xf32, #tpu.memory_space<vmem>>, vector<1x16xf32>,
          %swap3A_385 = vector.shape_cast %swap3A_384 : vector<1x16xf32> to vector<16xf32>
          %swap3A_386 = vector.shape_cast %sub3A_380 : vector<16xf32> to vector<1x16xf32>
          tpu.vector_store %arg7[%swap3A_382, %swap3A_383], %swap3A_386 {strides = array<i32>} : memref<3x2048xf32, #tpu.memory_space<vmem>>, vector<1x16xf32>,
          %min3A_387 = arith.constant 62 : i32
          %min3A_388 = vector.broadcast %min3A_387 : i32 to vector<16xi32>
          %min3A_389 = arith.minsi %convert_element_type3A_360, %min3A_388 : vector<16xi32>
          %min3A_390 = arith.constant 62 : i32
          %min3A_391 = vector.broadcast %min3A_390 : i32 to vector<16xi32>
          %min3A_392 = arith.minsi %convert_element_type3A_361, %min3A_391 : vector<16xi32>
          %min3A_393 = arith.constant 62 : i32
          %min3A_394 = vector.broadcast %min3A_393 : i32 to vector<16xi32>
          %min3A_395 = arith.minsi %convert_element_type3A_362, %min3A_394 : vector<16xi32>
          %shift_left3A_396 = arith.constant 12 : i32
          %shift_left3A_397 = vector.broadcast %shift_left3A_396 : i32 to vector<16xi32>
          %shift_left3A_398 = arith.shli %min3A_389, %shift_left3A_397 : vector<16xi32>
          %shift_left3A_399 = arith.constant 6 : i32
          %shift_left3A_400 = vector.broadcast %shift_left3A_399 : i32 to vector<16xi32>
          %shift_left3A_401 = arith.shli %min3A_392, %shift_left3A_400 : vector<16xi32>
          %add3A_402 = arith.addi %shift_left3A_398, %shift_left3A_401 : vector<16xi32>
          %add3A_403 = arith.addi %add3A_402, %min3A_395 : vector<16xi32>
          %add3A_404 = vector.broadcast %mul3A_4 : i32 to vector<16xi32>
          %add3A_405 = arith.addi %add3A_403, %add3A_404 : vector<16xi32>
          %add3A_406 = arith.constant 0 : i32
          %add3A_407 = vector.broadcast %add3A_406 : i32 to vector<16xi32>
          %add3A_408 = arith.addi %add3A_405, %add3A_407 : vector<16xi32>
          %add3A_409 = arith.constant 0 : i32
          %add3A_410 = arith.addi %add3A_409, %mul3A_335 : i32
          %swap3A_411 = arith.index_cast %add3A_410 : i32 to index
          %swap3A_412 = tpu.vector_load %arg9[%swap3A_411] {strides = array<i32>} : memref<8192xi32, #tpu.memory_space<vmem>>, vector<16xi32>,
          %swap3A_413 = vector.shape_cast %swap3A_412 : vector<16xi32> to vector<16xi32>
          %swap3A_414 = vector.shape_cast %add3A_408 : vector<16xi32> to vector<16xi32>
          tpu.vector_store %arg9[%swap3A_411], %swap3A_414 {strides = array<i32>} : memref<8192xi32, #tpu.memory_space<vmem>>, vector<16xi32>,
          %add3A_415 = arith.constant 64 : i32
          %add3A_416 = vector.broadcast %add3A_415 : i32 to vector<16xi32>
          %add3A_417 = arith.addi %add3A_405, %add3A_416 : vector<16xi32>
          %add3A_418 = arith.constant 2048 : i32
          %add3A_419 = arith.addi %add3A_418, %mul3A_335 : i32
          %swap3A_420 = arith.index_cast %add3A_419 : i32 to index
          %swap3A_421 = tpu.vector_load %arg9[%swap3A_420] {strides = array<i32>} : memref<8192xi32, #tpu.memory_space<vmem>>, vector<16xi32>,
          %swap3A_422 = vector.shape_cast %swap3A_421 : vector<16xi32> to vector<16xi32>
          %swap3A_423 = vector.shape_cast %add3A_417 : vector<16xi32> to vector<16xi32>
          tpu.vector_store %arg9[%swap3A_420], %swap3A_423 {strides = array<i32>} : memref<8192xi32, #tpu.memory_space<vmem>>, vector<16xi32>,
          %add3A_424 = arith.constant 4096 : i32
          %add3A_425 = vector.broadcast %add3A_424 : i32 to vector<16xi32>
          %add3A_426 = arith.addi %add3A_405, %add3A_425 : vector<16xi32>
          %add3A_427 = arith.constant 4096 : i32
          %add3A_428 = arith.addi %add3A_427, %mul3A_335 : i32
          %swap3A_429 = arith.index_cast %add3A_428 : i32 to index
          %swap3A_430 = tpu.vector_load %arg9[%swap3A_429] {strides = array<i32>} : memref<8192xi32, #tpu.memory_space<vmem>>, vector<16xi32>,
          %swap3A_431 = vector.shape_cast %swap3A_430 : vector<16xi32> to vector<16xi32>
          %swap3A_432 = vector.shape_cast %add3A_426 : vector<16xi32> to vector<16xi32>
          tpu.vector_store %arg9[%swap3A_429], %swap3A_432 {strides = array<i32>} : memref<8192xi32, #tpu.memory_space<vmem>>, vector<16xi32>,
          %add3A_433 = arith.constant 4160 : i32
          %add3A_434 = vector.broadcast %add3A_433 : i32 to vector<16xi32>
          %add3A_435 = arith.addi %add3A_405, %add3A_434 : vector<16xi32>
          %add3A_436 = arith.constant 6144 : i32
          %add3A_437 = arith.addi %add3A_436, %mul3A_335 : i32
          %swap3A_438 = arith.index_cast %add3A_437 : i32 to index
          %swap3A_439 = tpu.vector_load %arg9[%swap3A_438] {strides = array<i32>} : memref<8192xi32, #tpu.memory_space<vmem>>, vector<16xi32>,
          %swap3A_440 = vector.shape_cast %swap3A_439 : vector<16xi32> to vector<16xi32>
          %swap3A_441 = vector.shape_cast %add3A_435 : vector<16xi32> to vector<16xi32>
          tpu.vector_store %arg9[%swap3A_438], %swap3A_441 {strides = array<i32>} : memref<8192xi32, #tpu.memory_space<vmem>>, vector<16xi32>,
          %scan3A_442 = arith.constant 3 : i32
          %scan3A_443 = arith.addi %scan3A_118, %scan3A_442 : i32
          %mul3A_444 = arith.constant 16 : i32
          %mul3A_445 = arith.muli %scan3A_443, %mul3A_444 : i32
          %get3A_446 = arith.constant 0 : i32
          %get3A_447 = arith.index_cast %get3A_446 : i32 to index
          %get3A_448 = arith.index_cast %mul3A_445 : i32 to index
          %get3A_449 = tpu.vector_load %arg5[%get3A_447, %get3A_448] {strides = array<i32>} : memref<3x2048xf32, #tpu.memory_space<vmem>>, vector<1x16xf32>,
          %get3A_450 = vector.shape_cast %get3A_449 : vector<1x16xf32> to vector<16xf32>
          %add3A_451 = arith.constant 3.200000e+01 : f32
          %add3A_452 = vector.broadcast %add3A_451 : f32 to vector<16xf32>
          %add3A_453 = arith.addf %get3A_450, %add3A_452 : vector<16xf32>
          %get3A_454 = arith.constant 1 : i32
          %get3A_455 = arith.index_cast %get3A_454 : i32 to index
          %get3A_456 = arith.index_cast %mul3A_445 : i32 to index
          %get3A_457 = tpu.vector_load %arg5[%get3A_455, %get3A_456] {strides = array<i32>} : memref<3x2048xf32, #tpu.memory_space<vmem>>, vector<1x16xf32>,
          %get3A_458 = vector.shape_cast %get3A_457 : vector<1x16xf32> to vector<16xf32>
          %add3A_459 = arith.constant 3.200000e+01 : f32
          %add3A_460 = vector.broadcast %add3A_459 : f32 to vector<16xf32>
          %add3A_461 = arith.addf %get3A_458, %add3A_460 : vector<16xf32>
          %get3A_462 = arith.constant 2 : i32
          %get3A_463 = arith.index_cast %get3A_462 : i32 to index
          %get3A_464 = arith.index_cast %mul3A_445 : i32 to index
          %get3A_465 = tpu.vector_load %arg5[%get3A_463, %get3A_464] {strides = array<i32>} : memref<3x2048xf32, #tpu.memory_space<vmem>>, vector<1x16xf32>,
          %get3A_466 = vector.shape_cast %get3A_465 : vector<1x16xf32> to vector<16xf32>
          %add3A_467 = arith.constant 3.200000e+01 : f32
          %add3A_468 = vector.broadcast %add3A_467 : f32 to vector<16xf32>
          %add3A_469 = arith.addf %get3A_466, %add3A_468 : vector<16xf32>
          %convert_element_type3A_470 = arith.fptosi %add3A_453 : vector<16xf32> to vector<16xi32>
          %convert_element_type3A_471 = arith.fptosi %add3A_461 : vector<16xf32> to vector<16xi32>
          %convert_element_type3A_472 = arith.fptosi %add3A_469 : vector<16xf32> to vector<16xi32>
          %convert_element_type3A_473 = arith.sitofp %convert_element_type3A_470 : vector<16xi32> to vector<16xf32>
          %sub3A_474 = arith.subf %add3A_453, %convert_element_type3A_473 : vector<16xf32>
          %swap3A_475 = arith.constant 0 : i32
          %swap3A_476 = arith.index_cast %swap3A_475 : i32 to index
          %swap3A_477 = arith.index_cast %mul3A_445 : i32 to index
          %swap3A_478 = tpu.vector_load %arg7[%swap3A_476, %swap3A_477] {strides = array<i32>} : memref<3x2048xf32, #tpu.memory_space<vmem>>, vector<1x16xf32>,
          %swap3A_479 = vector.shape_cast %swap3A_478 : vector<1x16xf32> to vector<16xf32>
          %swap3A_480 = vector.shape_cast %sub3A_474 : vector<16xf32> to vector<1x16xf32>
          tpu.vector_store %arg7[%swap3A_476, %swap3A_477], %swap3A_480 {strides = array<i32>} : memref<3x2048xf32, #tpu.memory_space<vmem>>, vector<1x16xf32>,
          %convert_element_type3A_481 = arith.sitofp %convert_element_type3A_471 : vector<16xi32> to vector<16xf32>
          %sub3A_482 = arith.subf %add3A_461, %convert_element_type3A_481 : vector<16xf32>
          %swap3A_483 = arith.constant 1 : i32
          %swap3A_484 = arith.index_cast %swap3A_483 : i32 to index
          %swap3A_485 = arith.index_cast %mul3A_445 : i32 to index
          %swap3A_486 = tpu.vector_load %arg7[%swap3A_484, %swap3A_485] {strides = array<i32>} : memref<3x2048xf32, #tpu.memory_space<vmem>>, vector<1x16xf32>,
          %swap3A_487 = vector.shape_cast %swap3A_486 : vector<1x16xf32> to vector<16xf32>
          %swap3A_488 = vector.shape_cast %sub3A_482 : vector<16xf32> to vector<1x16xf32>
          tpu.vector_store %arg7[%swap3A_484, %swap3A_485], %swap3A_488 {strides = array<i32>} : memref<3x2048xf32, #tpu.memory_space<vmem>>, vector<1x16xf32>,
          %convert_element_type3A_489 = arith.sitofp %convert_element_type3A_472 : vector<16xi32> to vector<16xf32>
          %sub3A_490 = arith.subf %add3A_469, %convert_element_type3A_489 : vector<16xf32>
          %swap3A_491 = arith.constant 2 : i32
          %swap3A_492 = arith.index_cast %swap3A_491 : i32 to index
          %swap3A_493 = arith.index_cast %mul3A_445 : i32 to index
          %swap3A_494 = tpu.vector_load %arg7[%swap3A_492, %swap3A_493] {strides = array<i32>} : memref<3x2048xf32, #tpu.memory_space<vmem>>, vector<1x16xf32>,
          %swap3A_495 = vector.shape_cast %swap3A_494 : vector<1x16xf32> to vector<16xf32>
          %swap3A_496 = vector.shape_cast %sub3A_490 : vector<16xf32> to vector<1x16xf32>
          tpu.vector_store %arg7[%swap3A_492, %swap3A_493], %swap3A_496 {strides = array<i32>} : memref<3x2048xf32, #tpu.memory_space<vmem>>, vector<1x16xf32>,
          %min3A_497 = arith.constant 62 : i32
          %min3A_498 = vector.broadcast %min3A_497 : i32 to vector<16xi32>
          %min3A_499 = arith.minsi %convert_element_type3A_470, %min3A_498 : vector<16xi32>
          %min3A_500 = arith.constant 62 : i32
          %min3A_501 = vector.broadcast %min3A_500 : i32 to vector<16xi32>
          %min3A_502 = arith.minsi %convert_element_type3A_471, %min3A_501 : vector<16xi32>
          %min3A_503 = arith.constant 62 : i32
          %min3A_504 = vector.broadcast %min3A_503 : i32 to vector<16xi32>
          %min3A_505 = arith.minsi %convert_element_type3A_472, %min3A_504 : vector<16xi32>
          %shift_left3A_506 = arith.constant 12 : i32
          %shift_left3A_507 = vector.broadcast %shift_left3A_506 : i32 to vector<16xi32>
          %shift_left3A_508 = arith.shli %min3A_499, %shift_left3A_507 : vector<16xi32>
          %shift_left3A_509 = arith.constant 6 : i32
          %shift_left3A_510 = vector.broadcast %shift_left3A_509 : i32 to vector<16xi32>
          %shift_left3A_511 = arith.shli %min3A_502, %shift_left3A_510 : vector<16xi32>
          %add3A_512 = arith.addi %shift_left3A_508, %shift_left3A_511 : vector<16xi32>
          %add3A_513 = arith.addi %add3A_512, %min3A_505 : vector<16xi32>
          %add3A_514 = vector.broadcast %mul3A_4 : i32 to vector<16xi32>
          %add3A_515 = arith.addi %add3A_513, %add3A_514 : vector<16xi32>
          %add3A_516 = arith.constant 0 : i32
          %add3A_517 = vector.broadcast %add3A_516 : i32 to vector<16xi32>
          %add3A_518 = arith.addi %add3A_515, %add3A_517 : vector<16xi32>
          %add3A_519 = arith.constant 0 : i32
          %add3A_520 = arith.addi %add3A_519, %mul3A_445 : i32
          %swap3A_521 = arith.index_cast %add3A_520 : i32 to index
          %swap3A_522 = tpu.vector_load %arg9[%swap3A_521] {strides = array<i32>} : memref<8192xi32, #tpu.memory_space<vmem>>, vector<16xi32>,
          %swap3A_523 = vector.shape_cast %swap3A_522 : vector<16xi32> to vector<16xi32>
          %swap3A_524 = vector.shape_cast %add3A_518 : vector<16xi32> to vector<16xi32>
          tpu.vector_store %arg9[%swap3A_521], %swap3A_524 {strides = array<i32>} : memref<8192xi32, #tpu.memory_space<vmem>>, vector<16xi32>,
          %add3A_525 = arith.constant 64 : i32
          %add3A_526 = vector.broadcast %add3A_525 : i32 to vector<16xi32>
          %add3A_527 = arith.addi %add3A_515, %add3A_526 : vector<16xi32>
          %add3A_528 = arith.constant 2048 : i32
          %add3A_529 = arith.addi %add3A_528, %mul3A_445 : i32
          %swap3A_530 = arith.index_cast %add3A_529 : i32 to index
          %swap3A_531 = tpu.vector_load %arg9[%swap3A_530] {strides = array<i32>} : memref<8192xi32, #tpu.memory_space<vmem>>, vector<16xi32>,
          %swap3A_532 = vector.shape_cast %swap3A_531 : vector<16xi32> to vector<16xi32>
          %swap3A_533 = vector.shape_cast %add3A_527 : vector<16xi32> to vector<16xi32>
          tpu.vector_store %arg9[%swap3A_530], %swap3A_533 {strides = array<i32>} : memref<8192xi32, #tpu.memory_space<vmem>>, vector<16xi32>,
          %add3A_534 = arith.constant 4096 : i32
          %add3A_535 = vector.broadcast %add3A_534 : i32 to vector<16xi32>
          %add3A_536 = arith.addi %add3A_515, %add3A_535 : vector<16xi32>
          %add3A_537 = arith.constant 4096 : i32
          %add3A_538 = arith.addi %add3A_537, %mul3A_445 : i32
          %swap3A_539 = arith.index_cast %add3A_538 : i32 to index
          %swap3A_540 = tpu.vector_load %arg9[%swap3A_539] {strides = array<i32>} : memref<8192xi32, #tpu.memory_space<vmem>>, vector<16xi32>,
          %swap3A_541 = vector.shape_cast %swap3A_540 : vector<16xi32> to vector<16xi32>
          %swap3A_542 = vector.shape_cast %add3A_536 : vector<16xi32> to vector<16xi32>
          tpu.vector_store %arg9[%swap3A_539], %swap3A_542 {strides = array<i32>} : memref<8192xi32, #tpu.memory_space<vmem>>, vector<16xi32>,
          %add3A_543 = arith.constant 4160 : i32
          %add3A_544 = vector.broadcast %add3A_543 : i32 to vector<16xi32>
          %add3A_545 = arith.addi %add3A_515, %add3A_544 : vector<16xi32>
          %add3A_546 = arith.constant 6144 : i32
          %add3A_547 = arith.addi %add3A_546, %mul3A_445 : i32
          %swap3A_548 = arith.index_cast %add3A_547 : i32 to index
          %swap3A_549 = tpu.vector_load %arg9[%swap3A_548] {strides = array<i32>} : memref<8192xi32, #tpu.memory_space<vmem>>, vector<16xi32>,
          %swap3A_550 = vector.shape_cast %swap3A_549 : vector<16xi32> to vector<16xi32>
          %swap3A_551 = vector.shape_cast %add3A_545 : vector<16xi32> to vector<16xi32>
          tpu.vector_store %arg9[%swap3A_548], %swap3A_551 {strides = array<i32>} : memref<8192xi32, #tpu.memory_space<vmem>>, vector<16xi32>,
        }
        %scan3A_115 = arith.constant 128 : i32
        %dma_start3A_116 = arith.constant 0 : i32
        %dma_start3A_117 = tpu.memref_slice %arg2[%dma_start3A_116] : memref<8388608xi32, #tpu.memory_space<hbm>> -> memref<8388608xi32, #tpu.memory_space<hbm>>
        tpu.enqueue_indirect_dma source(%dma_start3A_117 : memref<8388608xi32, #tpu.memory_space<hbm>>) target(%arg11 : memref<8192xi32, #tpu.memory_space<vmem>>) offsets(%arg9 : memref<8192xi32, #tpu.memory_space<vmem>>) semaphore(%arg17 : memref<!tpu.dma_semaphore, #tpu.memory_space<semaphore_mem>>)
      } else {
      }
      %add3A_81 = arith.constant 2 : i32
      %add3A_82 = arith.addi %add3A_73, %add3A_81 : i32
      %lt3A_83 = arith.constant 32 : i32
      %lt3A_84 = arith.cmpi slt, %add3A_82, %lt3A_83 : i32
      %convert_element_type3A_85 = arith.extui %lt3A_84 : i1 to i32
      %cond3A_86 = arith.constant 0 : i32
      %cond3A_87 = arith.cmpi ne, %convert_element_type3A_85, %cond3A_86 : i32
      scf.if %cond3A_87 {
        %add3A_105 = arith.constant 2 : i32
        %add3A_106 = arith.addi %add3A_73, %add3A_105 : i32
        %mul3A_107 = arith.constant 2048 : i32
        %mul3A_108 = arith.muli %add3A_106, %mul3A_107 : i32
        %add3A_109 = arith.addi %mul3A_2, %mul3A_108 : i32
        %dma_start3A_110 = arith.constant 0 : i32
        %dma_start3A_111 = tpu.memref_slice %arg3[%dma_start3A_110, %add3A_109] : memref<3x2097152xf32, #tpu.memory_space<hbm>> -> memref<3x2048xf32, #tpu.memory_space<hbm>>
        %dma_start3A_112 = arith.constant 0 : i32
        %dma_start3A_113 = tpu.memref_slice %arg3[%dma_start3A_112, %add3A_109] : memref<3x2097152xf32, #tpu.memory_space<hbm>> -> memref<3x2048xf32, #tpu.memory_space<hbm>>
        tpu.enqueue_dma source(%dma_start3A_113 : memref<3x2048xf32, #tpu.memory_space<hbm>>) target(%arg6 : memref<3x2048xf32, #tpu.memory_space<vmem>>) target_semaphore(%arg16 : memref<!tpu.dma_semaphore, #tpu.memory_space<semaphore_mem>>)
      } else {
      }
      %ge3A_88 = arith.constant 2 : i32
      %ge3A_89 = arith.cmpi sge, %add3A_73, %ge3A_88 : i32
      %convert_element_type3A_90 = arith.extui %ge3A_89 : i1 to i32
      %cond3A_91 = arith.constant 0 : i32
      %cond3A_92 = arith.cmpi ne, %convert_element_type3A_90, %cond3A_91 : i32
      scf.if %cond3A_92 {
        %dma_wait3A_105 = arith.constant 0 : i32
        %dma_wait3A_106 = tpu.memref_slice %arg4[%dma_wait3A_105] : memref<2097152xf32, #tpu.memory_space<hbm>> -> memref<2048xf32, #tpu.memory_space<hbm>>
        %dma_wait3A_107 = arith.constant 0 : i32
        %dma_wait3A_108 = tpu.memref_slice %arg4[%dma_wait3A_107] : memref<2097152xf32, #tpu.memory_space<hbm>> -> memref<2048xf32, #tpu.memory_space<hbm>>
        tpu.wait_dma2 semaphore(%arg20 : memref<!tpu.dma_semaphore, #tpu.memory_space<semaphore_mem>>) src(%arg14 : memref<2048xf32, #tpu.memory_space<vmem>>) dst(%dma_wait3A_108 : memref<2048xf32, #tpu.memory_space<hbm>>)
      } else {
      }
      %dma_wait3A_93 = arith.constant 0 : i32
      %dma_wait3A_94 = tpu.memref_slice %arg2[%dma_wait3A_93] : memref<8388608xi32, #tpu.memory_space<hbm>> -> memref<8388608xi32, #tpu.memory_space<hbm>>
      tpu.wait_indirect_dma semaphore(%arg18 : memref<!tpu.dma_semaphore, #tpu.memory_space<semaphore_mem>>) src(%dma_wait3A_94 : memref<8388608xi32, #tpu.memory_space<hbm>>) dst(%arg12 : memref<8192xi32, #tpu.memory_space<vmem>>)
      %scan3A_95 = arith.constant 0 : i32
      %scan3A_96 = arith.constant 128 : i32
      %scan3A_97 = arith.addi %scan3A_95, %scan3A_96 : i32
      %scan3A_98 = arith.constant 4 : i32
      scf.for %scan3A_105 = %scan3A_95 to %scan3A_97 step %scan3A_98  : i32 {
        %mul3A_106 = arith.constant 16 : i32
        %mul3A_107 = arith.muli %scan3A_105, %mul3A_106 : i32
        %get3A = arith.constant 0 : i32
        %get3A_108 = arith.index_cast %get3A : i32 to index
        %get3A_109 = arith.index_cast %mul3A_107 : i32 to index
        %get3A_110 = tpu.vector_load %arg8[%get3A_108, %get3A_109] {strides = array<i32>} : memref<3x2048xf32, #tpu.memory_space<vmem>>, vector<1x16xf32>,
        %get3A_111 = vector.shape_cast %get3A_110 : vector<1x16xf32> to vector<16xf32>
        %get3A_112 = arith.constant 1 : i32
        %get3A_113 = arith.index_cast %get3A_112 : i32 to index
        %get3A_114 = arith.index_cast %mul3A_107 : i32 to index
        %get3A_115 = tpu.vector_load %arg8[%get3A_113, %get3A_114] {strides = array<i32>} : memref<3x2048xf32, #tpu.memory_space<vmem>>, vector<1x16xf32>,
        %get3A_116 = vector.shape_cast %get3A_115 : vector<1x16xf32> to vector<16xf32>
        %get3A_117 = arith.constant 2 : i32
        %get3A_118 = arith.index_cast %get3A_117 : i32 to index
        %get3A_119 = arith.index_cast %mul3A_107 : i32 to index
        %get3A_120 = tpu.vector_load %arg8[%get3A_118, %get3A_119] {strides = array<i32>} : memref<3x2048xf32, #tpu.memory_space<vmem>>, vector<1x16xf32>,
        %get3A_121 = vector.shape_cast %get3A_120 : vector<1x16xf32> to vector<16xf32>
        %add3A_122 = arith.constant 0 : i32
        %add3A_123 = arith.addi %add3A_122, %mul3A_107 : i32
        %get3A_124 = arith.index_cast %add3A_123 : i32 to index
        %get3A_125 = tpu.vector_load %arg12[%get3A_124] {strides = array<i32>} : memref<8192xi32, #tpu.memory_space<vmem>>, vector<16xi32>,
        %get3A_126 = vector.shape_cast %get3A_125 : vector<16xi32> to vector<16xi32>
        %shift_left3A = arith.constant 16 : i32
        %shift_left3A_127 = vector.broadcast %shift_left3A : i32 to vector<16xi32>
        %shift_left3A_128 = arith.shli %get3A_126, %shift_left3A_127 : vector<16xi32>
        %bitcast_convert_type3A = tpu.bitcast %shift_left3A_128 : vector<16xi32> -> vector<16xf32>
        %and3A = arith.constant -65536 : i32
        %and3A_129 = vector.broadcast %and3A : i32 to vector<16xi32>
        %and3A_130 = arith.andi %get3A_126, %and3A_129 : vector<16xi32>
        %bitcast_convert_type3A_131 = tpu.bitcast %and3A_130 : vector<16xi32> -> vector<16xf32>
        %sub3A = arith.subf %bitcast_convert_type3A_131, %bitcast_convert_type3A : vector<16xf32>
        %mul3A_132 = arith.mulf %get3A_121, %sub3A : vector<16xf32>
        %add3A_133 = arith.addf %bitcast_convert_type3A, %mul3A_132 : vector<16xf32>
        %add3A_134 = arith.constant 2048 : i32
        %add3A_135 = arith.addi %add3A_134, %mul3A_107 : i32
        %get3A_136 = arith.index_cast %add3A_135 : i32 to index
        %get3A_137 = tpu.vector_load %arg12[%get3A_136] {strides = array<i32>} : memref<8192xi32, #tpu.memory_space<vmem>>, vector<16xi32>,
        %get3A_138 = vector.shape_cast %get3A_137 : vector<16xi32> to vector<16xi32>
        %shift_left3A_139 = arith.constant 16 : i32
        %shift_left3A_140 = vector.broadcast %shift_left3A_139 : i32 to vector<16xi32>
        %shift_left3A_141 = arith.shli %get3A_138, %shift_left3A_140 : vector<16xi32>
        %bitcast_convert_type3A_142 = tpu.bitcast %shift_left3A_141 : vector<16xi32> -> vector<16xf32>
        %and3A_143 = arith.constant -65536 : i32
        %and3A_144 = vector.broadcast %and3A_143 : i32 to vector<16xi32>
        %and3A_145 = arith.andi %get3A_138, %and3A_144 : vector<16xi32>
        %bitcast_convert_type3A_146 = tpu.bitcast %and3A_145 : vector<16xi32> -> vector<16xf32>
        %sub3A_147 = arith.subf %bitcast_convert_type3A_146, %bitcast_convert_type3A_142 : vector<16xf32>
        %mul3A_148 = arith.mulf %get3A_121, %sub3A_147 : vector<16xf32>
        %add3A_149 = arith.addf %bitcast_convert_type3A_142, %mul3A_148 : vector<16xf32>
        %add3A_150 = arith.constant 4096 : i32
        %add3A_151 = arith.addi %add3A_150, %mul3A_107 : i32
        %get3A_152 = arith.index_cast %add3A_151 : i32 to index
        %get3A_153 = tpu.vector_load %arg12[%get3A_152] {strides = array<i32>} : memref<8192xi32, #tpu.memory_space<vmem>>, vector<16xi32>,
        %get3A_154 = vector.shape_cast %get3A_153 : vector<16xi32> to vector<16xi32>
        %shift_left3A_155 = arith.constant 16 : i32
        %shift_left3A_156 = vector.broadcast %shift_left3A_155 : i32 to vector<16xi32>
        %shift_left3A_157 = arith.shli %get3A_154, %shift_left3A_156 : vector<16xi32>
        %bitcast_convert_type3A_158 = tpu.bitcast %shift_left3A_157 : vector<16xi32> -> vector<16xf32>
        %and3A_159 = arith.constant -65536 : i32
        %and3A_160 = vector.broadcast %and3A_159 : i32 to vector<16xi32>
        %and3A_161 = arith.andi %get3A_154, %and3A_160 : vector<16xi32>
        %bitcast_convert_type3A_162 = tpu.bitcast %and3A_161 : vector<16xi32> -> vector<16xf32>
        %sub3A_163 = arith.subf %bitcast_convert_type3A_162, %bitcast_convert_type3A_158 : vector<16xf32>
        %mul3A_164 = arith.mulf %get3A_121, %sub3A_163 : vector<16xf32>
        %add3A_165 = arith.addf %bitcast_convert_type3A_158, %mul3A_164 : vector<16xf32>
        %add3A_166 = arith.constant 6144 : i32
        %add3A_167 = arith.addi %add3A_166, %mul3A_107 : i32
        %get3A_168 = arith.index_cast %add3A_167 : i32 to index
        %get3A_169 = tpu.vector_load %arg12[%get3A_168] {strides = array<i32>} : memref<8192xi32, #tpu.memory_space<vmem>>, vector<16xi32>,
        %get3A_170 = vector.shape_cast %get3A_169 : vector<16xi32> to vector<16xi32>
        %shift_left3A_171 = arith.constant 16 : i32
        %shift_left3A_172 = vector.broadcast %shift_left3A_171 : i32 to vector<16xi32>
        %shift_left3A_173 = arith.shli %get3A_170, %shift_left3A_172 : vector<16xi32>
        %bitcast_convert_type3A_174 = tpu.bitcast %shift_left3A_173 : vector<16xi32> -> vector<16xf32>
        %and3A_175 = arith.constant -65536 : i32
        %and3A_176 = vector.broadcast %and3A_175 : i32 to vector<16xi32>
        %and3A_177 = arith.andi %get3A_170, %and3A_176 : vector<16xi32>
        %bitcast_convert_type3A_178 = tpu.bitcast %and3A_177 : vector<16xi32> -> vector<16xf32>
        %sub3A_179 = arith.subf %bitcast_convert_type3A_178, %bitcast_convert_type3A_174 : vector<16xf32>
        %mul3A_180 = arith.mulf %get3A_121, %sub3A_179 : vector<16xf32>
        %add3A_181 = arith.addf %bitcast_convert_type3A_174, %mul3A_180 : vector<16xf32>
        %sub3A_182 = arith.subf %add3A_149, %add3A_133 : vector<16xf32>
        %mul3A_183 = arith.mulf %get3A_116, %sub3A_182 : vector<16xf32>
        %add3A_184 = arith.addf %add3A_133, %mul3A_183 : vector<16xf32>
        %sub3A_185 = arith.subf %add3A_181, %add3A_165 : vector<16xf32>
        %mul3A_186 = arith.mulf %get3A_116, %sub3A_185 : vector<16xf32>
        %add3A_187 = arith.addf %add3A_165, %mul3A_186 : vector<16xf32>
        %sub3A_188 = arith.subf %add3A_187, %add3A_184 : vector<16xf32>
        %mul3A_189 = arith.mulf %get3A_111, %sub3A_188 : vector<16xf32>
        %add3A_190 = arith.addf %add3A_184, %mul3A_189 : vector<16xf32>
        %swap3A = arith.index_cast %mul3A_107 : i32 to index
        %swap3A_191 = tpu.vector_load %arg14[%swap3A] {strides = array<i32>} : memref<2048xf32, #tpu.memory_space<vmem>>, vector<16xf32>,
        %swap3A_192 = vector.shape_cast %swap3A_191 : vector<16xf32> to vector<16xf32>
        %swap3A_193 = vector.shape_cast %add3A_190 : vector<16xf32> to vector<16xf32>
        tpu.vector_store %arg14[%swap3A], %swap3A_193 {strides = array<i32>} : memref<2048xf32, #tpu.memory_space<vmem>>, vector<16xf32>,
        %scan3A_194 = arith.constant 1 : i32
        %scan3A_195 = arith.addi %scan3A_105, %scan3A_194 : i32
        %mul3A_196 = arith.constant 16 : i32
        %mul3A_197 = arith.muli %scan3A_195, %mul3A_196 : i32
        %get3A_198 = arith.constant 0 : i32
        %get3A_199 = arith.index_cast %get3A_198 : i32 to index
        %get3A_200 = arith.index_cast %mul3A_197 : i32 to index
        %get3A_201 = tpu.vector_load %arg8[%get3A_199, %get3A_200] {strides = array<i32>} : memref<3x2048xf32, #tpu.memory_space<vmem>>, vector<1x16xf32>,
        %get3A_202 = vector.shape_cast %get3A_201 : vector<1x16xf32> to vector<16xf32>
        %get3A_203 = arith.constant 1 : i32
        %get3A_204 = arith.index_cast %get3A_203 : i32 to index
        %get3A_205 = arith.index_cast %mul3A_197 : i32 to index
        %get3A_206 = tpu.vector_load %arg8[%get3A_204, %get3A_205] {strides = array<i32>} : memref<3x2048xf32, #tpu.memory_space<vmem>>, vector<1x16xf32>,
        %get3A_207 = vector.shape_cast %get3A_206 : vector<1x16xf32> to vector<16xf32>
        %get3A_208 = arith.constant 2 : i32
        %get3A_209 = arith.index_cast %get3A_208 : i32 to index
        %get3A_210 = arith.index_cast %mul3A_197 : i32 to index
        %get3A_211 = tpu.vector_load %arg8[%get3A_209, %get3A_210] {strides = array<i32>} : memref<3x2048xf32, #tpu.memory_space<vmem>>, vector<1x16xf32>,
        %get3A_212 = vector.shape_cast %get3A_211 : vector<1x16xf32> to vector<16xf32>
        %add3A_213 = arith.constant 0 : i32
        %add3A_214 = arith.addi %add3A_213, %mul3A_197 : i32
        %get3A_215 = arith.index_cast %add3A_214 : i32 to index
        %get3A_216 = tpu.vector_load %arg12[%get3A_215] {strides = array<i32>} : memref<8192xi32, #tpu.memory_space<vmem>>, vector<16xi32>,
        %get3A_217 = vector.shape_cast %get3A_216 : vector<16xi32> to vector<16xi32>
        %shift_left3A_218 = arith.constant 16 : i32
        %shift_left3A_219 = vector.broadcast %shift_left3A_218 : i32 to vector<16xi32>
        %shift_left3A_220 = arith.shli %get3A_217, %shift_left3A_219 : vector<16xi32>
        %bitcast_convert_type3A_221 = tpu.bitcast %shift_left3A_220 : vector<16xi32> -> vector<16xf32>
        %and3A_222 = arith.constant -65536 : i32
        %and3A_223 = vector.broadcast %and3A_222 : i32 to vector<16xi32>
        %and3A_224 = arith.andi %get3A_217, %and3A_223 : vector<16xi32>
        %bitcast_convert_type3A_225 = tpu.bitcast %and3A_224 : vector<16xi32> -> vector<16xf32>
        %sub3A_226 = arith.subf %bitcast_convert_type3A_225, %bitcast_convert_type3A_221 : vector<16xf32>
        %mul3A_227 = arith.mulf %get3A_212, %sub3A_226 : vector<16xf32>
        %add3A_228 = arith.addf %bitcast_convert_type3A_221, %mul3A_227 : vector<16xf32>
        %add3A_229 = arith.constant 2048 : i32
        %add3A_230 = arith.addi %add3A_229, %mul3A_197 : i32
        %get3A_231 = arith.index_cast %add3A_230 : i32 to index
        %get3A_232 = tpu.vector_load %arg12[%get3A_231] {strides = array<i32>} : memref<8192xi32, #tpu.memory_space<vmem>>, vector<16xi32>,
        %get3A_233 = vector.shape_cast %get3A_232 : vector<16xi32> to vector<16xi32>
        %shift_left3A_234 = arith.constant 16 : i32
        %shift_left3A_235 = vector.broadcast %shift_left3A_234 : i32 to vector<16xi32>
        %shift_left3A_236 = arith.shli %get3A_233, %shift_left3A_235 : vector<16xi32>
        %bitcast_convert_type3A_237 = tpu.bitcast %shift_left3A_236 : vector<16xi32> -> vector<16xf32>
        %and3A_238 = arith.constant -65536 : i32
        %and3A_239 = vector.broadcast %and3A_238 : i32 to vector<16xi32>
        %and3A_240 = arith.andi %get3A_233, %and3A_239 : vector<16xi32>
        %bitcast_convert_type3A_241 = tpu.bitcast %and3A_240 : vector<16xi32> -> vector<16xf32>
        %sub3A_242 = arith.subf %bitcast_convert_type3A_241, %bitcast_convert_type3A_237 : vector<16xf32>
        %mul3A_243 = arith.mulf %get3A_212, %sub3A_242 : vector<16xf32>
        %add3A_244 = arith.addf %bitcast_convert_type3A_237, %mul3A_243 : vector<16xf32>
        %add3A_245 = arith.constant 4096 : i32
        %add3A_246 = arith.addi %add3A_245, %mul3A_197 : i32
        %get3A_247 = arith.index_cast %add3A_246 : i32 to index
        %get3A_248 = tpu.vector_load %arg12[%get3A_247] {strides = array<i32>} : memref<8192xi32, #tpu.memory_space<vmem>>, vector<16xi32>,
        %get3A_249 = vector.shape_cast %get3A_248 : vector<16xi32> to vector<16xi32>
        %shift_left3A_250 = arith.constant 16 : i32
        %shift_left3A_251 = vector.broadcast %shift_left3A_250 : i32 to vector<16xi32>
        %shift_left3A_252 = arith.shli %get3A_249, %shift_left3A_251 : vector<16xi32>
        %bitcast_convert_type3A_253 = tpu.bitcast %shift_left3A_252 : vector<16xi32> -> vector<16xf32>
        %and3A_254 = arith.constant -65536 : i32
        %and3A_255 = vector.broadcast %and3A_254 : i32 to vector<16xi32>
        %and3A_256 = arith.andi %get3A_249, %and3A_255 : vector<16xi32>
        %bitcast_convert_type3A_257 = tpu.bitcast %and3A_256 : vector<16xi32> -> vector<16xf32>
        %sub3A_258 = arith.subf %bitcast_convert_type3A_257, %bitcast_convert_type3A_253 : vector<16xf32>
        %mul3A_259 = arith.mulf %get3A_212, %sub3A_258 : vector<16xf32>
        %add3A_260 = arith.addf %bitcast_convert_type3A_253, %mul3A_259 : vector<16xf32>
        %add3A_261 = arith.constant 6144 : i32
        %add3A_262 = arith.addi %add3A_261, %mul3A_197 : i32
        %get3A_263 = arith.index_cast %add3A_262 : i32 to index
        %get3A_264 = tpu.vector_load %arg12[%get3A_263] {strides = array<i32>} : memref<8192xi32, #tpu.memory_space<vmem>>, vector<16xi32>,
        %get3A_265 = vector.shape_cast %get3A_264 : vector<16xi32> to vector<16xi32>
        %shift_left3A_266 = arith.constant 16 : i32
        %shift_left3A_267 = vector.broadcast %shift_left3A_266 : i32 to vector<16xi32>
        %shift_left3A_268 = arith.shli %get3A_265, %shift_left3A_267 : vector<16xi32>
        %bitcast_convert_type3A_269 = tpu.bitcast %shift_left3A_268 : vector<16xi32> -> vector<16xf32>
        %and3A_270 = arith.constant -65536 : i32
        %and3A_271 = vector.broadcast %and3A_270 : i32 to vector<16xi32>
        %and3A_272 = arith.andi %get3A_265, %and3A_271 : vector<16xi32>
        %bitcast_convert_type3A_273 = tpu.bitcast %and3A_272 : vector<16xi32> -> vector<16xf32>
        %sub3A_274 = arith.subf %bitcast_convert_type3A_273, %bitcast_convert_type3A_269 : vector<16xf32>
        %mul3A_275 = arith.mulf %get3A_212, %sub3A_274 : vector<16xf32>
        %add3A_276 = arith.addf %bitcast_convert_type3A_269, %mul3A_275 : vector<16xf32>
        %sub3A_277 = arith.subf %add3A_244, %add3A_228 : vector<16xf32>
        %mul3A_278 = arith.mulf %get3A_207, %sub3A_277 : vector<16xf32>
        %add3A_279 = arith.addf %add3A_228, %mul3A_278 : vector<16xf32>
        %sub3A_280 = arith.subf %add3A_276, %add3A_260 : vector<16xf32>
        %mul3A_281 = arith.mulf %get3A_207, %sub3A_280 : vector<16xf32>
        %add3A_282 = arith.addf %add3A_260, %mul3A_281 : vector<16xf32>
        %sub3A_283 = arith.subf %add3A_282, %add3A_279 : vector<16xf32>
        %mul3A_284 = arith.mulf %get3A_202, %sub3A_283 : vector<16xf32>
        %add3A_285 = arith.addf %add3A_279, %mul3A_284 : vector<16xf32>
        %swap3A_286 = arith.index_cast %mul3A_197 : i32 to index
        %swap3A_287 = tpu.vector_load %arg14[%swap3A_286] {strides = array<i32>} : memref<2048xf32, #tpu.memory_space<vmem>>, vector<16xf32>,
        %swap3A_288 = vector.shape_cast %swap3A_287 : vector<16xf32> to vector<16xf32>
        %swap3A_289 = vector.shape_cast %add3A_285 : vector<16xf32> to vector<16xf32>
        tpu.vector_store %arg14[%swap3A_286], %swap3A_289 {strides = array<i32>} : memref<2048xf32, #tpu.memory_space<vmem>>, vector<16xf32>,
        %scan3A_290 = arith.constant 2 : i32
        %scan3A_291 = arith.addi %scan3A_105, %scan3A_290 : i32
        %mul3A_292 = arith.constant 16 : i32
        %mul3A_293 = arith.muli %scan3A_291, %mul3A_292 : i32
        %get3A_294 = arith.constant 0 : i32
        %get3A_295 = arith.index_cast %get3A_294 : i32 to index
        %get3A_296 = arith.index_cast %mul3A_293 : i32 to index
        %get3A_297 = tpu.vector_load %arg8[%get3A_295, %get3A_296] {strides = array<i32>} : memref<3x2048xf32, #tpu.memory_space<vmem>>, vector<1x16xf32>,
        %get3A_298 = vector.shape_cast %get3A_297 : vector<1x16xf32> to vector<16xf32>
        %get3A_299 = arith.constant 1 : i32
        %get3A_300 = arith.index_cast %get3A_299 : i32 to index
        %get3A_301 = arith.index_cast %mul3A_293 : i32 to index
        %get3A_302 = tpu.vector_load %arg8[%get3A_300, %get3A_301] {strides = array<i32>} : memref<3x2048xf32, #tpu.memory_space<vmem>>, vector<1x16xf32>,
        %get3A_303 = vector.shape_cast %get3A_302 : vector<1x16xf32> to vector<16xf32>
        %get3A_304 = arith.constant 2 : i32
        %get3A_305 = arith.index_cast %get3A_304 : i32 to index
        %get3A_306 = arith.index_cast %mul3A_293 : i32 to index
        %get3A_307 = tpu.vector_load %arg8[%get3A_305, %get3A_306] {strides = array<i32>} : memref<3x2048xf32, #tpu.memory_space<vmem>>, vector<1x16xf32>,
        %get3A_308 = vector.shape_cast %get3A_307 : vector<1x16xf32> to vector<16xf32>
        %add3A_309 = arith.constant 0 : i32
        %add3A_310 = arith.addi %add3A_309, %mul3A_293 : i32
        %get3A_311 = arith.index_cast %add3A_310 : i32 to index
        %get3A_312 = tpu.vector_load %arg12[%get3A_311] {strides = array<i32>} : memref<8192xi32, #tpu.memory_space<vmem>>, vector<16xi32>,
        %get3A_313 = vector.shape_cast %get3A_312 : vector<16xi32> to vector<16xi32>
        %shift_left3A_314 = arith.constant 16 : i32
        %shift_left3A_315 = vector.broadcast %shift_left3A_314 : i32 to vector<16xi32>
        %shift_left3A_316 = arith.shli %get3A_313, %shift_left3A_315 : vector<16xi32>
        %bitcast_convert_type3A_317 = tpu.bitcast %shift_left3A_316 : vector<16xi32> -> vector<16xf32>
        %and3A_318 = arith.constant -65536 : i32
        %and3A_319 = vector.broadcast %and3A_318 : i32 to vector<16xi32>
        %and3A_320 = arith.andi %get3A_313, %and3A_319 : vector<16xi32>
        %bitcast_convert_type3A_321 = tpu.bitcast %and3A_320 : vector<16xi32> -> vector<16xf32>
        %sub3A_322 = arith.subf %bitcast_convert_type3A_321, %bitcast_convert_type3A_317 : vector<16xf32>
        %mul3A_323 = arith.mulf %get3A_308, %sub3A_322 : vector<16xf32>
        %add3A_324 = arith.addf %bitcast_convert_type3A_317, %mul3A_323 : vector<16xf32>
        %add3A_325 = arith.constant 2048 : i32
        %add3A_326 = arith.addi %add3A_325, %mul3A_293 : i32
        %get3A_327 = arith.index_cast %add3A_326 : i32 to index
        %get3A_328 = tpu.vector_load %arg12[%get3A_327] {strides = array<i32>} : memref<8192xi32, #tpu.memory_space<vmem>>, vector<16xi32>,
        %get3A_329 = vector.shape_cast %get3A_328 : vector<16xi32> to vector<16xi32>
        %shift_left3A_330 = arith.constant 16 : i32
        %shift_left3A_331 = vector.broadcast %shift_left3A_330 : i32 to vector<16xi32>
        %shift_left3A_332 = arith.shli %get3A_329, %shift_left3A_331 : vector<16xi32>
        %bitcast_convert_type3A_333 = tpu.bitcast %shift_left3A_332 : vector<16xi32> -> vector<16xf32>
        %and3A_334 = arith.constant -65536 : i32
        %and3A_335 = vector.broadcast %and3A_334 : i32 to vector<16xi32>
        %and3A_336 = arith.andi %get3A_329, %and3A_335 : vector<16xi32>
        %bitcast_convert_type3A_337 = tpu.bitcast %and3A_336 : vector<16xi32> -> vector<16xf32>
        %sub3A_338 = arith.subf %bitcast_convert_type3A_337, %bitcast_convert_type3A_333 : vector<16xf32>
        %mul3A_339 = arith.mulf %get3A_308, %sub3A_338 : vector<16xf32>
        %add3A_340 = arith.addf %bitcast_convert_type3A_333, %mul3A_339 : vector<16xf32>
        %add3A_341 = arith.constant 4096 : i32
        %add3A_342 = arith.addi %add3A_341, %mul3A_293 : i32
        %get3A_343 = arith.index_cast %add3A_342 : i32 to index
        %get3A_344 = tpu.vector_load %arg12[%get3A_343] {strides = array<i32>} : memref<8192xi32, #tpu.memory_space<vmem>>, vector<16xi32>,
        %get3A_345 = vector.shape_cast %get3A_344 : vector<16xi32> to vector<16xi32>
        %shift_left3A_346 = arith.constant 16 : i32
        %shift_left3A_347 = vector.broadcast %shift_left3A_346 : i32 to vector<16xi32>
        %shift_left3A_348 = arith.shli %get3A_345, %shift_left3A_347 : vector<16xi32>
        %bitcast_convert_type3A_349 = tpu.bitcast %shift_left3A_348 : vector<16xi32> -> vector<16xf32>
        %and3A_350 = arith.constant -65536 : i32
        %and3A_351 = vector.broadcast %and3A_350 : i32 to vector<16xi32>
        %and3A_352 = arith.andi %get3A_345, %and3A_351 : vector<16xi32>
        %bitcast_convert_type3A_353 = tpu.bitcast %and3A_352 : vector<16xi32> -> vector<16xf32>
        %sub3A_354 = arith.subf %bitcast_convert_type3A_353, %bitcast_convert_type3A_349 : vector<16xf32>
        %mul3A_355 = arith.mulf %get3A_308, %sub3A_354 : vector<16xf32>
        %add3A_356 = arith.addf %bitcast_convert_type3A_349, %mul3A_355 : vector<16xf32>
        %add3A_357 = arith.constant 6144 : i32
        %add3A_358 = arith.addi %add3A_357, %mul3A_293 : i32
        %get3A_359 = arith.index_cast %add3A_358 : i32 to index
        %get3A_360 = tpu.vector_load %arg12[%get3A_359] {strides = array<i32>} : memref<8192xi32, #tpu.memory_space<vmem>>, vector<16xi32>,
        %get3A_361 = vector.shape_cast %get3A_360 : vector<16xi32> to vector<16xi32>
        %shift_left3A_362 = arith.constant 16 : i32
        %shift_left3A_363 = vector.broadcast %shift_left3A_362 : i32 to vector<16xi32>
        %shift_left3A_364 = arith.shli %get3A_361, %shift_left3A_363 : vector<16xi32>
        %bitcast_convert_type3A_365 = tpu.bitcast %shift_left3A_364 : vector<16xi32> -> vector<16xf32>
        %and3A_366 = arith.constant -65536 : i32
        %and3A_367 = vector.broadcast %and3A_366 : i32 to vector<16xi32>
        %and3A_368 = arith.andi %get3A_361, %and3A_367 : vector<16xi32>
        %bitcast_convert_type3A_369 = tpu.bitcast %and3A_368 : vector<16xi32> -> vector<16xf32>
        %sub3A_370 = arith.subf %bitcast_convert_type3A_369, %bitcast_convert_type3A_365 : vector<16xf32>
        %mul3A_371 = arith.mulf %get3A_308, %sub3A_370 : vector<16xf32>
        %add3A_372 = arith.addf %bitcast_convert_type3A_365, %mul3A_371 : vector<16xf32>
        %sub3A_373 = arith.subf %add3A_340, %add3A_324 : vector<16xf32>
        %mul3A_374 = arith.mulf %get3A_303, %sub3A_373 : vector<16xf32>
        %add3A_375 = arith.addf %add3A_324, %mul3A_374 : vector<16xf32>
        %sub3A_376 = arith.subf %add3A_372, %add3A_356 : vector<16xf32>
        %mul3A_377 = arith.mulf %get3A_303, %sub3A_376 : vector<16xf32>
        %add3A_378 = arith.addf %add3A_356, %mul3A_377 : vector<16xf32>
        %sub3A_379 = arith.subf %add3A_378, %add3A_375 : vector<16xf32>
        %mul3A_380 = arith.mulf %get3A_298, %sub3A_379 : vector<16xf32>
        %add3A_381 = arith.addf %add3A_375, %mul3A_380 : vector<16xf32>
        %swap3A_382 = arith.index_cast %mul3A_293 : i32 to index
        %swap3A_383 = tpu.vector_load %arg14[%swap3A_382] {strides = array<i32>} : memref<2048xf32, #tpu.memory_space<vmem>>, vector<16xf32>,
        %swap3A_384 = vector.shape_cast %swap3A_383 : vector<16xf32> to vector<16xf32>
        %swap3A_385 = vector.shape_cast %add3A_381 : vector<16xf32> to vector<16xf32>
        tpu.vector_store %arg14[%swap3A_382], %swap3A_385 {strides = array<i32>} : memref<2048xf32, #tpu.memory_space<vmem>>, vector<16xf32>,
        %scan3A_386 = arith.constant 3 : i32
        %scan3A_387 = arith.addi %scan3A_105, %scan3A_386 : i32
        %mul3A_388 = arith.constant 16 : i32
        %mul3A_389 = arith.muli %scan3A_387, %mul3A_388 : i32
        %get3A_390 = arith.constant 0 : i32
        %get3A_391 = arith.index_cast %get3A_390 : i32 to index
        %get3A_392 = arith.index_cast %mul3A_389 : i32 to index
        %get3A_393 = tpu.vector_load %arg8[%get3A_391, %get3A_392] {strides = array<i32>} : memref<3x2048xf32, #tpu.memory_space<vmem>>, vector<1x16xf32>,
        %get3A_394 = vector.shape_cast %get3A_393 : vector<1x16xf32> to vector<16xf32>
        %get3A_395 = arith.constant 1 : i32
        %get3A_396 = arith.index_cast %get3A_395 : i32 to index
        %get3A_397 = arith.index_cast %mul3A_389 : i32 to index
        %get3A_398 = tpu.vector_load %arg8[%get3A_396, %get3A_397] {strides = array<i32>} : memref<3x2048xf32, #tpu.memory_space<vmem>>, vector<1x16xf32>,
        %get3A_399 = vector.shape_cast %get3A_398 : vector<1x16xf32> to vector<16xf32>
        %get3A_400 = arith.constant 2 : i32
        %get3A_401 = arith.index_cast %get3A_400 : i32 to index
        %get3A_402 = arith.index_cast %mul3A_389 : i32 to index
        %get3A_403 = tpu.vector_load %arg8[%get3A_401, %get3A_402] {strides = array<i32>} : memref<3x2048xf32, #tpu.memory_space<vmem>>, vector<1x16xf32>,
        %get3A_404 = vector.shape_cast %get3A_403 : vector<1x16xf32> to vector<16xf32>
        %add3A_405 = arith.constant 0 : i32
        %add3A_406 = arith.addi %add3A_405, %mul3A_389 : i32
        %get3A_407 = arith.index_cast %add3A_406 : i32 to index
        %get3A_408 = tpu.vector_load %arg12[%get3A_407] {strides = array<i32>} : memref<8192xi32, #tpu.memory_space<vmem>>, vector<16xi32>,
        %get3A_409 = vector.shape_cast %get3A_408 : vector<16xi32> to vector<16xi32>
        %shift_left3A_410 = arith.constant 16 : i32
        %shift_left3A_411 = vector.broadcast %shift_left3A_410 : i32 to vector<16xi32>
        %shift_left3A_412 = arith.shli %get3A_409, %shift_left3A_411 : vector<16xi32>
        %bitcast_convert_type3A_413 = tpu.bitcast %shift_left3A_412 : vector<16xi32> -> vector<16xf32>
        %and3A_414 = arith.constant -65536 : i32
        %and3A_415 = vector.broadcast %and3A_414 : i32 to vector<16xi32>
        %and3A_416 = arith.andi %get3A_409, %and3A_415 : vector<16xi32>
        %bitcast_convert_type3A_417 = tpu.bitcast %and3A_416 : vector<16xi32> -> vector<16xf32>
        %sub3A_418 = arith.subf %bitcast_convert_type3A_417, %bitcast_convert_type3A_413 : vector<16xf32>
        %mul3A_419 = arith.mulf %get3A_404, %sub3A_418 : vector<16xf32>
        %add3A_420 = arith.addf %bitcast_convert_type3A_413, %mul3A_419 : vector<16xf32>
        %add3A_421 = arith.constant 2048 : i32
        %add3A_422 = arith.addi %add3A_421, %mul3A_389 : i32
        %get3A_423 = arith.index_cast %add3A_422 : i32 to index
        %get3A_424 = tpu.vector_load %arg12[%get3A_423] {strides = array<i32>} : memref<8192xi32, #tpu.memory_space<vmem>>, vector<16xi32>,
        %get3A_425 = vector.shape_cast %get3A_424 : vector<16xi32> to vector<16xi32>
        %shift_left3A_426 = arith.constant 16 : i32
        %shift_left3A_427 = vector.broadcast %shift_left3A_426 : i32 to vector<16xi32>
        %shift_left3A_428 = arith.shli %get3A_425, %shift_left3A_427 : vector<16xi32>
        %bitcast_convert_type3A_429 = tpu.bitcast %shift_left3A_428 : vector<16xi32> -> vector<16xf32>
        %and3A_430 = arith.constant -65536 : i32
        %and3A_431 = vector.broadcast %and3A_430 : i32 to vector<16xi32>
        %and3A_432 = arith.andi %get3A_425, %and3A_431 : vector<16xi32>
        %bitcast_convert_type3A_433 = tpu.bitcast %and3A_432 : vector<16xi32> -> vector<16xf32>
        %sub3A_434 = arith.subf %bitcast_convert_type3A_433, %bitcast_convert_type3A_429 : vector<16xf32>
        %mul3A_435 = arith.mulf %get3A_404, %sub3A_434 : vector<16xf32>
        %add3A_436 = arith.addf %bitcast_convert_type3A_429, %mul3A_435 : vector<16xf32>
        %add3A_437 = arith.constant 4096 : i32
        %add3A_438 = arith.addi %add3A_437, %mul3A_389 : i32
        %get3A_439 = arith.index_cast %add3A_438 : i32 to index
        %get3A_440 = tpu.vector_load %arg12[%get3A_439] {strides = array<i32>} : memref<8192xi32, #tpu.memory_space<vmem>>, vector<16xi32>,
        %get3A_441 = vector.shape_cast %get3A_440 : vector<16xi32> to vector<16xi32>
        %shift_left3A_442 = arith.constant 16 : i32
        %shift_left3A_443 = vector.broadcast %shift_left3A_442 : i32 to vector<16xi32>
        %shift_left3A_444 = arith.shli %get3A_441, %shift_left3A_443 : vector<16xi32>
        %bitcast_convert_type3A_445 = tpu.bitcast %shift_left3A_444 : vector<16xi32> -> vector<16xf32>
        %and3A_446 = arith.constant -65536 : i32
        %and3A_447 = vector.broadcast %and3A_446 : i32 to vector<16xi32>
        %and3A_448 = arith.andi %get3A_441, %and3A_447 : vector<16xi32>
        %bitcast_convert_type3A_449 = tpu.bitcast %and3A_448 : vector<16xi32> -> vector<16xf32>
        %sub3A_450 = arith.subf %bitcast_convert_type3A_449, %bitcast_convert_type3A_445 : vector<16xf32>
        %mul3A_451 = arith.mulf %get3A_404, %sub3A_450 : vector<16xf32>
        %add3A_452 = arith.addf %bitcast_convert_type3A_445, %mul3A_451 : vector<16xf32>
        %add3A_453 = arith.constant 6144 : i32
        %add3A_454 = arith.addi %add3A_453, %mul3A_389 : i32
        %get3A_455 = arith.index_cast %add3A_454 : i32 to index
        %get3A_456 = tpu.vector_load %arg12[%get3A_455] {strides = array<i32>} : memref<8192xi32, #tpu.memory_space<vmem>>, vector<16xi32>,
        %get3A_457 = vector.shape_cast %get3A_456 : vector<16xi32> to vector<16xi32>
        %shift_left3A_458 = arith.constant 16 : i32
        %shift_left3A_459 = vector.broadcast %shift_left3A_458 : i32 to vector<16xi32>
        %shift_left3A_460 = arith.shli %get3A_457, %shift_left3A_459 : vector<16xi32>
        %bitcast_convert_type3A_461 = tpu.bitcast %shift_left3A_460 : vector<16xi32> -> vector<16xf32>
        %and3A_462 = arith.constant -65536 : i32
        %and3A_463 = vector.broadcast %and3A_462 : i32 to vector<16xi32>
        %and3A_464 = arith.andi %get3A_457, %and3A_463 : vector<16xi32>
        %bitcast_convert_type3A_465 = tpu.bitcast %and3A_464 : vector<16xi32> -> vector<16xf32>
        %sub3A_466 = arith.subf %bitcast_convert_type3A_465, %bitcast_convert_type3A_461 : vector<16xf32>
        %mul3A_467 = arith.mulf %get3A_404, %sub3A_466 : vector<16xf32>
        %add3A_468 = arith.addf %bitcast_convert_type3A_461, %mul3A_467 : vector<16xf32>
        %sub3A_469 = arith.subf %add3A_436, %add3A_420 : vector<16xf32>
        %mul3A_470 = arith.mulf %get3A_399, %sub3A_469 : vector<16xf32>
        %add3A_471 = arith.addf %add3A_420, %mul3A_470 : vector<16xf32>
        %sub3A_472 = arith.subf %add3A_468, %add3A_452 : vector<16xf32>
        %mul3A_473 = arith.mulf %get3A_399, %sub3A_472 : vector<16xf32>
        %add3A_474 = arith.addf %add3A_452, %mul3A_473 : vector<16xf32>
        %sub3A_475 = arith.subf %add3A_474, %add3A_471 : vector<16xf32>
        %mul3A_476 = arith.mulf %get3A_394, %sub3A_475 : vector<16xf32>
        %add3A_477 = arith.addf %add3A_471, %mul3A_476 : vector<16xf32>
        %swap3A_478 = arith.index_cast %mul3A_389 : i32 to index
        %swap3A_479 = tpu.vector_load %arg14[%swap3A_478] {strides = array<i32>} : memref<2048xf32, #tpu.memory_space<vmem>>, vector<16xf32>,
        %swap3A_480 = vector.shape_cast %swap3A_479 : vector<16xf32> to vector<16xf32>
        %swap3A_481 = vector.shape_cast %add3A_477 : vector<16xf32> to vector<16xf32>
        tpu.vector_store %arg14[%swap3A_478], %swap3A_481 {strides = array<i32>} : memref<2048xf32, #tpu.memory_space<vmem>>, vector<16xf32>,
      }
      %scan3A_99 = arith.constant 128 : i32
      %mul3A_100 = arith.constant 2048 : i32
      %mul3A_101 = arith.muli %add3A_73, %mul3A_100 : i32
      %add3A_102 = arith.addi %mul3A_2, %mul3A_101 : i32
      %dma_start3A_103 = tpu.memref_slice %arg4[%add3A_102] : memref<2097152xf32, #tpu.memory_space<hbm>> -> memref<2048xf32, #tpu.memory_space<hbm>>
      %dma_start3A_104 = tpu.memref_slice %arg4[%add3A_102] : memref<2097152xf32, #tpu.memory_space<hbm>> -> memref<2048xf32, #tpu.memory_space<hbm>>
      tpu.enqueue_dma source(%arg14 : memref<2048xf32, #tpu.memory_space<vmem>>) target(%dma_start3A_104 : memref<2048xf32, #tpu.memory_space<hbm>>) target_semaphore(%arg20 : memref<!tpu.dma_semaphore, #tpu.memory_space<semaphore_mem>>)
    }
    %scan3A_31 = arith.constant 16 : i32
    %dma_wait3A_32 = arith.constant 0 : i32
    %dma_wait3A_33 = tpu.memref_slice %arg4[%dma_wait3A_32] : memref<2097152xf32, #tpu.memory_space<hbm>> -> memref<2048xf32, #tpu.memory_space<hbm>>
    %dma_wait3A_34 = arith.constant 0 : i32
    %dma_wait3A_35 = tpu.memref_slice %arg4[%dma_wait3A_34] : memref<2097152xf32, #tpu.memory_space<hbm>> -> memref<2048xf32, #tpu.memory_space<hbm>>
    tpu.wait_dma2 semaphore(%arg19 : memref<!tpu.dma_semaphore, #tpu.memory_space<semaphore_mem>>) src(%arg13 : memref<2048xf32, #tpu.memory_space<vmem>>) dst(%dma_wait3A_35 : memref<2048xf32, #tpu.memory_space<hbm>>)
    %dma_wait3A_36 = arith.constant 0 : i32
    %dma_wait3A_37 = tpu.memref_slice %arg4[%dma_wait3A_36] : memref<2097152xf32, #tpu.memory_space<hbm>> -> memref<2048xf32, #tpu.memory_space<hbm>>
    %dma_wait3A_38 = arith.constant 0 : i32
    %dma_wait3A_39 = tpu.memref_slice %arg4[%dma_wait3A_38] : memref<2097152xf32, #tpu.memory_space<hbm>> -> memref<2048xf32, #tpu.memory_space<hbm>>
    tpu.wait_dma2 semaphore(%arg20 : memref<!tpu.dma_semaphore, #tpu.memory_space<semaphore_mem>>) src(%arg14 : memref<2048xf32, #tpu.memory_space<vmem>>) dst(%dma_wait3A_39 : memref<2048xf32, #tpu.memory_space<hbm>>)
    return
  }
}

module attributes {stable_mosaic.version = 14 : i64} {
  func.func @_pack_body(%arg0: i32, %arg1: memref<524288xf32, #tpu.memory_space<vmem>>, %arg2: memref<524288xi32, #tpu.memory_space<vmem>>) attributes {dimension_semantics = [#tpu.dimension_semantics<arbitrary>], iteration_bounds = array<i64: 16>, scalar_prefetch = 0 : i64, scratch_operands = 0 : i64, tpu.core_type = #tpu.core_type<tc>, window_params = [{transform_indices = @transform_0, window_bounds = array<i64: 524288>}, {transform_indices = @transform_1, window_bounds = array<i64: 524288>}]} {
    %get3A = arith.constant 0 : index
    %get3A_0 = vector.load %arg1[%get3A] : memref<524288xf32, #tpu.memory_space<vmem>>, vector<524288xf32>
    %slice3A = vector.extract_strided_slice %get3A_0 {offsets = [1], sizes = [524287], strides = [1]} : vector<524288xf32> to vector<524287xf32>
    %slice3A_1 = vector.extract_strided_slice %get3A_0 {offsets = [0], sizes = [1], strides = [1]} : vector<524288xf32> to vector<1xf32>
    %concatenate3A = tpu.concatenate %slice3A, %slice3A_1 in 0 : vector<524287xf32>, vector<1xf32> -> vector<524288xf32>
    %bitcast_convert_type3A = tpu.bitcast %get3A_0 : vector<524288xf32> -> vector<524288xi32>
    %bitcast_convert_type3A_2 = tpu.bitcast %concatenate3A : vector<524288xf32> -> vector<524288xi32>
    %and3A = arith.constant -65536 : i32
    %and3A_3 = vector.broadcast %and3A : i32 to vector<524288xi32>
    %and3A_4 = arith.andi %bitcast_convert_type3A_2, %and3A_3 : vector<524288xi32>
    %shift_right_logical3A = arith.constant 16 : i32
    %shift_right_logical3A_5 = vector.broadcast %shift_right_logical3A : i32 to vector<524288xi32>
    %shift_right_logical3A_6 = arith.shrui %bitcast_convert_type3A, %shift_right_logical3A_5 : vector<524288xi32>
    %or3A = arith.ori %and3A_4, %shift_right_logical3A_6 : vector<524288xi32>
    %swap3A = arith.constant 0 : index
    %swap3A_7 = vector.load %arg2[%swap3A] : memref<524288xi32, #tpu.memory_space<vmem>>, vector<524288xi32>
    tpu.vector_store %arg2[%swap3A], %or3A {strides = array<i32>} : memref<524288xi32, #tpu.memory_space<vmem>>, vector<524288xi32>,
    return
  }
  func.func @transform_0(%arg0: i32) -> i32 {
    %c0_i32 = arith.constant 0 : i32
    return %arg0 : i32
  }
  func.func @transform_1(%arg0: i32) -> i32 {
    %c0_i32 = arith.constant 0 : i32
    return %arg0 : i32
  }
}

</mosaic_0001>

<sc_bundles>
// kernel: kernel.4.cloned.1.call-start
scs
__scs_entry_jumppad:
0x0: {  	(pc) =	sbr.rel $0x88, $3  }
0x1: {  	(tag) =	ssettag $0x0;
	lr =	simm.s32 $0x1  }
0x2: {  	[smem:$0x3F9F] =	sst lr;
	_ =	strace $0xD0000000  }
0x3: {  	_ = 	snop  }
0x4: {  	_ = 	snop  }
0x5: {  	_ = 	snop  }
0x6: {  	_ = 	snop  }
0x7: {  	_ = 	snop  }
__scs_overlays_trampoline_lowered:
0x8: {  	[smem:$0x3FAE] =	sst s0  }
0x9: {  	[smem:$0x3FAF] =	sst s1  }
0xa: {  	[smem:$0x3FB0] =	sst s2  }
0xb: {  	[smem:$0x3FB1] =	sst s3  }
0xc: {  	[smem:$0x3FB2] =	sst s4  }
0xd: {  	[smem:$0x3FB3] =	sst s5  }
0xe: {  	[smem:$0x3FB4] =	sst s6  }
0xf: {  	[smem:$0x3FB5] =	sst s7  }
0x10: {  	[smem:$0x3FB6] =	sst s8  }
0x11: {  	[smem:$0x3FB7] =	sst s9;
	s0 =	simm.s32 @!p0 $0x0  }
0x12: {  	s1 =	sld [smem:$0x3F9D];
	s0 =	simm.s32 @p0 $0x1  }
0x13: {  	[smem:$0x3FB8] =	sst s0;
	s0 =	simm.s32 @!p1 $0x0  }
0x14: {  	s2 =	sld [smem:$0x3F9C];
	s0 =	simm.s32 @p1 $0x1  }
0x15: {  	[smem:$0x3FB9] =	sst s0;
	s0 =	simm.s32 @!p2 $0x0  }
0x16: {  	s3 =	sld [smem:$0x3FDB];
	s0 =	simm.s32 @p2 $0x1  }
0x17: {  	s4 =	simm.s32 $0x1BF5;
	[smem:$0x3FBB] =	sst s0  }
0x18: {  	s0 =	sld [smem:$0x3F9E];
	_ =	swait.ge [sflag:s4], $0x0  }
0x19: {  	s7 =	sld [smem:$0x3F9F]  }
0x1a: {  	s8 =	sadd.s32 $0xFFFFE003, lr  }
0x1b: {  	s9 =	sadd.s32 $0xFFFFFEF7, lr;
	s5 =	simm.s32 $0xFFFFFFFF;
	p2 =	slt.u32 s8, $0xFFFFF086  }
0x1c: {  	p1 =	slt.u32 s9, $0xF7A;
	s5 =	simm.s32 @!p2 $0x0  }
0x1d: {  	s5 =	simm.s32 @p1 $0x1;
	p0 =	seq.s32 s7, s2  }
0x1e: {  	s7 =	smul.u32 @!p0 $0xF7A, s2;
	p2 =	seq.s32 @!p0 s5, $0x0  }
0x1f: {  	s9 =	smul.u32 $0xF7A, s1;
	s8 =	simm.s32 @!p0 $0x1BF5;
	p2 =	por !p2, p0  }
0x20: {  	[sflag:s8] =	ssyncset.s32 @!p0 $0xFFFFF086;
	s6 =	sadd.s32 @!p0 s3, s7;
	s7 =	simm.s32 @!p0 $0x108  }
0x21: {  	s3 =	sadd.s32 s3, s9;
	s6 =	sadd.s32 @!p0 $0x88, s6;
	s7 =	simm.s32 @p2 $0x1082  }
0x22: {  	[simem:s7], [sflag:s8] =	dma.local @!p0 [hbm:s6], $0xF7A  }
0x23: {  	s9 =	sor.u32 $0xD0000000, s2;
	s6 =	simm.s32 $0x108;
	_ =	swait.ge @!p0 [sflag:s8], $0x0  }
0x24: {  	s3 =	sadd.s32 $0x88, s3;
	s6 =	simm.s32 @!p1 $0x1082;
	[sflag:s4] =	ssyncset.s32 $0xFFFFF086  }
0x25: {  	[simem:s6], [sflag:s4] =	dma.local [hbm:s3], $0xF7A  }
0x26: {  	[smem:$0x3F9F] =	sst s1;
	(tag) =	ssettag s2;
	_ =	strace s9  }
0x27: {  	s1 =	sld [smem:$0x3FAF]  }
0x28: {  	s2 =	sld [smem:$0x3FB0]  }
0x29: {  	s4 =	sld [smem:$0x3FB2]  }
0x2a: {  	p0 =	seq.s32 s5, $0x0;
	s5 =	sld [smem:$0x3FB3]  }
0x2b: {  	s6 =	sld [smem:$0x3FB4]  }
0x2c: {  	s7 =	sld [smem:$0x3FB5]  }
0x2d: {  	s3 =	simm.s32 $0x108;
	s8 =	sld [smem:$0x3FB6]  }
0x2e: {  	s3 =	simm.s32 @!p0 $0x1082;
	s9 =	sld [smem:$0x3FB7]  }
0x2f: {  	lr =	sadd.s32 s0, s3;
	s0 =	sld [smem:$0x3FAE]  }
0x30: {  	s3 =	sld [smem:$0x3FB1]  }
0x31: {  	[smem:$0x3FBA] =	sst s10  }
0x32: {  	s10 =	sld [smem:$0x3FB8];
	_ =	sdelay $0x3  }
0x33: {  	p0 =	seq.s32 s10, $0x1;
	s10 =	sld [smem:$0x3FBA];
	_ =	sdelay $0x3  }
0x34: {  	[smem:$0x3FBA] =	sst s10  }
0x35: {  	s10 =	sld [smem:$0x3FB9];
	_ =	sdelay $0x3  }
0x36: {  	p1 =	seq.s32 s10, $0x1;
	s10 =	sld [smem:$0x3FBA];
	_ =	sdelay $0x3  }
0x37: {  	[smem:$0x3FBA] =	sst s10  }
0x38: {  	s10 =	sld [smem:$0x3FBB]  }
0x39: {  	_ = 	snop;
	(pc) =	sbr.ind lr, $3  }
0x3a: {  	_ = 	snop  }
0x3b: {  	_ = 	snop  }
0x3c: {  	p2 =	seq.s32 s10, $0x1;
	s10 =	sld [smem:$0x3FBA]  }
0x3d: {  	_ =	shalt  }
0x3e: {  	_ =	shalt  }
0x3f: {  	_ =	shalt  }
0x40: {  	_ =	shalt  }
0x41: {  	_ =	shalt  }
0x42: {  	_ =	shalt  }
0x43: {  	_ =	shalt  }
0x44: {  	_ =	shalt  }
0x45: {  	_ =	shalt  }
0x46: {  	_ =	shalt  }
0x47: {  	_ =	shalt  }
0x48: {  	_ =	shalt  }
0x49: {  	_ =	shalt  }
0x4a: {  	_ =	shalt  }
0x4b: {  	_ =	shalt  }
0x4c: {  	_ =	shalt  }
0x4d: {  	_ =	shalt  }
0x4e: {  	_ =	shalt  }
0x4f: {  	_ =	shalt  }
0x50: {  	_ =	shalt  }
0x51: {  	_ =	shalt  }
0x52: {  	_ =	shalt  }
0x53: {  	_ =	shalt  }
0x54: {  	_ =	shalt  }
0x55: {  	_ =	shalt  }
0x56: {  	_ =	shalt  }
0x57: {  	_ =	shalt  }
0x58: {  	_ =	shalt  }
0x59: {  	_ =	shalt  }
0x5a: {  	_ =	shalt  }
0x5b: {  	_ =	shalt  }
0x5c: {  	_ =	shalt  }
0x5d: {  	_ =	shalt  }
0x5e: {  	_ =	shalt  }
0x5f: {  	_ =	shalt  }
0x60: {  	_ =	shalt  }
0x61: {  	_ =	shalt  }
0x62: {  	_ =	shalt  }
0x63: {  	_ =	shalt  }
0x64: {  	_ =	shalt  }
0x65: {  	_ =	shalt  }
0x66: {  	_ =	shalt  }
0x67: {  	_ =	shalt  }
0x68: {  	_ =	shalt  }
0x69: {  	_ =	shalt  }
0x6a: {  	_ =	shalt  }
0x6b: {  	_ =	shalt  }
0x6c: {  	_ =	shalt  }
0x6d: {  	_ =	shalt  }
0x6e: {  	_ =	shalt  }
0x6f: {  	_ =	shalt  }
0x70: {  	_ =	shalt  }
0x71: {  	_ =	shalt  }
0x72: {  	_ =	shalt  }
0x73: {  	_ =	shalt  }
0x74: {  	_ =	shalt  }
0x75: {  	_ =	shalt  }
0x76: {  	_ =	shalt  }
0x77: {  	_ =	shalt  }
0x78: {  	_ =	shalt  }
0x79: {  	_ =	shalt  }
0x7a: {  	_ =	shalt  }
0x7b: {  	_ =	shalt  }
0x7c: {  	_ =	shalt  }
0x7d: {  	_ =	shalt  }
0x7e: {  	_ =	shalt  }
0x7f: {  	_ =	shalt  }
0x80: {  	_ =	shalt  }
0x81: {  	_ =	shalt  }
0x82: {  	_ =	shalt  }
0x83: {  	_ =	shalt  }
0x84: {  	_ =	shalt  }
0x85: {  	_ =	shalt  }
0x86: {  	_ =	shalt  }
0x87: {  	_ =	shalt  }
.Lfunc_end0:
.L_simem_size_0:
called_computation.1_lowered:
.L_overlay_start_0:
0x88: {  	s2 =	sld [smem:$0x3FD9]  }
0x89: {  	s3 =	sld [smem:$0x3FFE];
	_ =	sdelay $0x1  }
0x8a: {  	s1 =	srdreg.scid  }
0x8b: {  	s0 =	sand.u32 $0x1, s1  }
0x8c: {  	s16 =	sshll.u32 s0, $0xA;
	s2 =	sadd.s32 s3, s2  }
0x8d: {  	s2 =	sadd.s32 s2, s16  }
0x8e: {  	[smem:$0x3FC6] =	sst s2  }
0x8f: {  	_ = 	snop  }
0x90: {  	(tm) =	ssettm $0x1  }
0x91: {  	s17 =	sld [smem:$0x3FFB];
	_ =	sdelay $0x3  }
0x92: {  	_ =	strace s17  }
0x93: {  	s2 =	sld [smem:$0x3FFC];
	_ =	sdelay $0x3  }
0x94: {  	_ =	strace s2  }
0x95: {  	s2 =	sld [smem:$0x3FFD];
	_ =	sdelay $0x3  }
0x96: {  	_ =	strace s2  }
0x97: {  	_ =	strace $0x8FFFFFFF  }
0x98: {  	s18 =	sld [smem:$0x3FDB];
	_ =	sdelay $0x1  }
0x99: {  	s19 =	simm.s32 $_scs_section_size  }
0x9a: {  	s4 =	simm.s32 $_size__tile_overlayer_lowered;
	s5 =	simm.s32 $_tile_overlayer_lowered  }
0x9b: {  	s22 =	simm.s32 $0x1BFF;
	s21 =	sshll.u32 s5, $0x1;
	s2 =	sadd.s32 s19, s18  }
0x9c: {  	s6 =	simm.s32 $0x0;
	s20 =	sshll.u32 s4, $0x1;
	s4 =	sadd.s32 s21, s2  }
0x9d: {  	[timem:s6], [sflag:s22] =	dma.local [hbm:s4], s20  }
0x9e: {  	_ =	swait.ge [sflag:s22], s20  }
0x9f: {  	s3 =	ssub.s32 $0x0, s20;
	[sflag:s22] =	ssyncset.done $0x0  }
0xa0: {  	[sflag:s22] =	ssyncadd.s32 s3;
	_ =	sdelay $0x1  }
0xa1: {  	s23 =	simm.s32 $0x1B8B  }
0xa2: {  	_ =	swait.ge [sflag:s23], $0x1  }
0xa3: {  	[sflag:s23] =	ssyncset.done $0x0  }
0xa4: {  	s25 =	simm.s32 $0x1B8E;
	s24 =	sld [smem:$0x3FFE];
	[sflag:s23] =	ssyncadd.s32 $0xFFFFFFFF  }
0xa5: {  	s26 =	simm.s32 $execute0_lowered;
	[smem:$0x3FD2] =	sst s25  }
0xa6: {  	s4 =	sshll.u32 s26, $0x1;
	_ =	strace $0x80000049;
	[dreg:$0x1] =	wrdreg $0xFFFFFFFF  }
0xa7: {  	s28 =	simm.s32 $_size_execute0_lowered;
	s2 =	sadd.s32 s2, s4;
	[dreg:$0x0] =	wrdreg $0x0  }
0xa8: {  	s4 =	sshll.u32 s28, $0x1;
	[dreg:$0x2] =	wrdreg s2  }
0xa9: {  	[dreg:$0x3] =	wrdreg s4  }
0xaa: {  	[dreg:$0x4] =	wrdreg $0xC0  }
0xab: {  	_ =	task [dreg:s6], $0x5FFFF  }
0xac: {  	[dreg:$0x1] =	wrdreg $0xFFFFFFFF  }
0xad: {  	[dreg:$0x0] =	wrdreg $0x60  }
0xae: {  	[dreg:$0x2] =	wrdreg s24  }
0xaf: {  	[dreg:$0x3] =	wrdreg $0x9  }
0xb0: {  	_ =	task.clear_ibuf [dreg:s6], $0x4FFFF;
	_ =	strace $0x90000049  }
0xb1: {  	s29 =	simm.s32 $0x9;
	_ =	strace $0x8000004B  }
0xb2: {  	_ =	swait.ge [sflag:s29], $0x1  }
0xb3: {  	[sflag:s29] =	ssyncadd.s32 $0xFFFFFFFF  }
0xb4: {  	_ =	strace $0x9000004B  }
0xb5: {  	_ =	sfence  }
0xb6: {  	s30 =	sld [smem:$0x0];
	_ =	sdelay $0x2  }
0xb7: {  	s31 =	sshll.u32 s1, $0xD;
	s1 =	sshrl.u32 s1, $0x2  }
0xb8: {  	s3 =	sand.u32 $0x4000, s31;
	s1 =	sadd.s32 s1, s30  }
0xb9: {  	s0 =	sor.u32 s3, s0;
	s1 =	sshll.u32 s1, $0x11  }
0xba: {  	s0 =	sor.u32 s1, s0  }
0xbb: {  	s0 =	sadd.s32 $0x8F2B, s0  }
0xbc: {  	[sflag:s0] =	ssyncadd.remote.s32 $0x1  }
0xbd: {  	_ =	sfence.sel $0xFFFF  }
0xbe: {  	[dreg:$0x0] =	wrdreg $0xFFFFFFFF;
	(pc) =	sbr.abs _section_cstart, $3  }
0xbf: {  	[dreg:$0x1] =	wrdreg $0xFFFFFFFF  }
0xc0: {  	_ =	task.clear_ibuf [dreg:s6], $0x2FFFF;
	_ =	strace $0x9FFFFFFF  }
0xc1: {  	(tm) =	ssettm $0x7FFFFFFF  }
tec
execute0_lowered:
.L_overlay_start_1:
0x0: {  	(tag) =	ssettag $0x1  }
0x1: {  	s0 =	rddreg [dreg:$0x0];
	s1 =	srdreg.scid  }
0x2: {  	s3 =	stileid.u32;
	s2 =	simm.s32 $0x0;
	s11 =	simm.s32 $0x2000  }
0x3: {  	s12 =	simm.s32 $0x1;
	s15 =	simm.s32 $0x2;
	s16 =	simm.s32 $0xA000  }
0x4: {  	s17 =	simm.s32 $0xE000;
	s18 =	simm.s32 $0x3;
	s19 =	simm.s32 $0x10000  }
0x5: {  	s20 =	simm.s32 $0x6;
	s21 =	simm.s32 $0x4;
	s22 =	simm.s32 $0x10800  }
0x6: {  	s1 =	sand.u32 $0x1, s1;
	s3 =	sshll.u32 s3, $0x1;
	[smem:$0x7FF] =	sst s2  }
0x7: {  	s23 =	simm.s32 $0x5;
	s5 =	sor.u32 s1, s3;
	_ =	strace $0x8000004A  }
0x8: {  	s3 =	sadd.s32 $0x200A00, s0;
	s1 =	ssub.s32 $0x2, s1;
	s4 =	sshll.u32 s5, $0xF  }
0x9: {  	s29 =	sshrl.u32 s1, $0x1;
	s10 =	sshll.u32 s5, $0x12;
	s6 =	sadd.s32 s4, s0  }
0xa: {  	s7 =	sshll.u32 s5, $0x10;
	s4 =	sadd.s32 $0xA00, s0;
	s30 =	sadd.s32 $0x100A00, s6  }
0xb: {  	s0 =	ssub.s32 s1, s29;
	s31 =	sadd.s32 $0x100E00, s6;
	[dreg:$0x2] =	wrdreg s30  }
0xc: {  	s1 =	simm.s32 $0x0;
	s0 =	smax.u32 s0, $0x1;
	[dreg:$0x3] =	wrdreg s31  }
0xd: {  	v0 =	vmov s10;
	s8 =	sadd.s32 $0x101200, s6;
	s9 =	sadd.s32 $0x101600, s6;
	[dreg:$0x4] =	wrdreg s0  }
.LBB2_1:
0xe: {  	[dreg:$0x5] =	wrdreg s1  }
0xf: {  	s0 =	rddreg [dreg:$0x2]  }
0x10: {  	s13 =	rddreg [dreg:$0x3]  }
0x11: {  	[tilespmem:s2], [sflag:$0x1] =	stream.linear.gather [hbm4b:s0+s2], $0x2000, $0x38;
	[tilespmem:$0x11000] =	vst v63  }
0x12: {  	p0 =	por $0x0, $0x0;
	s14 =	simm.s32 $0x0;
	s0 =	simm.s32 $0x1  }
0x13: {  	[tilespmem:s11], [sflag:$0x2] =	stream.linear.gather [hbm4b:s13+s2], $0x2000, $0x38;
	[tilespmem:$0x11000] =	vst v63  }
0x14: {  	s6 =	sand.u32 $0x40, s14;
	s0 =	simm.s32 @!p0 $0x0;
	_ =	swait.ge [sflag:s12], $0x2000  }
0x15: {  	s5 =	sshll.u32 s0, $0x6;
	s0 =	sand.u32 $0x1E00, s2;
	[sflag:s12] =	ssyncset.done $0x0  }
0x16: {  	s6 =	sor.u32 s6, s0;
	s5 =	sadd.s32 $0x0, s5;
	[sflag:s12] =	ssyncadd.s32 $0xFFFFE000  }
0x17: {  	s5 =	sor.u32 $0x100, s5;
	v1 =	vld [tilespmem:s6+$0x0]  }
0x18: {  	v2 =	vld [tilespmem:s5+$0x0]  }
0x19: {  	v3 =	vld [tilespmem:s6+$0x80];
	_ =	sdelay $0x3  }
0x1a: {  	v1 =	vadd.f32 $3.200000000e+01, v1;
	v2 =	vadd.f32 $3.200000000e+01, v2  }
0x1b: {  	v3 =	vadd.f32 $3.200000000e+01, v3  }
0x1c: {  	v4 =	vtrunc.f32 v1;
	v5 =	vtrunc.f32 v2  }
0x1d: {  	v6 =	vtrunc.f32 v3;
	v4 =	vcvt.f32.s32 v4  }
0x1e: {  	v5 =	vcvt.f32.s32 v5;
	v6 =	vcvt.f32.s32 v6  }
0x1f: {  	v7 =	vcvt.s32.f32 v4;
	vm0 =	vlt.s32 v4, $0x3E  }
0x20: {  	v8 =	vcvt.s32.f32 v5;
	v9 =	vcvt.s32.f32 v6;
	vm9 =	vlt.s32 v5, $0x3E  }
0x21: {  	vm1 =	vlt.s32 v6, $0x3E;
	v4 =	vnsel vm0, $0x3E, v4;
	v1 =	vsub.f32 v1, v7  }
0x22: {  	v6 =	vnsel vm1, $0x3E, v6;
	v4 =	vshll.u32 v4, $0xC;
	v3 =	vsub.f32 v3, v9  }
0x23: {  	v2 =	vsub.f32 v2, v8;
	v4 =	vadd.s32 v0, v4;
	[tilespmem:s6+$0x4000] =	vst v1;
	v1 =	vshll.u32 v6, $0x6  }
0x24: {  	v5 =	vnsel vm9, $0x3E, v5;
	[tilespmem:s6+$0x4080] =	vst v3;
	v1 =	vadd.s32 v1, v4  }
0x25: {  	s24 =	sand.u32 $0x7, s2;
	s25 =	simm.s32 $0x0;
	[tilespmem:s5+$0x4000] =	vst v2;
	v1 =	vadd.s32 v5, v1  }
0x26: {  	s26 =	sshll.u32 s24, $0x4;
	s30 =	sand.u32 $0x7C0, s14;
	[tilespmem:s25+$0x8000] =	vst v1;
	v2 =	vadd.s32 $0x40, v1  }
0x27: {  	s31 =	sadd.s32 $0x0, s26;
	v3 =	vadd.s32 $0x1040, v1;
	[tilespmem:s30+$0x8800] =	vst v2  }
0x28: {  	s13 =	simm.s32 $0x10;
	s10 =	sadd.s32 $0x10, s31;
	v1 =	vadd.s32 $0x1000, v1;
	[tilespmem:s30+$0x9800] =	vst v3  }
0x29: {  	s14 =	sor.u32 $0x100, s10;
	s5 =	sand.u32 $0x50, s13;
	[tilespmem:s30+$0x9000] =	vst v1  }
0x2a: {  	s5 =	sor.u32 s0, s5;
	v1 =	vld [tilespmem:s14+$0x0]  }
0x2b: {  	v2 =	vld [tilespmem:s5+$0x0]  }
0x2c: {  	v3 =	vld [tilespmem:s5+$0x80];
	_ =	sdelay $0x3  }
0x2d: {  	v1 =	vadd.f32 $3.200000000e+01, v1;
	v2 =	vadd.f32 $3.200000000e+01, v2  }
0x2e: {  	v3 =	vadd.f32 $3.200000000e+01, v3  }
0x2f: {  	v4 =	vtrunc.f32 v1;
	v5 =	vtrunc.f32 v2  }
0x30: {  	v56 =	vtrunc.f32 v3;
	v5 =	vcvt.f32.s32 v5  }
0x31: {  	v4 =	vcvt.f32.s32 v4;
	v6 =	vcvt.f32.s32 v56  }
0x32: {  	v57 =	vcvt.s32.f32 v5;
	vm10 =	vlt.s32 v5, $0x3E  }
0x33: {  	v58 =	vcvt.s32.f32 v4;
	v59 =	vcvt.s32.f32 v6;
	vm11 =	vlt.s32 v4, $0x3E  }
0x34: {  	vm12 =	vlt.s32 v6, $0x3E;
	v5 =	vnsel vm10, $0x3E, v5;
	v2 =	vsub.f32 v2, v57  }
0x35: {  	v6 =	vnsel vm12, $0x3E, v6;
	v5 =	vshll.u32 v5, $0xC;
	v3 =	vsub.f32 v3, v59  }
0x36: {  	v6 =	vshll.u32 v6, $0x6;
	v1 =	vsub.f32 v1, v58;
	v5 =	vadd.s32 v0, v5;
	[tilespmem:s5+$0x4000] =	vst v2  }
0x37: {  	v2 =	vnsel vm11, $0x3E, v4;
	v4 =	vadd.s32 v6, v5;
	[tilespmem:s5+$0x4080] =	vst v3  }
0x38: {  	v2 =	vadd.s32 v2, v4;
	[tilespmem:s14+$0x4000] =	vst v1  }
0x39: {  	v1 =	vadd.s32 $0x40, v2;
	[tilespmem:s25+$0x8010] =	vst v2  }
0x3a: {  	s24 =	simm.s32 $0x20;
	s26 =	sand.u32 $0x3, s2;
	v3 =	vadd.s32 $0x1040, v2;
	[tilespmem:s25+$0x8810] =	vst v1  }
0x3b: {  	s6 =	sshll.u32 s26, $0x5;
	s5 =	sand.u32 $0x60, s24;
	v1 =	vadd.s32 $0x1000, v2;
	[tilespmem:s25+$0x9810] =	vst v3  }
0x3c: {  	s6 =	sadd.s32 $0x0, s6;
	s5 =	sor.u32 s0, s5;
	[tilespmem:s25+$0x9010] =	vst v1  }
0x3d: {  	s6 =	sadd.s32 $0x20, s6;
	v1 =	vld [tilespmem:s5+$0x0]  }
0x3e: {  	s6 =	sor.u32 $0x100, s6;
	v2 =	vld [tilespmem:s5+$0x80]  }
0x3f: {  	v3 =	vld [tilespmem:s6+$0x0];
	_ =	sdelay $0x3  }
0x40: {  	v1 =	vadd.f32 $3.200000000e+01, v1  }
0x41: {  	v2 =	vadd.f32 $3.200000000e+01, v2;
	v3 =	vadd.f32 $3.200000000e+01, v3  }
0x42: {  	v4 =	vtrunc.f32 v1  }
0x43: {  	v5 =	vtrunc.f32 v2;
	v60 =	vtrunc.f32 v3  }
0x44: {  	v4 =	vcvt.f32.s32 v4;
	v5 =	vcvt.f32.s32 v5  }
0x45: {  	v6 =	vcvt.f32.s32 v60  }
0x46: {  	vm13 =	vlt.s32 v4, $0x3E;
	v61 =	vcvt.s32.f32 v5  }
0x47: {  	v62 =	vcvt.s32.f32 v4;
	vm14 =	vlt.s32 v5, $0x3E;
	v63 =	vcvt.s32.f32 v6  }
0x48: {  	vm15 =	vlt.s32 v6, $0x3E;
	v4 =	vnsel vm13, $0x3E, v4;
	v2 =	vsub.f32 v2, v61  }
0x49: {  	v5 =	vnsel vm14, $0x3E, v5;
	v4 =	vshll.u32 v4, $0xC;
	v1 =	vsub.f32 v1, v62  }
0x4a: {  	v5 =	vshll.u32 v5, $0x6;
	v4 =	vadd.s32 v0, v4;
	[tilespmem:s5+$0x4080] =	vst v2;
	v2 =	vsub.f32 v3, v63  }
0x4b: {  	v3 =	vnsel vm15, $0x3E, v6;
	v4 =	vadd.s32 v5, v4;
	[tilespmem:s5+$0x4000] =	vst v1  }
0x4c: {  	v1 =	vadd.s32 v3, v4;
	[tilespmem:s6+$0x4000] =	vst v2  }
0x4d: {  	v2 =	vadd.s32 $0x40, v1;
	[tilespmem:s25+$0x8020] =	vst v1  }
0x4e: {  	s30 =	simm.s32 $0x30;
	v3 =	vadd.s32 $0x1000, v1;
	[tilespmem:s25+$0x8820] =	vst v2  }
0x4f: {  	s5 =	sand.u32 $0x70, s30;
	v1 =	vadd.s32 $0x1040, v1;
	[tilespmem:s25+$0x9020] =	vst v3  }
0x50: {  	s5 =	sor.u32 s0, s5;
	[tilespmem:s25+$0x9820] =	vst v1  }
0x51: {  	s31 =	sadd.s32 $0x30, s31;
	v1 =	vld [tilespmem:s5+$0x0]  }
0x52: {  	s6 =	sor.u32 $0x100, s31;
	v2 =	vld [tilespmem:s5+$0x80]  }
0x53: {  	v3 =	vld [tilespmem:s6+$0x0]  }
0x54: {  	s28 =	simm.s32 $0x2;
	s29 =	simm.s32 $0x0;
	s1 =	simm.s32 $0x0  }
0x55: {  	p0 =	por !p0, !p0;
	s26 =	simm.s32 $0x0;
	s0 =	simm.s32 $0x70  }
.LBB2_2:
0x56: {  	s26 =	sadd.s32 $0x4, s26;
	s29 =	sadd.s32 $0x100, s29;
	s1 =	sadd.s32 $0x4, s1  }
0x57: {  	p1 =	slt.u32 s26, $0x7C;
	v2 =	vadd.f32 $3.200000000e+01, v2  }
0x58: {  	v1 =	vadd.f32 $3.200000000e+01, v1;
	v3 =	vadd.f32 $3.200000000e+01, v3  }
0x59: {  	v4 =	vtrunc.f32 v2  }
0x5a: {  	v5 =	vtrunc.f32 v1;
	v4 =	vcvt.f32.s32 v4  }
0x5b: {  	v5 =	vcvt.f32.s32 v5;
	v6 =	vtrunc.f32 v3  }
0x5c: {  	v6 =	vcvt.f32.s32 v6;
	v7 =	vcvt.s32.f32 v4;
	vm0 =	vlt.s32 v4, $0x3E  }
0x5d: {  	v8 =	vcvt.s32.f32 v5;
	vm1 =	vlt.s32 v5, $0x3E;
	v4 =	vnsel vm0, $0x3E, v4  }
0x5e: {  	v5 =	vnsel vm1, $0x3E, v5;
	v2 =	vsub.f32 v2, v7;
	v7 =	vcvt.s32.f32 v6  }
0x5f: {  	v1 =	vsub.f32 v1, v8;
	vm0 =	vlt.s32 v6, $0x3E;
	v5 =	vshll.u32 v5, $0xC  }
0x60: {  	[tilespmem:s5+$0x4080] =	vst v2;
	v2 =	vsub.f32 v3, v7;
	v3 =	vshll.u32 v4, $0x6;
	v4 =	vadd.s32 v0, v5  }
0x61: {  	[tilespmem:s5+$0x4000] =	vst v1;
	v1 =	vnsel vm0, $0x3E, v6;
	v3 =	vadd.s32 v3, v4  }
0x62: {  	[tilespmem:s6+$0x4000] =	vst v2;
	v1 =	vadd.s32 v1, v3  }
0x63: {  	s5 =	simm.s32 $0x1;
	[tilespmem:s25+$0x8030] =	vst v1;
	v2 =	vadd.s32 $0x40, v1;
	v3 =	vadd.s32 $0x1000, v1;
	v1 =	vadd.s32 $0x1040, v1  }
0x64: {  	s5 =	simm.s32 @!p0 $0x0;
	s6 =	sadd.s32 $0xFFFFFFD0, s0;
	[tilespmem:s25+$0x8830] =	vst v2  }
0x65: {  	s10 =	sshll.u32 s5, $0x6;
	s30 =	sand.u32 $0x40, s6;
	s5 =	sand.u32 $0x1E00, s29;
	[tilespmem:s25+$0x9830] =	vst v1  }
0x66: {  	s30 =	sor.u32 s30, s5;
	s10 =	sadd.s32 s10, s29;
	[tilespmem:s25+$0x9030] =	vst v3  }
0x67: {  	s10 =	sor.u32 $0x100, s10;
	v1 =	vld [tilespmem:s30+$0x0]  }
0x68: {  	v2 =	vld [tilespmem:s10+$0x0]  }
0x69: {  	v3 =	vld [tilespmem:s30+$0x80];
	_ =	sdelay $0x2  }
0x6a: {  	v1 =	vadd.f32 $3.200000000e+01, v1  }
0x6b: {  	v2 =	vadd.f32 $3.200000000e+01, v2  }
0x6c: {  	v3 =	vadd.f32 $3.200000000e+01, v3;
	v4 =	vtrunc.f32 v1  }
0x6d: {  	v4 =	vcvt.f32.s32 v4;
	v5 =	vtrunc.f32 v2  }
0x6e: {  	v6 =	vtrunc.f32 v3;
	v5 =	vcvt.f32.s32 v5  }
0x6f: {  	v6 =	vcvt.f32.s32 v6;
	v7 =	vcvt.s32.f32 v4;
	vm0 =	vlt.s32 v4, $0x3E  }
0x70: {  	v8 =	vcvt.s32.f32 v5;
	v4 =	vnsel vm0, $0x3E, v4;
	vm0 =	vlt.s32 v5, $0x3E  }
0x71: {  	v1 =	vsub.f32 v1, v7;
	v7 =	vcvt.s32.f32 v6;
	v4 =	vshll.u32 v4, $0xC  }
0x72: {  	vm1 =	vlt.s32 v6, $0x3E;
	v2 =	vsub.f32 v2, v8;
	v4 =	vadd.s32 v0, v4  }
0x73: {  	v5 =	vnsel vm0, $0x3E, v5;
	[tilespmem:s30+$0x4000] =	vst v1;
	v1 =	vsub.f32 v3, v7;
	v3 =	vnsel vm1, $0x3E, v6  }
0x74: {  	v3 =	vshll.u32 v3, $0x6  }
0x75: {  	[tilespmem:s30+$0x4080] =	vst v1;
	v1 =	vadd.s32 v3, v4  }
0x76: {  	s25 =	sshra.s32 s29, $0x2;
	s30 =	sand.u32 $0x7, s1;
	[tilespmem:s10+$0x4000] =	vst v2;
	v1 =	vadd.s32 v5, v1  }
0x77: {  	s10 =	sshll.u32 s30, $0x4;
	s30 =	sand.u32 $0x7C0, s6;
	[tilespmem:s25+$0x8000] =	vst v1;
	v2 =	vadd.s32 $0x40, v1;
	v3 =	vadd.s32 $0x1000, v1;
	v1 =	vadd.s32 $0x1040, v1  }
0x78: {  	s6 =	sadd.s32 s10, s29;
	[tilespmem:s30+$0x8800] =	vst v2  }
0x79: {  	s10 =	sadd.s32 $0xFFFFFFE0, s0;
	s31 =	sadd.s32 $0x10, s6;
	[tilespmem:s30+$0x9800] =	vst v1  }
0x7a: {  	s10 =	sand.u32 $0x50, s10;
	[tilespmem:s30+$0x9000] =	vst v3;
	s30 =	sor.u32 $0x100, s31  }
0x7b: {  	s10 =	sor.u32 s5, s10;
	v1 =	vld [tilespmem:s30+$0x0]  }
0x7c: {  	v2 =	vld [tilespmem:s10+$0x0]  }
0x7d: {  	v3 =	vld [tilespmem:s10+$0x80];
	_ =	sdelay $0x2  }
0x7e: {  	v1 =	vadd.f32 $3.200000000e+01, v1  }
0x7f: {  	v2 =	vadd.f32 $3.200000000e+01, v2  }
0x80: {  	v3 =	vadd.f32 $3.200000000e+01, v3;
	v4 =	vtrunc.f32 v1  }
0x81: {  	v5 =	vtrunc.f32 v2;
	v4 =	vcvt.f32.s32 v4  }
0x82: {  	v5 =	vcvt.f32.s32 v5;
	v6 =	vtrunc.f32 v3  }
0x83: {  	v6 =	vcvt.f32.s32 v6;
	v7 =	vcvt.s32.f32 v4;
	vm0 =	vlt.s32 v4, $0x3E  }
0x84: {  	v8 =	vcvt.s32.f32 v5;
	vm1 =	vlt.s32 v5, $0x3E;
	v4 =	vnsel vm0, $0x3E, v4  }
0x85: {  	v9 =	vcvt.s32.f32 v6;
	v5 =	vnsel vm1, $0x3E, v5;
	vm0 =	vlt.s32 v6, $0x3E  }
0x86: {  	v2 =	vsub.f32 v2, v8;
	v6 =	vnsel vm0, $0x3E, v6;
	v5 =	vshll.u32 v5, $0xC  }
0x87: {  	v3 =	vsub.f32 v3, v9;
	v6 =	vshll.u32 v6, $0x6;
	v5 =	vadd.s32 v0, v5  }
0x88: {  	v1 =	vsub.f32 v1, v7;
	[tilespmem:s10+$0x4000] =	vst v2;
	v2 =	vadd.s32 v6, v5  }
0x89: {  	[tilespmem:s10+$0x4080] =	vst v3;
	v2 =	vadd.s32 v4, v2  }
0x8a: {  	[tilespmem:s30+$0x4000] =	vst v1;
	v1 =	vadd.s32 $0x40, v2;
	v3 =	vadd.s32 $0x1000, v2;
	v4 =	vadd.s32 $0x1040, v2  }
0x8b: {  	[tilespmem:s25+$0x8010] =	vst v2  }
0x8c: {  	s10 =	sand.u32 $0x3, s28;
	s30 =	sadd.s32 $0xFFFFFFF0, s0;
	[tilespmem:s25+$0x8810] =	vst v1  }
0x8d: {  	s10 =	sshll.u32 s10, $0x5;
	s30 =	sand.u32 $0x60, s30;
	[tilespmem:s25+$0x9810] =	vst v4  }
0x8e: {  	s10 =	sadd.s32 s29, s10;
	s30 =	sor.u32 s5, s30;
	[tilespmem:s25+$0x9010] =	vst v3  }
0x8f: {  	s10 =	sadd.s32 $0x20, s10;
	v1 =	vld [tilespmem:s30+$0x0]  }
0x90: {  	s10 =	sor.u32 $0x100, s10;
	v2 =	vld [tilespmem:s30+$0x80]  }
0x91: {  	v3 =	vld [tilespmem:s10+$0x0];
	_ =	sdelay $0x2  }
0x92: {  	v1 =	vadd.f32 $3.200000000e+01, v1  }
0x93: {  	v2 =	vadd.f32 $3.200000000e+01, v2  }
0x94: {  	v3 =	vadd.f32 $3.200000000e+01, v3;
	v4 =	vtrunc.f32 v1  }
0x95: {  	v4 =	vcvt.f32.s32 v4;
	v5 =	vtrunc.f32 v2  }
0x96: {  	v5 =	vcvt.f32.s32 v5;
	v6 =	vtrunc.f32 v3  }
0x97: {  	v6 =	vcvt.f32.s32 v6;
	v7 =	vcvt.s32.f32 v4;
	vm0 =	vlt.s32 v4, $0x3E  }
0x98: {  	v8 =	vcvt.s32.f32 v5;
	v4 =	vnsel vm0, $0x3E, v4;
	vm0 =	vlt.s32 v5, $0x3E  }
0x99: {  	v5 =	vnsel vm0, $0x3E, v5;
	vm0 =	vlt.s32 v6, $0x3E;
	v4 =	vshll.u32 v4, $0xC  }
0x9a: {  	v2 =	vsub.f32 v2, v8;
	v8 =	vcvt.s32.f32 v6;
	v4 =	vadd.s32 v0, v4  }
0x9b: {  	v1 =	vsub.f32 v1, v7;
	v6 =	vnsel vm0, $0x3E, v6;
	v5 =	vshll.u32 v5, $0x6  }
0x9c: {  	[tilespmem:s30+$0x4080] =	vst v2;
	v2 =	vsub.f32 v3, v8;
	v3 =	vadd.s32 v5, v4  }
0x9d: {  	[tilespmem:s30+$0x4000] =	vst v1;
	v1 =	vadd.s32 v6, v3  }
0x9e: {  	[tilespmem:s10+$0x4000] =	vst v2;
	v2 =	vadd.s32 $0x40, v1;
	v3 =	vadd.s32 $0x1000, v1;
	v4 =	vadd.s32 $0x1040, v1  }
0x9f: {  	[tilespmem:s25+$0x8020] =	vst v1  }
0xa0: {  	[tilespmem:s25+$0x8820] =	vst v2  }
0xa1: {  	s10 =	sand.u32 $0x70, s0;
	[tilespmem:s25+$0x9020] =	vst v3  }
0xa2: {  	s5 =	sor.u32 s5, s10;
	[tilespmem:s25+$0x9820] =	vst v4  }
.Ltmp0:
0xa3: {  	s6 =	sadd.s32 $0x30, s6;
	v1 =	vld [tilespmem:s5+$0x0];
	(pc) =	sbr.rel @p1 .LBB2_2-.Ltmp0, $3  }
0xa4: {  	s6 =	sor.u32 $0x100, s6;
	v2 =	vld [tilespmem:s5+$0x80]  }
0xa5: {  	v3 =	vld [tilespmem:s6+$0x0];
	_ =	sdelay $0x1  }
0xa6: {  	p0 =	por !p0, !p0;
	s28 =	sadd.s32 $0x2, s28;
	s0 =	sadd.s32 $0x40, s0  }
0xa7: {  	_ = 	snop  }
0xa8: {  	v1 =	vadd.f32 $3.200000000e+01, v1;
	v2 =	vadd.f32 $3.200000000e+01, v2;
	_ =	sdelay $0x1  }
0xa9: {  	v3 =	vadd.f32 $3.200000000e+01, v3;
	v5 =	vtrunc.f32 v1;
	v4 =	vtrunc.f32 v2  }
0xaa: {  	v5 =	vcvt.f32.s32 v5;
	v4 =	vcvt.f32.s32 v4  }
0xab: {  	v6 =	vtrunc.f32 v3  }
0xac: {  	v6 =	vcvt.f32.s32 v6;
	vm1 =	vlt.s32 v5, $0x3E;
	v7 =	vcvt.s32.f32 v4  }
0xad: {  	v8 =	vcvt.s32.f32 v5;
	vm0 =	vlt.s32 v4, $0x3E;
	v5 =	vnsel vm1, $0x3E, v5  }
0xae: {  	v4 =	vnsel vm0, $0x3E, v4;
	v62 =	vcvt.s32.f32 v6;
	v2 =	vsub.f32 v2, v7  }
0xaf: {  	v1 =	vsub.f32 v1, v8;
	vm15 =	vlt.s32 v6, $0x3E;
	v5 =	vshll.u32 v5, $0xC  }
0xb0: {  	v63 =	vadd.s32 v0, v5;
	[tilespmem:s5+$0x4080] =	vst v2;
	v2 =	vsub.f32 v3, v62;
	v3 =	vshll.u32 v4, $0x6  }
0xb1: {  	[tilespmem:s5+$0x4000] =	vst v1;
	v1 =	vnsel vm15, $0x3E, v6;
	v3 =	vadd.s32 v3, v63  }
0xb2: {  	[tilespmem:s6+$0x4000] =	vst v2;
	v1 =	vadd.s32 v1, v3  }
0xb3: {  	[tilespmem:s25+$0x8030] =	vst v1;
	v2 =	vadd.s32 $0x40, v1  }
0xb4: {  	v3 =	vadd.s32 $0x1040, v1;
	[tilespmem:s25+$0x8830] =	vst v2  }
0xb5: {  	s0 =	simm.s32 $0x8000;
	v1 =	vadd.s32 $0x1000, v1;
	[tilespmem:s25+$0x9830] =	vst v3  }
0xb6: {  	s1 =	simm.s32 $0xC000;
	s26 =	simm.s32 $0x0;
	[tilespmem:s25+$0x9030] =	vst v1;
	s25 =	simm.s32 $0x0  }
0xb7: {  	[tilespmem:s1], [sflag:$0x3] =	stream.indirect.gather [hbm4b:s3+s11], $0x1, s0, s11, $0xb8;
	[tilespmem:$0x11000] =	vst v63  }
.LBB2_4:
0xb8: {  	_ =	swait.ge [sflag:s15], $0x2000;
	p0 =	por $0x0, $0x0;
	s0 =	simm.s32 $0x1  }
0xb9: {  	s1 =	simm.s32 $0x0;
	[sflag:s15] =	ssyncset.done $0x0;
	s0 =	simm.s32 @!p0 $0x0  }
0xba: {  	s6 =	sand.u32 $0x40, s1;
	s5 =	sshll.u32 s0, $0x6;
	s0 =	sand.u32 $0x1E00, s25  }
0xbb: {  	[sflag:s15] =	ssyncadd.s32 $0xFFFFE000;
	s6 =	sor.u32 s6, s0  }
0xbc: {  	s5 =	sadd.s32 $0x0, s5;
	v1 =	vld [tilespmem:s6+$0x2000]  }
0xbd: {  	s5 =	sor.u32 $0x100, s5;
	v3 =	vld [tilespmem:s6+$0x2080]  }
0xbe: {  	v2 =	vld [tilespmem:s5+$0x2000];
	_ =	sdelay $0x3  }
0xbf: {  	v1 =	vadd.f32 $3.200000000e+01, v1;
	v3 =	vadd.f32 $3.200000000e+01, v3  }
0xc0: {  	v2 =	vadd.f32 $3.200000000e+01, v2  }
0xc1: {  	v4 =	vtrunc.f32 v1;
	v6 =	vtrunc.f32 v3  }
0xc2: {  	v4 =	vcvt.f32.s32 v4;
	v5 =	vtrunc.f32 v2  }
0xc3: {  	v6 =	vcvt.f32.s32 v6;
	v5 =	vcvt.f32.s32 v5  }
0xc4: {  	v7 =	vcvt.s32.f32 v4;
	vm0 =	vlt.s32 v4, $0x3E  }
0xc5: {  	v9 =	vcvt.s32.f32 v6;
	vm1 =	vlt.s32 v6, $0x3E;
	v8 =	vcvt.s32.f32 v5  }
0xc6: {  	v4 =	vnsel vm0, $0x3E, v4;
	vm9 =	vlt.s32 v5, $0x3E;
	v1 =	vsub.f32 v1, v7  }
0xc7: {  	v6 =	vnsel vm1, $0x3E, v6;
	v4 =	vshll.u32 v4, $0xC;
	v3 =	vsub.f32 v3, v9  }
0xc8: {  	v2 =	vsub.f32 v2, v8;
	v4 =	vadd.s32 v0, v4;
	[tilespmem:s6+$0x6000] =	vst v1;
	v1 =	vshll.u32 v6, $0x6  }
0xc9: {  	v5 =	vnsel vm9, $0x3E, v5;
	[tilespmem:s6+$0x6080] =	vst v3;
	v1 =	vadd.s32 v1, v4  }
0xca: {  	s24 =	sand.u32 $0x7, s25;
	s28 =	simm.s32 $0x0;
	[tilespmem:s5+$0x6000] =	vst v2;
	v1 =	vadd.s32 v5, v1  }
0xcb: {  	s10 =	sshll.u32 s24, $0x4;
	s13 =	sand.u32 $0x7C0, s1;
	[tilespmem:s28+$0xA000] =	vst v1;
	v2 =	vadd.s32 $0x40, v1  }
0xcc: {  	s1 =	sadd.s32 $0x0, s10;
	v3 =	vadd.s32 $0x1040, v1;
	[tilespmem:s13+$0xA800] =	vst v2  }
0xcd: {  	s14 =	simm.s32 $0x10;
	s10 =	sadd.s32 $0x10, s1;
	v1 =	vadd.s32 $0x1000, v1;
	[tilespmem:s13+$0xB800] =	vst v3  }
0xce: {  	s24 =	sor.u32 $0x100, s10;
	s5 =	sand.u32 $0x50, s14;
	[tilespmem:s13+$0xB000] =	vst v1  }
0xcf: {  	s5 =	sor.u32 s0, s5;
	v1 =	vld [tilespmem:s24+$0x2000]  }
0xd0: {  	v2 =	vld [tilespmem:s5+$0x2000]  }
0xd1: {  	v3 =	vld [tilespmem:s5+$0x2080];
	_ =	sdelay $0x3  }
0xd2: {  	v1 =	vadd.f32 $3.200000000e+01, v1;
	v2 =	vadd.f32 $3.200000000e+01, v2  }
0xd3: {  	v3 =	vadd.f32 $3.200000000e+01, v3  }
0xd4: {  	v4 =	vtrunc.f32 v1;
	v5 =	vtrunc.f32 v2  }
0xd5: {  	v56 =	vtrunc.f32 v3;
	v5 =	vcvt.f32.s32 v5  }
0xd6: {  	v4 =	vcvt.f32.s32 v4;
	v6 =	vcvt.f32.s32 v56  }
0xd7: {  	v57 =	vcvt.s32.f32 v5;
	vm10 =	vlt.s32 v5, $0x3E  }
0xd8: {  	v58 =	vcvt.s32.f32 v4;
	v59 =	vcvt.s32.f32 v6;
	vm11 =	vlt.s32 v4, $0x3E  }
0xd9: {  	vm12 =	vlt.s32 v6, $0x3E;
	v5 =	vnsel vm10, $0x3E, v5;
	v2 =	vsub.f32 v2, v57  }
0xda: {  	v6 =	vnsel vm12, $0x3E, v6;
	v5 =	vshll.u32 v5, $0xC;
	v3 =	vsub.f32 v3, v59  }
0xdb: {  	v6 =	vshll.u32 v6, $0x6;
	v1 =	vsub.f32 v1, v58;
	v5 =	vadd.s32 v0, v5;
	[tilespmem:s5+$0x6000] =	vst v2  }
0xdc: {  	v2 =	vnsel vm11, $0x3E, v4;
	v4 =	vadd.s32 v6, v5;
	[tilespmem:s5+$0x6080] =	vst v3  }
0xdd: {  	v2 =	vadd.s32 v2, v4;
	[tilespmem:s24+$0x6000] =	vst v1  }
0xde: {  	v1 =	vadd.s32 $0x40, v2;
	[tilespmem:s28+$0xA010] =	vst v2  }
0xdf: {  	s10 =	simm.s32 $0x20;
	s13 =	sand.u32 $0x3, s25;
	v3 =	vadd.s32 $0x1040, v2;
	[tilespmem:s28+$0xA810] =	vst v1  }
0xe0: {  	s6 =	sshll.u32 s13, $0x5;
	s5 =	sand.u32 $0x60, s10;
	v1 =	vadd.s32 $0x1000, v2;
	[tilespmem:s28+$0xB810] =	vst v3  }
0xe1: {  	s6 =	sadd.s32 $0x0, s6;
	s5 =	sor.u32 s0, s5;
	[tilespmem:s28+$0xB010] =	vst v1  }
0xe2: {  	s6 =	sadd.s32 $0x20, s6;
	v1 =	vld [tilespmem:s5+$0x2000]  }
0xe3: {  	s6 =	sor.u32 $0x100, s6;
	v2 =	vld [tilespmem:s5+$0x2080]  }
0xe4: {  	v3 =	vld [tilespmem:s6+$0x2000];
	_ =	sdelay $0x3  }
0xe5: {  	v1 =	vadd.f32 $3.200000000e+01, v1  }
0xe6: {  	v2 =	vadd.f32 $3.200000000e+01, v2;
	v3 =	vadd.f32 $3.200000000e+01, v3  }
0xe7: {  	v4 =	vtrunc.f32 v1  }
0xe8: {  	v5 =	vtrunc.f32 v2;
	v60 =	vtrunc.f32 v3  }
0xe9: {  	v4 =	vcvt.f32.s32 v4;
	v5 =	vcvt.f32.s32 v5  }
0xea: {  	v6 =	vcvt.f32.s32 v60  }
0xeb: {  	vm13 =	vlt.s32 v4, $0x3E;
	v61 =	vcvt.s32.f32 v5  }
0xec: {  	v62 =	vcvt.s32.f32 v4;
	vm14 =	vlt.s32 v5, $0x3E;
	v63 =	vcvt.s32.f32 v6  }
0xed: {  	vm15 =	vlt.s32 v6, $0x3E;
	v4 =	vnsel vm13, $0x3E, v4;
	v2 =	vsub.f32 v2, v61  }
0xee: {  	v5 =	vnsel vm14, $0x3E, v5;
	v4 =	vshll.u32 v4, $0xC;
	v1 =	vsub.f32 v1, v62  }
0xef: {  	v5 =	vshll.u32 v5, $0x6;
	v4 =	vadd.s32 v0, v4;
	[tilespmem:s5+$0x6080] =	vst v2;
	v2 =	vsub.f32 v3, v63  }
0xf0: {  	v3 =	vnsel vm15, $0x3E, v6;
	v4 =	vadd.s32 v5, v4;
	[tilespmem:s5+$0x6000] =	vst v1  }
0xf1: {  	v1 =	vadd.s32 v3, v4;
	[tilespmem:s6+$0x6000] =	vst v2  }
0xf2: {  	v2 =	vadd.s32 $0x40, v1;
	[tilespmem:s28+$0xA020] =	vst v1  }
0xf3: {  	s14 =	simm.s32 $0x30;
	v3 =	vadd.s32 $0x1000, v1;
	[tilespmem:s28+$0xA820] =	vst v2  }
0xf4: {  	s5 =	sand.u32 $0x70, s14;
	v1 =	vadd.s32 $0x1040, v1;
	[tilespmem:s28+$0xB020] =	vst v3  }
0xf5: {  	s5 =	sor.u32 s0, s5;
	[tilespmem:s28+$0xB820] =	vst v1  }
0xf6: {  	s24 =	sadd.s32 $0x30, s1;
	v1 =	vld [tilespmem:s5+$0x2000]  }
0xf7: {  	s6 =	sor.u32 $0x100, s24;
	v2 =	vld [tilespmem:s5+$0x2080]  }
0xf8: {  	v3 =	vld [tilespmem:s6+$0x2000]  }
0xf9: {  	s29 =	simm.s32 $0x0;
	s30 =	simm.s32 $0x2;
	s31 =	simm.s32 $0x0  }
0xfa: {  	p0 =	por !p0, !p0;
	s1 =	simm.s32 $0x0;
	s0 =	simm.s32 $0x70  }
.LBB2_5:
0xfb: {  	s29 =	sadd.s32 $0x4, s29;
	s31 =	sadd.s32 $0x100, s31;
	s1 =	sadd.s32 $0x4, s1  }
0xfc: {  	p1 =	slt.u32 s29, $0x7C;
	v2 =	vadd.f32 $3.200000000e+01, v2  }
0xfd: {  	v1 =	vadd.f32 $3.200000000e+01, v1;
	v3 =	vadd.f32 $3.200000000e+01, v3  }
0xfe: {  	v4 =	vtrunc.f32 v2  }
0xff: {  	v5 =	vtrunc.f32 v1;
	v4 =	vcvt.f32.s32 v4  }
0x100: {  	v5 =	vcvt.f32.s32 v5;
	v6 =	vtrunc.f32 v3  }
0x101: {  	v6 =	vcvt.f32.s32 v6;
	v7 =	vcvt.s32.f32 v4;
	vm0 =	vlt.s32 v4, $0x3E  }
0x102: {  	v8 =	vcvt.s32.f32 v5;
	vm1 =	vlt.s32 v5, $0x3E;
	v4 =	vnsel vm0, $0x3E, v4  }
0x103: {  	v5 =	vnsel vm1, $0x3E, v5;
	v2 =	vsub.f32 v2, v7;
	v7 =	vcvt.s32.f32 v6  }
0x104: {  	v1 =	vsub.f32 v1, v8;
	vm0 =	vlt.s32 v6, $0x3E;
	v5 =	vshll.u32 v5, $0xC  }
0x105: {  	[tilespmem:s5+$0x6080] =	vst v2;
	v2 =	vsub.f32 v3, v7;
	v3 =	vshll.u32 v4, $0x6;
	v4 =	vadd.s32 v0, v5  }
0x106: {  	[tilespmem:s5+$0x6000] =	vst v1;
	v1 =	vnsel vm0, $0x3E, v6;
	v3 =	vadd.s32 v3, v4  }
0x107: {  	[tilespmem:s6+$0x6000] =	vst v2;
	v1 =	vadd.s32 v1, v3  }
0x108: {  	s5 =	simm.s32 $0x1;
	[tilespmem:s28+$0xA030] =	vst v1;
	v2 =	vadd.s32 $0x40, v1;
	v3 =	vadd.s32 $0x1000, v1;
	v1 =	vadd.s32 $0x1040, v1  }
0x109: {  	s5 =	simm.s32 @!p0 $0x0;
	s6 =	sadd.s32 $0xFFFFFFD0, s0;
	[tilespmem:s28+$0xA830] =	vst v2  }
0x10a: {  	s10 =	sshll.u32 s5, $0x6;
	s24 =	sand.u32 $0x40, s6;
	s5 =	sand.u32 $0x1E00, s31;
	[tilespmem:s28+$0xB830] =	vst v1  }
0x10b: {  	s24 =	sor.u32 s24, s5;
	s10 =	sadd.s32 s10, s31;
	[tilespmem:s28+$0xB030] =	vst v3  }
0x10c: {  	s10 =	sor.u32 $0x100, s10;
	v1 =	vld [tilespmem:s24+$0x2000]  }
0x10d: {  	v2 =	vld [tilespmem:s10+$0x2000]  }
0x10e: {  	v3 =	vld [tilespmem:s24+$0x2080];
	_ =	sdelay $0x2  }
0x10f: {  	v1 =	vadd.f32 $3.200000000e+01, v1  }
0x110: {  	v2 =	vadd.f32 $3.200000000e+01, v2  }
0x111: {  	v3 =	vadd.f32 $3.200000000e+01, v3;
	v4 =	vtrunc.f32 v1  }
0x112: {  	v4 =	vcvt.f32.s32 v4;
	v5 =	vtrunc.f32 v2  }
0x113: {  	v6 =	vtrunc.f32 v3;
	v5 =	vcvt.f32.s32 v5  }
0x114: {  	v6 =	vcvt.f32.s32 v6;
	v7 =	vcvt.s32.f32 v4;
	vm0 =	vlt.s32 v4, $0x3E  }
0x115: {  	v8 =	vcvt.s32.f32 v5;
	v4 =	vnsel vm0, $0x3E, v4;
	vm0 =	vlt.s32 v5, $0x3E  }
0x116: {  	v1 =	vsub.f32 v1, v7;
	v7 =	vcvt.s32.f32 v6;
	v4 =	vshll.u32 v4, $0xC  }
0x117: {  	vm1 =	vlt.s32 v6, $0x3E;
	v2 =	vsub.f32 v2, v8;
	v4 =	vadd.s32 v0, v4  }
0x118: {  	v5 =	vnsel vm0, $0x3E, v5;
	[tilespmem:s24+$0x6000] =	vst v1;
	v1 =	vsub.f32 v3, v7;
	v3 =	vnsel vm1, $0x3E, v6  }
0x119: {  	v3 =	vshll.u32 v3, $0x6  }
0x11a: {  	[tilespmem:s24+$0x6080] =	vst v1;
	v1 =	vadd.s32 v3, v4  }
0x11b: {  	s28 =	sshra.s32 s31, $0x2;
	s24 =	sand.u32 $0x7, s1;
	[tilespmem:s10+$0x6000] =	vst v2;
	v1 =	vadd.s32 v5, v1  }
0x11c: {  	s10 =	sshll.u32 s24, $0x4;
	s24 =	sand.u32 $0x7C0, s6;
	[tilespmem:s28+$0xA000] =	vst v1;
	v2 =	vadd.s32 $0x40, v1;
	v3 =	vadd.s32 $0x1000, v1;
	v1 =	vadd.s32 $0x1040, v1  }
0x11d: {  	s6 =	sadd.s32 s10, s31;
	[tilespmem:s24+$0xA800] =	vst v2  }
0x11e: {  	s10 =	sadd.s32 $0xFFFFFFE0, s0;
	s13 =	sadd.s32 $0x10, s6;
	[tilespmem:s24+$0xB800] =	vst v1  }
0x11f: {  	s10 =	sand.u32 $0x50, s10;
	s13 =	sor.u32 $0x100, s13;
	[tilespmem:s24+$0xB000] =	vst v3  }
0x120: {  	s10 =	sor.u32 s5, s10;
	v1 =	vld [tilespmem:s13+$0x2000]  }
0x121: {  	v2 =	vld [tilespmem:s10+$0x2000]  }
0x122: {  	v3 =	vld [tilespmem:s10+$0x2080];
	_ =	sdelay $0x2  }
0x123: {  	v1 =	vadd.f32 $3.200000000e+01, v1  }
0x124: {  	v2 =	vadd.f32 $3.200000000e+01, v2  }
0x125: {  	v3 =	vadd.f32 $3.200000000e+01, v3;
	v4 =	vtrunc.f32 v1  }
0x126: {  	v5 =	vtrunc.f32 v2;
	v4 =	vcvt.f32.s32 v4  }
0x127: {  	v5 =	vcvt.f32.s32 v5;
	v6 =	vtrunc.f32 v3  }
0x128: {  	v6 =	vcvt.f32.s32 v6;
	v7 =	vcvt.s32.f32 v4;
	vm0 =	vlt.s32 v4, $0x3E  }
0x129: {  	v8 =	vcvt.s32.f32 v5;
	vm1 =	vlt.s32 v5, $0x3E;
	v4 =	vnsel vm0, $0x3E, v4  }
0x12a: {  	v9 =	vcvt.s32.f32 v6;
	v5 =	vnsel vm1, $0x3E, v5;
	vm0 =	vlt.s32 v6, $0x3E  }
0x12b: {  	v2 =	vsub.f32 v2, v8;
	v6 =	vnsel vm0, $0x3E, v6;
	v5 =	vshll.u32 v5, $0xC  }
0x12c: {  	v3 =	vsub.f32 v3, v9;
	v6 =	vshll.u32 v6, $0x6;
	v5 =	vadd.s32 v0, v5  }
0x12d: {  	v1 =	vsub.f32 v1, v7;
	[tilespmem:s10+$0x6000] =	vst v2;
	v2 =	vadd.s32 v6, v5  }
0x12e: {  	[tilespmem:s10+$0x6080] =	vst v3;
	v2 =	vadd.s32 v4, v2  }
0x12f: {  	[tilespmem:s13+$0x6000] =	vst v1;
	v1 =	vadd.s32 $0x40, v2;
	v3 =	vadd.s32 $0x1000, v2;
	v4 =	vadd.s32 $0x1040, v2  }
0x130: {  	[tilespmem:s28+$0xA010] =	vst v2  }
0x131: {  	s10 =	sand.u32 $0x3, s30;
	s13 =	sadd.s32 $0xFFFFFFF0, s0;
	[tilespmem:s28+$0xA810] =	vst v1  }
0x132: {  	s10 =	sshll.u32 s10, $0x5;
	s13 =	sand.u32 $0x60, s13;
	[tilespmem:s28+$0xB810] =	vst v4  }
0x133: {  	s10 =	sadd.s32 s31, s10;
	s13 =	sor.u32 s5, s13;
	[tilespmem:s28+$0xB010] =	vst v3  }
0x134: {  	s10 =	sadd.s32 $0x20, s10;
	v1 =	vld [tilespmem:s13+$0x2000]  }
0x135: {  	s10 =	sor.u32 $0x100, s10;
	v2 =	vld [tilespmem:s13+$0x2080]  }
0x136: {  	v3 =	vld [tilespmem:s10+$0x2000];
	_ =	sdelay $0x2  }
0x137: {  	v1 =	vadd.f32 $3.200000000e+01, v1  }
0x138: {  	v2 =	vadd.f32 $3.200000000e+01, v2  }
0x139: {  	v3 =	vadd.f32 $3.200000000e+01, v3;
	v4 =	vtrunc.f32 v1  }
0x13a: {  	v4 =	vcvt.f32.s32 v4;
	v5 =	vtrunc.f32 v2  }
0x13b: {  	v5 =	vcvt.f32.s32 v5;
	v6 =	vtrunc.f32 v3  }
0x13c: {  	v6 =	vcvt.f32.s32 v6;
	v7 =	vcvt.s32.f32 v4;
	vm0 =	vlt.s32 v4, $0x3E  }
0x13d: {  	v8 =	vcvt.s32.f32 v5;
	v4 =	vnsel vm0, $0x3E, v4;
	vm0 =	vlt.s32 v5, $0x3E  }
0x13e: {  	v5 =	vnsel vm0, $0x3E, v5;
	vm0 =	vlt.s32 v6, $0x3E;
	v4 =	vshll.u32 v4, $0xC  }
0x13f: {  	v2 =	vsub.f32 v2, v8;
	v8 =	vcvt.s32.f32 v6;
	v4 =	vadd.s32 v0, v4  }
0x140: {  	v1 =	vsub.f32 v1, v7;
	v6 =	vnsel vm0, $0x3E, v6;
	v5 =	vshll.u32 v5, $0x6  }
0x141: {  	[tilespmem:s13+$0x6080] =	vst v2;
	v2 =	vsub.f32 v3, v8;
	v3 =	vadd.s32 v5, v4  }
0x142: {  	[tilespmem:s13+$0x6000] =	vst v1;
	v1 =	vadd.s32 v6, v3  }
0x143: {  	[tilespmem:s10+$0x6000] =	vst v2;
	v2 =	vadd.s32 $0x40, v1;
	v3 =	vadd.s32 $0x1000, v1;
	v4 =	vadd.s32 $0x1040, v1  }
0x144: {  	[tilespmem:s28+$0xA020] =	vst v1  }
0x145: {  	[tilespmem:s28+$0xA820] =	vst v2  }
0x146: {  	s10 =	sand.u32 $0x70, s0;
	[tilespmem:s28+$0xB020] =	vst v3  }
0x147: {  	s5 =	sor.u32 s5, s10;
	[tilespmem:s28+$0xB820] =	vst v4  }
.Ltmp1:
0x148: {  	s6 =	sadd.s32 $0x30, s6;
	v1 =	vld [tilespmem:s5+$0x2000];
	(pc) =	sbr.rel @p1 .LBB2_5-.Ltmp1, $3  }
0x149: {  	s6 =	sor.u32 $0x100, s6;
	v2 =	vld [tilespmem:s5+$0x2080]  }
0x14a: {  	v3 =	vld [tilespmem:s6+$0x2000];
	_ =	sdelay $0x1  }
0x14b: {  	p0 =	por !p0, !p0;
	s30 =	sadd.s32 $0x2, s30;
	s0 =	sadd.s32 $0x40, s0  }
0x14c: {  	_ = 	snop  }
0x14d: {  	v1 =	vadd.f32 $3.200000000e+01, v1;
	v2 =	vadd.f32 $3.200000000e+01, v2;
	_ =	sdelay $0x1  }
0x14e: {  	v3 =	vadd.f32 $3.200000000e+01, v3;
	v5 =	vtrunc.f32 v1;
	v4 =	vtrunc.f32 v2  }
0x14f: {  	v5 =	vcvt.f32.s32 v5;
	v4 =	vcvt.f32.s32 v4  }
0x150: {  	v6 =	vtrunc.f32 v3  }
0x151: {  	v6 =	vcvt.f32.s32 v6;
	vm1 =	vlt.s32 v5, $0x3E;
	v7 =	vcvt.s32.f32 v4  }
0x152: {  	v8 =	vcvt.s32.f32 v5;
	vm0 =	vlt.s32 v4, $0x3E;
	v5 =	vnsel vm1, $0x3E, v5  }
0x153: {  	v4 =	vnsel vm0, $0x3E, v4;
	v62 =	vcvt.s32.f32 v6;
	v2 =	vsub.f32 v2, v7  }
0x154: {  	v1 =	vsub.f32 v1, v8;
	vm15 =	vlt.s32 v6, $0x3E;
	v5 =	vshll.u32 v5, $0xC  }
0x155: {  	v63 =	vadd.s32 v0, v5;
	[tilespmem:s5+$0x6080] =	vst v2;
	v2 =	vsub.f32 v3, v62;
	v3 =	vshll.u32 v4, $0x6  }
0x156: {  	[tilespmem:s5+$0x6000] =	vst v1;
	v1 =	vnsel vm15, $0x3E, v6;
	v3 =	vadd.s32 v3, v63  }
0x157: {  	p1 =	seq.s32 s26, $0xF;
	[tilespmem:s6+$0x6000] =	vst v2;
	v1 =	vadd.s32 v1, v3  }
0x158: {  	p0 =	seq.s32 @!p1 s26, $0x0;
	[tilespmem:s28+$0xA030] =	vst v1;
	v2 =	vadd.s32 $0x40, v1  }
0x159: {  	p0 =	por p1, !p0;
	v3 =	vadd.s32 $0x1040, v1;
	[tilespmem:s28+$0xA830] =	vst v2  }
.Ltmp2:
0x15a: {  	v1 =	vadd.s32 $0x1000, v1;
	[tilespmem:s28+$0xB830] =	vst v3;
	(pc) =	sbr.rel @!p0 .LBB2_7-.Ltmp2, $4  }
0x15b: {  	s0 =	sshll.u32 @!p1 s26, $0xB;
	[tilespmem:s28+$0xB030] =	vst v1  }
0x15c: {  	[tilespmem:s17], [sflag:$0x4] =	stream.indirect.gather [hbm4b:s3+s11], $0x1, s16, s11, $0xb8;
	[tilespmem:$0x11000] =	vst v63  }
0x15d: {  	s1 =	simm.s32 @!p1 $0x0;
	s0 =	sadd.s32 @!p1 s0, s8  }
0x15e: {  	[tilespmem:s1], [sflag:$0x1] =	stream.linear.gather @!p1 [hbm4b:s0+s1], $0x2000, $0x38;
	[tilespmem:$0x11000] =	vst v63  }
.Ltmp3:
0x15f: {  	(pc) =	sbr.rel .LBB2_9-.Ltmp3, $4  }
0x160: {  	_ = 	snop  }
0x161: {  	_ =	swait.ge [sflag:s23], $0x800  }
0x162: {  	[sflag:s23] =	ssyncset.done $0x0  }
0x163: {  	p0 =	por $0x0, $0x0;
	[sflag:s23] =	ssyncadd.s32 $0xFFFFF800  }
.LBB2_7:
0x164: {  	p0 =	por @!p1 $0x1, $0x1  }
.LBB2_9:
0x165: {  	_ =	swait.ge [sflag:s18], $0x2000  }
0x166: {  	[sflag:s18] =	ssyncset.done $0x0  }
0x167: {  	s0 =	simm.s32 $0x0;
	s29 =	simm.s32 $0x0;
	[sflag:s18] =	ssyncadd.s32 $0xFFFFE000  }
0x168: {  	s1 =	sand.u32 $0x7C0, s0;
	v1 =	vld [tilespmem:s29+$0xC000]  }
0x169: {  	v2 =	vld [tilespmem:s1+$0xD800]  }
0x16a: {  	s28 =	simm.s32 $0x0;
	v3 =	vld [tilespmem:s1+$0xC800]  }
0x16b: {  	s5 =	sand.u32 $0x1E00, s28;
	v4 =	vld [tilespmem:s1+$0xD000]  }
0x16c: {  	s6 =	sand.u32 $0x40, s0;
	s10 =	sor.u32 $0x4000, s5  }
0x16d: {  	s13 =	sor.u32 s6, s10  }
0x16e: {  	v5 =	vld [tilespmem:s13+$0x100];
	v6 =	vshll.u32 v1, $0x10  }
0x16f: {  	v1 =	vand.u32 $0xFFFF0000, v1;
	v7 =	vand.u32 $0xFFFF0000, v2;
	v8 =	vshll.u32 v3, $0x10  }
0x170: {  	v3 =	vand.u32 $0xFFFF0000, v3;
	v2 =	vshll.u32 v2, $0x10;
	v9 =	vshll.u32 v4, $0x10  }
0x171: {  	v4 =	vand.u32 $0xFFFF0000, v4;
	v1 =	vsub.f32 v1, v6;
	v3 =	vsub.f32 v3, v8  }
0x172: {  	v4 =	vsub.f32 v4, v9;
	v7 =	vsub.f32 v7, v2  }
0x173: {  	v1 =	vmul.f32 v1, v5;
	v3 =	vmul.f32 v3, v5  }
0x174: {  	v4 =	vmul.f32 v4, v5;
	v5 =	vmul.f32 v7, v5  }
0x175: {  	v7 =	vld [tilespmem:s13+$0x80];
	v1 =	vadd.f32 v6, v1;
	v3 =	vadd.f32 v8, v3  }
0x176: {  	v4 =	vadd.f32 v9, v4;
	v2 =	vadd.f32 v2, v5;
	_ =	sdelay $0x1  }
0x177: {  	v3 =	vsub.f32 v3, v1;
	v2 =	vsub.f32 v2, v4;
	_ =	sdelay $0x1  }
0x178: {  	v3 =	vmul.f32 v3, v7;
	v2 =	vmul.f32 v2, v7  }
0x179: {  	v7 =	vld [tilespmem:s13+$0x0]  }
0x17a: {  	v1 =	vadd.f32 v3, v1;
	v2 =	vadd.f32 v2, v4;
	_ =	sdelay $0x1  }
0x17b: {  	v2 =	vsub.f32 v2, v1  }
0x17c: {  	v59 =	vld [tilespmem:s29+$0xD810]  }
0x17d: {  	v6 =	vld [tilespmem:s29+$0xC810];
	v2 =	vmul.f32 v2, v7  }
0x17e: {  	v8 =	vld [tilespmem:s29+$0xD010]  }
0x17f: {  	s14 =	simm.s32 $0x10;
	v5 =	vld [tilespmem:s29+$0xC010];
	v1 =	vadd.f32 v2, v1  }
0x180: {  	s1 =	sand.u32 $0x50, s14  }
0x181: {  	s1 =	sor.u32 s1, s10;
	[tilespmem:s29+$0x10000] =	vst v1  }
0x182: {  	v17 =	vand.u32 $0xFFFF0000, v59;
	v14 =	vld [tilespmem:s1+$0x100]  }
0x183: {  	v9 =	vshll.u32 v59, $0x10;
	v15 =	vand.u32 $0xFFFF0000, v6;
	v16 =	vand.u32 $0xFFFF0000, v8  }
0x184: {  	v6 =	vshll.u32 v6, $0x10;
	v1 =	vand.u32 $0xFFFF0000, v5;
	v5 =	vshll.u32 v5, $0x10  }
0x185: {  	v8 =	vshll.u32 v8, $0x10;
	v15 =	vsub.f32 v15, v6;
	v1 =	vsub.f32 v1, v5  }
0x186: {  	v17 =	vsub.f32 v17, v9;
	v16 =	vsub.f32 v16, v8  }
0x187: {  	v1 =	vmul.f32 v1, v14;
	v15 =	vmul.f32 v15, v14  }
0x188: {  	v16 =	vmul.f32 v16, v14;
	v14 =	vmul.f32 v17, v14  }
0x189: {  	v60 =	vld [tilespmem:s1+$0x80];
	v1 =	vadd.f32 v5, v1;
	v5 =	vadd.f32 v6, v15  }
0x18a: {  	v6 =	vadd.f32 v8, v16;
	v8 =	vadd.f32 v9, v14;
	_ =	sdelay $0x1  }
0x18b: {  	v5 =	vsub.f32 v5, v1;
	v8 =	vsub.f32 v8, v6;
	_ =	sdelay $0x1  }
0x18c: {  	v5 =	vmul.f32 v5, v60;
	v8 =	vmul.f32 v8, v60  }
0x18d: {  	v61 =	vld [tilespmem:s1+$0x0]  }
0x18e: {  	v1 =	vadd.f32 v5, v1;
	v5 =	vadd.f32 v8, v6;
	_ =	sdelay $0x1  }
0x18f: {  	v5 =	vsub.f32 v5, v1  }
0x190: {  	v11 =	vld [tilespmem:s29+$0xD820]  }
0x191: {  	v4 =	vld [tilespmem:s29+$0xD020];
	v5 =	vmul.f32 v5, v61  }
0x192: {  	v3 =	vld [tilespmem:s29+$0xC820]  }
0x193: {  	s24 =	simm.s32 $0x20;
	v10 =	vld [tilespmem:s29+$0xC020];
	v1 =	vadd.f32 v5, v1  }
0x194: {  	s1 =	sand.u32 $0x60, s24  }
0x195: {  	s1 =	sor.u32 s1, s10;
	[tilespmem:s29+$0x10010] =	vst v1  }
0x196: {  	v62 =	vand.u32 $0xFFFF0000, v4;
	v5 =	vld [tilespmem:s1+$0x100]  }
0x197: {  	v4 =	vshll.u32 v4, $0x10;
	v6 =	vand.u32 $0xFFFF0000, v3;
	v8 =	vand.u32 $0xFFFF0000, v11  }
0x198: {  	v3 =	vshll.u32 v3, $0x10;
	v1 =	vand.u32 $0xFFFF0000, v10;
	v10 =	vshll.u32 v10, $0x10  }
0x199: {  	v11 =	vshll.u32 v11, $0x10;
	v6 =	vsub.f32 v6, v3;
	v1 =	vsub.f32 v1, v10  }
0x19a: {  	v9 =	vsub.f32 v62, v4;
	v8 =	vsub.f32 v8, v11  }
0x19b: {  	v1 =	vmul.f32 v1, v5;
	v6 =	vmul.f32 v6, v5  }
0x19c: {  	v9 =	vmul.f32 v9, v5;
	v5 =	vmul.f32 v8, v5  }
0x19d: {  	v8 =	vld [tilespmem:s1+$0x80];
	v1 =	vadd.f32 v10, v1;
	v3 =	vadd.f32 v3, v6  }
0x19e: {  	v4 =	vadd.f32 v4, v9;
	v5 =	vadd.f32 v11, v5;
	_ =	sdelay $0x1  }
0x19f: {  	v3 =	vsub.f32 v3, v1;
	v5 =	vsub.f32 v5, v4;
	_ =	sdelay $0x1  }
0x1a0: {  	v3 =	vmul.f32 v3, v8;
	v5 =	vmul.f32 v5, v8  }
0x1a1: {  	v6 =	vld [tilespmem:s1+$0x0]  }
0x1a2: {  	v1 =	vadd.f32 v3, v1;
	v3 =	vadd.f32 v5, v4;
	_ =	sdelay $0x1  }
0x1a3: {  	v3 =	vsub.f32 v3, v1  }
0x1a4: {  	v12 =	vld [tilespmem:s29+$0xC030]  }
0x1a5: {  	v13 =	vld [tilespmem:s29+$0xD030];
	v3 =	vmul.f32 v3, v6  }
0x1a6: {  	v2 =	vld [tilespmem:s29+$0xD830]  }
0x1a7: {  	s30 =	simm.s32 $0x30;
	v7 =	vld [tilespmem:s29+$0xC830];
	v1 =	vadd.f32 v3, v1  }
0x1a8: {  	s31 =	sand.u32 $0x70, s30  }
0x1a9: {  	s5 =	sor.u32 s31, s10;
	[tilespmem:s29+$0x10020] =	vst v1  }
0x1aa: {  	v63 =	vshll.u32 v12, $0x10;
	v3 =	vld [tilespmem:s5+$0x100]  }
0x1ab: {  	v8 =	vand.u32 $0xFFFF0000, v2;
	v2 =	vshll.u32 v2, $0x10;
	v4 =	vand.u32 $0xFFFF0000, v13  }
0x1ac: {  	v5 =	vand.u32 $0xFFFF0000, v7;
	v7 =	vshll.u32 v7, $0x10;
	v1 =	vand.u32 $0xFFFF0000, v12  }
0x1ad: {  	v5 =	vsub.f32 v5, v7;
	v6 =	vshll.u32 v13, $0x10;
	v1 =	vsub.f32 v1, v63  }
0x1ae: {  	v8 =	vsub.f32 v8, v2;
	v4 =	vsub.f32 v4, v6  }
0x1af: {  	v1 =	vmul.f32 v1, v3;
	v5 =	vmul.f32 v5, v3  }
0x1b0: {  	v4 =	vmul.f32 v4, v3;
	v3 =	vmul.f32 v8, v3  }
0x1b1: {  	v8 =	vld [tilespmem:s5+$0x80];
	v1 =	vadd.f32 v63, v1;
	v5 =	vadd.f32 v7, v5  }
0x1b2: {  	v4 =	vadd.f32 v6, v4;
	v2 =	vadd.f32 v2, v3;
	_ =	sdelay $0x1  }
0x1b3: {  	v3 =	vsub.f32 v5, v1;
	v2 =	vsub.f32 v2, v4;
	_ =	sdelay $0x1  }
0x1b4: {  	v3 =	vmul.f32 v3, v8;
	v2 =	vmul.f32 v2, v8  }
0x1b5: {  	v7 =	vld [tilespmem:s5+$0x0]  }
0x1b6: {  	s0 =	sshll.u32 s26, $0xC;
	s1 =	simm.s32 $0x0;
	v1 =	vadd.f32 v3, v1;
	v2 =	vadd.f32 v2, v4  }
.LBB2_10:
0x1b7: {  	_ = 	snop  }
0x1b8: {  	s1 =	sadd.s32 $0x4, s1;
	s28 =	sadd.s32 $0x100, s28;
	s30 =	sadd.s32 $0x40, s30;
	v2 =	vsub.f32 v2, v1  }
0x1b9: {  	p2 =	slt.u32 s1, $0x7C  }
0x1ba: {  	v2 =	vmul.f32 v2, v7;
	_ =	sdelay $0x1  }
0x1bb: {  	s5 =	sadd.s32 $0xFFFFFFD0, s30;
	v1 =	vadd.f32 v2, v1  }
0x1bc: {  	s10 =	sshra.s32 s28, $0x2;
	s6 =	sand.u32 $0x40, s5;
	s13 =	sand.u32 $0x7C0, s5  }
0x1bd: {  	s5 =	sand.u32 $0x1E00, s28;
	v2 =	vld [tilespmem:s10+$0xC000];
	[tilespmem:s29+$0x10030] =	vst v1;
	s29 =	smov.u32 s10  }
0x1be: {  	s5 =	sor.u32 $0x4000, s5;
	v1 =	vld [tilespmem:s13+$0xD800]  }
0x1bf: {  	s6 =	sor.u32 s6, s5;
	v3 =	vld [tilespmem:s13+$0xC800]  }
0x1c0: {  	v4 =	vld [tilespmem:s13+$0xD000]  }
0x1c1: {  	v7 =	vld [tilespmem:s29+$0xC010]  }
0x1c2: {  	v5 =	vld [tilespmem:s6+$0x100];
	v6 =	vshll.u32 v2, $0x10;
	v2 =	vand.u32 $0xFFFF0000, v2  }
0x1c3: {  	v2 =	vsub.f32 v2, v6;
	v8 =	vand.u32 $0xFFFF0000, v1;
	v9 =	vld [tilespmem:s29+$0xC810]  }
0x1c4: {  	v1 =	vshll.u32 v1, $0x10;
	v10 =	vshll.u32 v3, $0x10;
	v3 =	vand.u32 $0xFFFF0000, v3;
	v11 =	vld [tilespmem:s29+$0xD010]  }
0x1c5: {  	v3 =	vsub.f32 v3, v10;
	v12 =	vshll.u32 v4, $0x10;
	v4 =	vand.u32 $0xFFFF0000, v4;
	v13 =	vld [tilespmem:s29+$0xD810]  }
0x1c6: {  	v8 =	vsub.f32 v8, v1;
	v4 =	vsub.f32 v4, v12;
	v14 =	vand.u32 $0xFFFF0000, v7;
	v15 =	vld [tilespmem:s29+$0xC020]  }
0x1c7: {  	v2 =	vmul.f32 v2, v5;
	v3 =	vmul.f32 v3, v5;
	v16 =	vld [tilespmem:s29+$0xC820]  }
0x1c8: {  	v17 =	vld [tilespmem:s6+$0x80];
	v4 =	vmul.f32 v4, v5;
	v5 =	vmul.f32 v8, v5;
	v8 =	vand.u32 $0xFFFF0000, v9  }
0x1c9: {  	v6 =	vadd.f32 v6, v2;
	v2 =	vadd.f32 v10, v3;
	v10 =	vand.u32 $0xFFFF0000, v11;
	v18 =	vld [tilespmem:s29+$0xD020]  }
0x1ca: {  	v12 =	vadd.f32 v12, v4;
	v3 =	vadd.f32 v1, v5;
	v19 =	vand.u32 $0xFFFF0000, v13;
	v20 =	vld [tilespmem:s29+$0xD820]  }
0x1cb: {  	v4 =	vsub.f32 v2, v6;
	v21 =	vand.u32 $0xFFFF0000, v15;
	v1 =	vld [tilespmem:s29+$0xC030]  }
0x1cc: {  	v3 =	vsub.f32 v3, v12;
	v22 =	vand.u32 $0xFFFF0000, v16;
	v2 =	vld [tilespmem:s29+$0xC830]  }
0x1cd: {  	v5 =	vmul.f32 v4, v17;
	v4 =	vld [tilespmem:s29+$0xD030]  }
0x1ce: {  	v17 =	vmul.f32 v3, v17;
	v3 =	vld [tilespmem:s29+$0xD830]  }
0x1cf: {  	v23 =	vld [tilespmem:s6+$0x0];
	v24 =	vand.u32 $0xFFFF0000, v20  }
0x1d0: {  	v25 =	vadd.f32 v5, v6;
	v6 =	vadd.f32 v17, v12;
	v5 =	vand.u32 $0xFFFF0000, v1;
	_ =	sdelay $0x1  }
0x1d1: {  	v12 =	vsub.f32 v6, v25;
	v6 =	vand.u32 $0xFFFF0000, v4;
	_ =	sdelay $0x1  }
0x1d2: {  	v12 =	vmul.f32 v12, v23;
	_ =	sdelay $0x1  }
0x1d3: {  	s6 =	sadd.s32 $0xFFFFFFE0, s30;
	v12 =	vadd.f32 v12, v25  }
0x1d4: {  	s6 =	sand.u32 $0x50, s6  }
0x1d5: {  	s6 =	sor.u32 s6, s5;
	[tilespmem:s29+$0x10000] =	vst v12  }
0x1d6: {  	v12 =	vld [tilespmem:s6+$0x100];
	_ =	sdelay $0x1  }
0x1d7: {  	v7 =	vshll.u32 v7, $0x10;
	v9 =	vshll.u32 v9, $0x10;
	v13 =	vshll.u32 v13, $0x10  }
0x1d8: {  	v14 =	vsub.f32 v14, v7;
	v8 =	vsub.f32 v8, v9;
	v11 =	vshll.u32 v11, $0x10  }
0x1d9: {  	v10 =	vsub.f32 v10, v11;
	v17 =	vsub.f32 v19, v13  }
0x1da: {  	v14 =	vmul.f32 v14, v12;
	v8 =	vmul.f32 v8, v12  }
0x1db: {  	v10 =	vmul.f32 v10, v12;
	v12 =	vmul.f32 v17, v12;
	v19 =	vld [tilespmem:s6+$0x80]  }
0x1dc: {  	v7 =	vadd.f32 v7, v14;
	v8 =	vadd.f32 v9, v8  }
0x1dd: {  	v9 =	vadd.f32 v11, v10;
	v10 =	vadd.f32 v13, v12  }
0x1de: {  	v8 =	vsub.f32 v8, v7  }
0x1df: {  	v10 =	vsub.f32 v10, v9  }
0x1e0: {  	v8 =	vmul.f32 v8, v19  }
0x1e1: {  	v10 =	vmul.f32 v10, v19  }
0x1e2: {  	v11 =	vld [tilespmem:s6+$0x0]  }
0x1e3: {  	v7 =	vadd.f32 v8, v7;
	v8 =	vadd.f32 v10, v9;
	_ =	sdelay $0x1  }
0x1e4: {  	v8 =	vsub.f32 v8, v7;
	_ =	sdelay $0x1  }
0x1e5: {  	v8 =	vmul.f32 v8, v11;
	_ =	sdelay $0x1  }
0x1e6: {  	s6 =	sadd.s32 $0xFFFFFFF0, s30;
	v7 =	vadd.f32 v8, v7  }
0x1e7: {  	s6 =	sand.u32 $0x60, s6  }
0x1e8: {  	s6 =	sor.u32 s6, s5;
	[tilespmem:s29+$0x10010] =	vst v7  }
0x1e9: {  	v7 =	vld [tilespmem:s6+$0x100]  }
0x1ea: {  	v8 =	vand.u32 $0xFFFF0000, v18  }
0x1eb: {  	v9 =	vshll.u32 v15, $0x10;
	v10 =	vshll.u32 v16, $0x10;
	v11 =	vshll.u32 v18, $0x10  }
0x1ec: {  	v14 =	vshll.u32 v20, $0x10;
	v12 =	vsub.f32 v21, v9;
	v13 =	vsub.f32 v22, v10  }
0x1ed: {  	v15 =	vsub.f32 v24, v14;
	v8 =	vsub.f32 v8, v11  }
0x1ee: {  	v12 =	vmul.f32 v12, v7;
	v13 =	vmul.f32 v13, v7  }
0x1ef: {  	v8 =	vmul.f32 v8, v7;
	v7 =	vmul.f32 v15, v7;
	v16 =	vld [tilespmem:s6+$0x80]  }
0x1f0: {  	v9 =	vadd.f32 v9, v12;
	v10 =	vadd.f32 v10, v13  }
0x1f1: {  	v8 =	vadd.f32 v11, v8;
	v7 =	vadd.f32 v14, v7  }
0x1f2: {  	v10 =	vsub.f32 v10, v9  }
0x1f3: {  	v7 =	vsub.f32 v7, v8  }
0x1f4: {  	v10 =	vmul.f32 v10, v16  }
0x1f5: {  	v7 =	vmul.f32 v7, v16  }
0x1f6: {  	v11 =	vld [tilespmem:s6+$0x0]  }
0x1f7: {  	v9 =	vadd.f32 v10, v9;
	v7 =	vadd.f32 v7, v8;
	_ =	sdelay $0x1  }
0x1f8: {  	v7 =	vsub.f32 v7, v9;
	_ =	sdelay $0x1  }
0x1f9: {  	v7 =	vmul.f32 v7, v11;
	_ =	sdelay $0x1  }
0x1fa: {  	v7 =	vadd.f32 v7, v9  }
0x1fb: {  	s6 =	sand.u32 $0x70, s30  }
0x1fc: {  	s5 =	sor.u32 s6, s5;
	[tilespmem:s29+$0x10020] =	vst v7  }
0x1fd: {  	v8 =	vld [tilespmem:s5+$0x100]  }
0x1fe: {  	v4 =	vshll.u32 v4, $0x10;
	v10 =	vand.u32 $0xFFFF0000, v3;
	v9 =	vand.u32 $0xFFFF0000, v2;
	v7 =	vld [tilespmem:s5+$0x0]  }
0x1ff: {  	v1 =	vshll.u32 v1, $0x10;
	v6 =	vsub.f32 v6, v4;
	v2 =	vshll.u32 v2, $0x10  }
0x200: {  	v5 =	vsub.f32 v5, v1;
	v3 =	vshll.u32 v3, $0x10;
	v9 =	vsub.f32 v9, v2  }
0x201: {  	v10 =	vsub.f32 v10, v3  }
0x202: {  	v5 =	vmul.f32 v5, v8;
	v9 =	vmul.f32 v9, v8  }
0x203: {  	v6 =	vmul.f32 v6, v8;
	v8 =	vmul.f32 v10, v8;
	v11 =	vld [tilespmem:s5+$0x80]  }
0x204: {  	v1 =	vadd.f32 v1, v5;
	v2 =	vadd.f32 v2, v9  }
0x205: {  	v4 =	vadd.f32 v4, v6;
	v3 =	vadd.f32 v3, v8  }
0x206: {  	v2 =	vsub.f32 v2, v1  }
.Ltmp4:
0x207: {  	v3 =	vsub.f32 v3, v4;
	(pc) =	sbr.rel @p2 .LBB2_10-.Ltmp4, $3  }
0x208: {  	v2 =	vmul.f32 v2, v11  }
0x209: {  	v3 =	vmul.f32 v3, v11;
	_ =	sdelay $0x1  }
0x20a: {  	v1 =	vadd.f32 v2, v1;
	v2 =	vadd.f32 v3, v4  }
0x20b: {  	_ = 	snop  }
0x20c: {  	v2 =	vsub.f32 v2, v1;
	_ =	sdelay $0x1  }
0x20d: {  	v2 =	vmul.f32 v2, v7  }
.Ltmp5:
0x20e: {  	_ = 	snop;
	(pc) =	sbr.rel @p1 .LBB2_15-.Ltmp5, $4  }
0x20f: {  	s0 =	sor.u32 s7, s0;
	v1 =	vadd.f32 v2, v1  }
0x210: {  	s28 =	sshrl.u32 s0, $0x3  }
0x211: {  	s0 =	sadd.s32 s4, s28;
	[tilespmem:s29+$0x10030] =	vst v1  }
0x212: {  	[hbm4b:s0+s2] =	stream.linear.scatter [tilespmem:s19], [sflag:$0x5], $0x800, $0x38;
	[tilespmem:$0x11000] =	vst v63  }
0x213: {  	_ =	swait.ge [sflag:s12], $0x2000  }
0x214: {  	p1 =	por $0x0, $0x0;
	s0 =	simm.s32 $0x1;
	s29 =	simm.s32 $0x0  }
0x215: {  	s1 =	simm.s32 $0x0;
	[sflag:s12] =	ssyncset.done $0x0;
	s0 =	simm.s32 @!p1 $0x0  }
0x216: {  	s6 =	sand.u32 $0x40, s1;
	s5 =	sshll.u32 s0, $0x6;
	s0 =	sand.u32 $0x1E00, s29  }
0x217: {  	[sflag:s12] =	ssyncadd.s32 $0xFFFFE000;
	s6 =	sor.u32 s6, s0  }
0x218: {  	s5 =	sadd.s32 $0x0, s5;
	v1 =	vld [tilespmem:s6+$0x0]  }
0x219: {  	s5 =	sor.u32 $0x100, s5;
	v3 =	vld [tilespmem:s6+$0x80]  }
0x21a: {  	v2 =	vld [tilespmem:s5+$0x0];
	_ =	sdelay $0x3  }
0x21b: {  	v1 =	vadd.f32 $3.200000000e+01, v1;
	v3 =	vadd.f32 $3.200000000e+01, v3  }
0x21c: {  	v2 =	vadd.f32 $3.200000000e+01, v2  }
0x21d: {  	v4 =	vtrunc.f32 v1;
	v6 =	vtrunc.f32 v3  }
0x21e: {  	v4 =	vcvt.f32.s32 v4;
	v5 =	vtrunc.f32 v2  }
0x21f: {  	v6 =	vcvt.f32.s32 v6;
	v5 =	vcvt.f32.s32 v5  }
0x220: {  	v7 =	vcvt.s32.f32 v4;
	vm0 =	vlt.s32 v4, $0x3E  }
0x221: {  	v9 =	vcvt.s32.f32 v6;
	vm1 =	vlt.s32 v6, $0x3E;
	v8 =	vcvt.s32.f32 v5  }
0x222: {  	v4 =	vnsel vm0, $0x3E, v4;
	vm9 =	vlt.s32 v5, $0x3E;
	v1 =	vsub.f32 v1, v7  }
0x223: {  	v6 =	vnsel vm1, $0x3E, v6;
	v4 =	vshll.u32 v4, $0xC;
	v3 =	vsub.f32 v3, v9  }
0x224: {  	v2 =	vsub.f32 v2, v8;
	v4 =	vadd.s32 v0, v4;
	[tilespmem:s6+$0x4000] =	vst v1;
	v1 =	vshll.u32 v6, $0x6  }
0x225: {  	v5 =	vnsel vm9, $0x3E, v5;
	[tilespmem:s6+$0x4080] =	vst v3;
	v1 =	vadd.s32 v1, v4  }
0x226: {  	s30 =	simm.s32 $0x0;
	s24 =	sand.u32 $0x7, s29;
	[tilespmem:s5+$0x4000] =	vst v2;
	v1 =	vadd.s32 v5, v1  }
0x227: {  	s13 =	sand.u32 $0x7C0, s1;
	s10 =	sshll.u32 s24, $0x4;
	[tilespmem:s30+$0x8000] =	vst v1;
	v2 =	vadd.s32 $0x40, v1  }
0x228: {  	s1 =	sadd.s32 $0x0, s10;
	v3 =	vadd.s32 $0x1040, v1;
	[tilespmem:s13+$0x8800] =	vst v2  }
0x229: {  	s14 =	simm.s32 $0x10;
	s10 =	sadd.s32 $0x10, s1;
	v1 =	vadd.s32 $0x1000, v1;
	[tilespmem:s13+$0x9800] =	vst v3  }
0x22a: {  	s24 =	sor.u32 $0x100, s10;
	s5 =	sand.u32 $0x50, s14;
	[tilespmem:s13+$0x9000] =	vst v1  }
0x22b: {  	s5 =	sor.u32 s0, s5;
	v1 =	vld [tilespmem:s24+$0x0]  }
0x22c: {  	v2 =	vld [tilespmem:s5+$0x0]  }
0x22d: {  	v3 =	vld [tilespmem:s5+$0x80];
	_ =	sdelay $0x3  }
0x22e: {  	v1 =	vadd.f32 $3.200000000e+01, v1;
	v2 =	vadd.f32 $3.200000000e+01, v2  }
0x22f: {  	v3 =	vadd.f32 $3.200000000e+01, v3  }
0x230: {  	v4 =	vtrunc.f32 v1;
	v5 =	vtrunc.f32 v2  }
0x231: {  	v56 =	vtrunc.f32 v3;
	v5 =	vcvt.f32.s32 v5  }
0x232: {  	v4 =	vcvt.f32.s32 v4;
	v6 =	vcvt.f32.s32 v56  }
0x233: {  	v57 =	vcvt.s32.f32 v5;
	vm10 =	vlt.s32 v5, $0x3E  }
0x234: {  	v58 =	vcvt.s32.f32 v4;
	v59 =	vcvt.s32.f32 v6;
	vm11 =	vlt.s32 v4, $0x3E  }
0x235: {  	vm12 =	vlt.s32 v6, $0x3E;
	v5 =	vnsel vm10, $0x3E, v5;
	v2 =	vsub.f32 v2, v57  }
0x236: {  	v6 =	vnsel vm12, $0x3E, v6;
	v5 =	vshll.u32 v5, $0xC;
	v3 =	vsub.f32 v3, v59  }
0x237: {  	v6 =	vshll.u32 v6, $0x6;
	v1 =	vsub.f32 v1, v58;
	v5 =	vadd.s32 v0, v5;
	[tilespmem:s5+$0x4000] =	vst v2  }
0x238: {  	v2 =	vnsel vm11, $0x3E, v4;
	v4 =	vadd.s32 v6, v5;
	[tilespmem:s5+$0x4080] =	vst v3  }
0x239: {  	v2 =	vadd.s32 v2, v4;
	[tilespmem:s24+$0x4000] =	vst v1  }
0x23a: {  	v1 =	vadd.s32 $0x40, v2;
	[tilespmem:s30+$0x8010] =	vst v2  }
0x23b: {  	s10 =	simm.s32 $0x20;
	s13 =	sand.u32 $0x3, s29;
	v3 =	vadd.s32 $0x1040, v2;
	[tilespmem:s30+$0x8810] =	vst v1  }
0x23c: {  	s6 =	sshll.u32 s13, $0x5;
	s5 =	sand.u32 $0x60, s10;
	v1 =	vadd.s32 $0x1000, v2;
	[tilespmem:s30+$0x9810] =	vst v3  }
0x23d: {  	s6 =	sadd.s32 $0x0, s6;
	s5 =	sor.u32 s0, s5;
	[tilespmem:s30+$0x9010] =	vst v1  }
0x23e: {  	s6 =	sadd.s32 $0x20, s6;
	v1 =	vld [tilespmem:s5+$0x0]  }
0x23f: {  	s6 =	sor.u32 $0x100, s6;
	v2 =	vld [tilespmem:s5+$0x80]  }
0x240: {  	v3 =	vld [tilespmem:s6+$0x0];
	_ =	sdelay $0x3  }
0x241: {  	v1 =	vadd.f32 $3.200000000e+01, v1  }
0x242: {  	v2 =	vadd.f32 $3.200000000e+01, v2;
	v3 =	vadd.f32 $3.200000000e+01, v3  }
0x243: {  	v4 =	vtrunc.f32 v1  }
0x244: {  	v5 =	vtrunc.f32 v2;
	v60 =	vtrunc.f32 v3  }
0x245: {  	v4 =	vcvt.f32.s32 v4;
	v5 =	vcvt.f32.s32 v5  }
0x246: {  	v6 =	vcvt.f32.s32 v60  }
0x247: {  	vm13 =	vlt.s32 v4, $0x3E;
	v61 =	vcvt.s32.f32 v5  }
0x248: {  	v62 =	vcvt.s32.f32 v4;
	vm14 =	vlt.s32 v5, $0x3E;
	v63 =	vcvt.s32.f32 v6  }
0x249: {  	vm15 =	vlt.s32 v6, $0x3E;
	v4 =	vnsel vm13, $0x3E, v4;
	v2 =	vsub.f32 v2, v61  }
0x24a: {  	v5 =	vnsel vm14, $0x3E, v5;
	v4 =	vshll.u32 v4, $0xC;
	v1 =	vsub.f32 v1, v62  }
0x24b: {  	v5 =	vshll.u32 v5, $0x6;
	v4 =	vadd.s32 v0, v4;
	[tilespmem:s5+$0x4080] =	vst v2;
	v2 =	vsub.f32 v3, v63  }
0x24c: {  	v3 =	vnsel vm15, $0x3E, v6;
	v4 =	vadd.s32 v5, v4;
	[tilespmem:s5+$0x4000] =	vst v1  }
0x24d: {  	v1 =	vadd.s32 v3, v4;
	[tilespmem:s6+$0x4000] =	vst v2  }
0x24e: {  	v2 =	vadd.s32 $0x40, v1;
	[tilespmem:s30+$0x8020] =	vst v1  }
0x24f: {  	s14 =	simm.s32 $0x30;
	v3 =	vadd.s32 $0x1000, v1;
	[tilespmem:s30+$0x8820] =	vst v2  }
0x250: {  	s5 =	sand.u32 $0x70, s14;
	v1 =	vadd.s32 $0x1040, v1;
	[tilespmem:s30+$0x9020] =	vst v3  }
0x251: {  	s6 =	sor.u32 s0, s5;
	[tilespmem:s30+$0x9820] =	vst v1  }
0x252: {  	s24 =	sadd.s32 $0x30, s1;
	v1 =	vld [tilespmem:s6+$0x0]  }
0x253: {  	s10 =	sor.u32 $0x100, s24;
	v2 =	vld [tilespmem:s6+$0x80]  }
0x254: {  	v3 =	vld [tilespmem:s10+$0x0]  }
0x255: {  	s31 =	simm.s32 $0x0;
	p1 =	por !p1, !p1  }
0x256: {  	s1 =	simm.s32 $0x70;
	s0 =	simm.s32 $0x2;
	s5 =	simm.s32 $0x0  }
.LBB2_13:
0x257: {  	s31 =	sadd.s32 $0x4, s31;
	s29 =	sadd.s32 $0x100, s29;
	s5 =	sadd.s32 $0x4, s5  }
0x258: {  	p2 =	slt.u32 s31, $0x7C;
	v2 =	vadd.f32 $3.200000000e+01, v2  }
0x259: {  	v1 =	vadd.f32 $3.200000000e+01, v1;
	v3 =	vadd.f32 $3.200000000e+01, v3  }
0x25a: {  	v4 =	vtrunc.f32 v2  }
0x25b: {  	v5 =	vtrunc.f32 v1;
	v4 =	vcvt.f32.s32 v4  }
0x25c: {  	v5 =	vcvt.f32.s32 v5;
	v6 =	vtrunc.f32 v3  }
0x25d: {  	v6 =	vcvt.f32.s32 v6;
	v7 =	vcvt.s32.f32 v4;
	vm0 =	vlt.s32 v4, $0x3E  }
0x25e: {  	v8 =	vcvt.s32.f32 v5;
	vm1 =	vlt.s32 v5, $0x3E;
	v4 =	vnsel vm0, $0x3E, v4  }
0x25f: {  	v5 =	vnsel vm1, $0x3E, v5;
	v2 =	vsub.f32 v2, v7;
	v7 =	vcvt.s32.f32 v6  }
0x260: {  	v1 =	vsub.f32 v1, v8;
	vm0 =	vlt.s32 v6, $0x3E;
	v5 =	vshll.u32 v5, $0xC  }
0x261: {  	[tilespmem:s6+$0x4080] =	vst v2;
	v2 =	vsub.f32 v3, v7;
	v3 =	vshll.u32 v4, $0x6;
	v4 =	vadd.s32 v0, v5  }
0x262: {  	[tilespmem:s6+$0x4000] =	vst v1;
	v1 =	vnsel vm0, $0x3E, v6;
	v3 =	vadd.s32 v3, v4  }
0x263: {  	[tilespmem:s10+$0x4000] =	vst v2;
	v1 =	vadd.s32 v1, v3  }
0x264: {  	s6 =	simm.s32 $0x1;
	[tilespmem:s30+$0x8030] =	vst v1;
	v2 =	vadd.s32 $0x40, v1;
	v3 =	vadd.s32 $0x1000, v1;
	v1 =	vadd.s32 $0x1040, v1  }
0x265: {  	s6 =	simm.s32 @!p1 $0x0;
	s10 =	sadd.s32 $0xFFFFFFD0, s1;
	[tilespmem:s30+$0x8830] =	vst v2  }
0x266: {  	s13 =	sshll.u32 s6, $0x6;
	s24 =	sand.u32 $0x40, s10;
	s6 =	sand.u32 $0x1E00, s29;
	[tilespmem:s30+$0x9830] =	vst v1  }
0x267: {  	s24 =	sor.u32 s24, s6;
	s13 =	sadd.s32 s13, s29;
	[tilespmem:s30+$0x9030] =	vst v3  }
0x268: {  	s13 =	sor.u32 $0x100, s13;
	v1 =	vld [tilespmem:s24+$0x0]  }
0x269: {  	v2 =	vld [tilespmem:s13+$0x0]  }
0x26a: {  	v3 =	vld [tilespmem:s24+$0x80];
	_ =	sdelay $0x2  }
0x26b: {  	v1 =	vadd.f32 $3.200000000e+01, v1  }
0x26c: {  	v2 =	vadd.f32 $3.200000000e+01, v2  }
0x26d: {  	v3 =	vadd.f32 $3.200000000e+01, v3;
	v4 =	vtrunc.f32 v1  }
0x26e: {  	v4 =	vcvt.f32.s32 v4;
	v5 =	vtrunc.f32 v2  }
0x26f: {  	v6 =	vtrunc.f32 v3;
	v5 =	vcvt.f32.s32 v5  }
0x270: {  	v6 =	vcvt.f32.s32 v6;
	v7 =	vcvt.s32.f32 v4;
	vm0 =	vlt.s32 v4, $0x3E  }
0x271: {  	v8 =	vcvt.s32.f32 v5;
	v4 =	vnsel vm0, $0x3E, v4;
	vm0 =	vlt.s32 v5, $0x3E  }
0x272: {  	v1 =	vsub.f32 v1, v7;
	v7 =	vcvt.s32.f32 v6;
	v4 =	vshll.u32 v4, $0xC  }
0x273: {  	vm1 =	vlt.s32 v6, $0x3E;
	v2 =	vsub.f32 v2, v8;
	v4 =	vadd.s32 v0, v4  }
0x274: {  	v5 =	vnsel vm0, $0x3E, v5;
	[tilespmem:s24+$0x4000] =	vst v1;
	v1 =	vsub.f32 v3, v7;
	v3 =	vnsel vm1, $0x3E, v6  }
0x275: {  	v3 =	vshll.u32 v3, $0x6  }
0x276: {  	[tilespmem:s24+$0x4080] =	vst v1;
	v1 =	vadd.s32 v3, v4  }
0x277: {  	s30 =	sshra.s32 s29, $0x2;
	s24 =	sand.u32 $0x7, s5;
	[tilespmem:s13+$0x4000] =	vst v2;
	v1 =	vadd.s32 v5, v1  }
0x278: {  	s13 =	sshll.u32 s24, $0x4;
	s24 =	sand.u32 $0x7C0, s10;
	[tilespmem:s30+$0x8000] =	vst v1;
	v2 =	vadd.s32 $0x40, v1;
	v3 =	vadd.s32 $0x1000, v1;
	v1 =	vadd.s32 $0x1040, v1  }
0x279: {  	s10 =	sadd.s32 s13, s29;
	[tilespmem:s24+$0x8800] =	vst v2  }
0x27a: {  	s13 =	sadd.s32 $0xFFFFFFE0, s1;
	s14 =	sadd.s32 $0x10, s10;
	[tilespmem:s24+$0x9800] =	vst v1  }
0x27b: {  	s13 =	sand.u32 $0x50, s13;
	s14 =	sor.u32 $0x100, s14;
	[tilespmem:s24+$0x9000] =	vst v3  }
0x27c: {  	s13 =	sor.u32 s6, s13;
	v1 =	vld [tilespmem:s14+$0x0]  }
0x27d: {  	v2 =	vld [tilespmem:s13+$0x0]  }
0x27e: {  	v3 =	vld [tilespmem:s13+$0x80];
	_ =	sdelay $0x2  }
0x27f: {  	v1 =	vadd.f32 $3.200000000e+01, v1  }
0x280: {  	v2 =	vadd.f32 $3.200000000e+01, v2  }
0x281: {  	v3 =	vadd.f32 $3.200000000e+01, v3;
	v4 =	vtrunc.f32 v1  }
0x282: {  	v5 =	vtrunc.f32 v2;
	v4 =	vcvt.f32.s32 v4  }
0x283: {  	v5 =	vcvt.f32.s32 v5;
	v6 =	vtrunc.f32 v3  }
0x284: {  	v6 =	vcvt.f32.s32 v6;
	v7 =	vcvt.s32.f32 v4;
	vm0 =	vlt.s32 v4, $0x3E  }
0x285: {  	v8 =	vcvt.s32.f32 v5;
	vm1 =	vlt.s32 v5, $0x3E;
	v4 =	vnsel vm0, $0x3E, v4  }
0x286: {  	v9 =	vcvt.s32.f32 v6;
	v5 =	vnsel vm1, $0x3E, v5;
	vm0 =	vlt.s32 v6, $0x3E  }
0x287: {  	v2 =	vsub.f32 v2, v8;
	v6 =	vnsel vm0, $0x3E, v6;
	v5 =	vshll.u32 v5, $0xC  }
0x288: {  	v3 =	vsub.f32 v3, v9;
	v6 =	vshll.u32 v6, $0x6;
	v5 =	vadd.s32 v0, v5  }
0x289: {  	v1 =	vsub.f32 v1, v7;
	[tilespmem:s13+$0x4000] =	vst v2;
	v2 =	vadd.s32 v6, v5  }
0x28a: {  	[tilespmem:s13+$0x4080] =	vst v3;
	v2 =	vadd.s32 v4, v2  }
0x28b: {  	[tilespmem:s14+$0x4000] =	vst v1;
	v1 =	vadd.s32 $0x40, v2;
	v3 =	vadd.s32 $0x1000, v2;
	v4 =	vadd.s32 $0x1040, v2  }
0x28c: {  	[tilespmem:s30+$0x8010] =	vst v2  }
0x28d: {  	s13 =	sand.u32 $0x3, s0;
	s14 =	sadd.s32 $0xFFFFFFF0, s1;
	[tilespmem:s30+$0x8810] =	vst v1  }
0x28e: {  	s13 =	sshll.u32 s13, $0x5;
	s14 =	sand.u32 $0x60, s14;
	[tilespmem:s30+$0x9810] =	vst v4  }
0x28f: {  	s13 =	sadd.s32 s29, s13;
	s14 =	sor.u32 s6, s14;
	[tilespmem:s30+$0x9010] =	vst v3  }
0x290: {  	s13 =	sadd.s32 $0x20, s13;
	v1 =	vld [tilespmem:s14+$0x0]  }
0x291: {  	s13 =	sor.u32 $0x100, s13;
	v2 =	vld [tilespmem:s14+$0x80]  }
0x292: {  	v3 =	vld [tilespmem:s13+$0x0];
	_ =	sdelay $0x2  }
0x293: {  	v1 =	vadd.f32 $3.200000000e+01, v1  }
0x294: {  	v2 =	vadd.f32 $3.200000000e+01, v2  }
0x295: {  	v3 =	vadd.f32 $3.200000000e+01, v3;
	v4 =	vtrunc.f32 v1  }
0x296: {  	v4 =	vcvt.f32.s32 v4;
	v5 =	vtrunc.f32 v2  }
0x297: {  	v5 =	vcvt.f32.s32 v5;
	v6 =	vtrunc.f32 v3  }
0x298: {  	v6 =	vcvt.f32.s32 v6;
	v7 =	vcvt.s32.f32 v4;
	vm0 =	vlt.s32 v4, $0x3E  }
0x299: {  	v8 =	vcvt.s32.f32 v5;
	v4 =	vnsel vm0, $0x3E, v4;
	vm0 =	vlt.s32 v5, $0x3E  }
0x29a: {  	v5 =	vnsel vm0, $0x3E, v5;
	vm0 =	vlt.s32 v6, $0x3E;
	v4 =	vshll.u32 v4, $0xC  }
0x29b: {  	v2 =	vsub.f32 v2, v8;
	v8 =	vcvt.s32.f32 v6;
	v4 =	vadd.s32 v0, v4  }
0x29c: {  	v1 =	vsub.f32 v1, v7;
	v6 =	vnsel vm0, $0x3E, v6;
	v5 =	vshll.u32 v5, $0x6  }
0x29d: {  	[tilespmem:s14+$0x4080] =	vst v2;
	v2 =	vsub.f32 v3, v8;
	v3 =	vadd.s32 v5, v4  }
0x29e: {  	[tilespmem:s14+$0x4000] =	vst v1;
	v1 =	vadd.s32 v6, v3  }
0x29f: {  	[tilespmem:s13+$0x4000] =	vst v2;
	v2 =	vadd.s32 $0x40, v1;
	v3 =	vadd.s32 $0x1000, v1;
	v4 =	vadd.s32 $0x1040, v1  }
0x2a0: {  	[tilespmem:s30+$0x8020] =	vst v1  }
0x2a1: {  	[tilespmem:s30+$0x8820] =	vst v2  }
0x2a2: {  	s13 =	sand.u32 $0x70, s1;
	[tilespmem:s30+$0x9020] =	vst v3  }
0x2a3: {  	s6 =	sor.u32 s6, s13;
	[tilespmem:s30+$0x9820] =	vst v4  }
.Ltmp6:
0x2a4: {  	s10 =	sadd.s32 $0x30, s10;
	v1 =	vld [tilespmem:s6+$0x0];
	(pc) =	sbr.rel @p2 .LBB2_13-.Ltmp6, $3  }
0x2a5: {  	s10 =	sor.u32 $0x100, s10;
	v2 =	vld [tilespmem:s6+$0x80]  }
0x2a6: {  	v3 =	vld [tilespmem:s10+$0x0];
	_ =	sdelay $0x1  }
0x2a7: {  	p1 =	por !p1, !p1;
	s0 =	sadd.s32 $0x2, s0;
	s1 =	sadd.s32 $0x40, s1  }
0x2a8: {  	_ = 	snop  }
0x2a9: {  	v1 =	vadd.f32 $3.200000000e+01, v1;
	v2 =	vadd.f32 $3.200000000e+01, v2;
	_ =	sdelay $0x1  }
0x2aa: {  	v3 =	vadd.f32 $3.200000000e+01, v3;
	v5 =	vtrunc.f32 v1;
	v4 =	vtrunc.f32 v2  }
0x2ab: {  	v5 =	vcvt.f32.s32 v5;
	v4 =	vcvt.f32.s32 v4  }
0x2ac: {  	v6 =	vtrunc.f32 v3  }
0x2ad: {  	v6 =	vcvt.f32.s32 v6;
	vm1 =	vlt.s32 v5, $0x3E;
	v7 =	vcvt.s32.f32 v4  }
0x2ae: {  	v8 =	vcvt.s32.f32 v5;
	vm0 =	vlt.s32 v4, $0x3E;
	v5 =	vnsel vm1, $0x3E, v5  }
0x2af: {  	v4 =	vnsel vm0, $0x3E, v4;
	v62 =	vcvt.s32.f32 v6;
	v2 =	vsub.f32 v2, v7  }
0x2b0: {  	v1 =	vsub.f32 v1, v8;
	vm15 =	vlt.s32 v6, $0x3E;
	v5 =	vshll.u32 v5, $0xC  }
0x2b1: {  	v63 =	vadd.s32 v0, v5;
	[tilespmem:s6+$0x4080] =	vst v2;
	v2 =	vsub.f32 v3, v62;
	v3 =	vshll.u32 v4, $0x6  }
0x2b2: {  	[tilespmem:s6+$0x4000] =	vst v1;
	v1 =	vnsel vm15, $0x3E, v6;
	v3 =	vadd.s32 v3, v63  }
0x2b3: {  	[tilespmem:s10+$0x4000] =	vst v2;
	v1 =	vadd.s32 v1, v3  }
0x2b4: {  	[tilespmem:s30+$0x8030] =	vst v1;
	v2 =	vadd.s32 $0x40, v1  }
0x2b5: {  	v3 =	vadd.s32 $0x1040, v1;
	[tilespmem:s30+$0x8830] =	vst v2  }
.Ltmp7:
0x2b6: {  	v1 =	vadd.s32 $0x1000, v1;
	[tilespmem:s30+$0x9830] =	vst v3;
	(pc) =	sbr.rel @p0 .LBB2_16-.Ltmp7, $4  }
0x2b7: {  	s0 =	simm.s32 $0x8000;
	s1 =	simm.s32 $0xC000;
	s31 =	sshll.u32 s26, $0xB;
	[tilespmem:s30+$0x9030] =	vst v1  }
0x2b8: {  	[tilespmem:s1], [sflag:$0x3] =	stream.indirect.gather [hbm4b:s3+s11], $0x1, s0, s11, $0xb8;
	[tilespmem:$0x11000] =	vst v63  }
0x2b9: {  	s0 =	sadd.s32 s31, s9  }
0x2ba: {  	[tilespmem:s11], [sflag:$0x2] =	stream.linear.gather [hbm4b:s0+s2], $0x2000, $0x38;
	[tilespmem:$0x11000] =	vst v63  }
.LBB2_15:
0x2bb: {  	_ =	swait.ge [sflag:s20], $0x800  }
0x2bc: {  	[sflag:s20] =	ssyncset.done $0x0  }
0x2bd: {  	[sflag:s20] =	ssyncadd.s32 $0xFFFFF800  }
.LBB2_16:
0x2be: {  	_ =	swait.ge [sflag:s21], $0x2000  }
0x2bf: {  	[sflag:s21] =	ssyncset.done $0x0  }
0x2c0: {  	s0 =	simm.s32 $0x0;
	s29 =	simm.s32 $0x0;
	[sflag:s21] =	ssyncadd.s32 $0xFFFFE000  }
0x2c1: {  	s1 =	sand.u32 $0x7C0, s0;
	v1 =	vld [tilespmem:s29+$0xE000]  }
0x2c2: {  	v2 =	vld [tilespmem:s1+$0xF800]  }
0x2c3: {  	s30 =	simm.s32 $0x0;
	v3 =	vld [tilespmem:s1+$0xE800]  }
0x2c4: {  	s5 =	sand.u32 $0x1E00, s30;
	v4 =	vld [tilespmem:s1+$0xF000]  }
0x2c5: {  	s6 =	sand.u32 $0x40, s0;
	s5 =	sor.u32 $0x6000, s5  }
0x2c6: {  	s10 =	sor.u32 s6, s5  }
0x2c7: {  	v5 =	vld [tilespmem:s10+$0x100];
	v6 =	vshll.u32 v1, $0x10  }
0x2c8: {  	v1 =	vand.u32 $0xFFFF0000, v1;
	v7 =	vand.u32 $0xFFFF0000, v2;
	v8 =	vshll.u32 v3, $0x10  }
0x2c9: {  	v3 =	vand.u32 $0xFFFF0000, v3;
	v2 =	vshll.u32 v2, $0x10;
	v9 =	vshll.u32 v4, $0x10  }
0x2ca: {  	v4 =	vand.u32 $0xFFFF0000, v4;
	v1 =	vsub.f32 v1, v6;
	v3 =	vsub.f32 v3, v8  }
0x2cb: {  	v4 =	vsub.f32 v4, v9;
	v7 =	vsub.f32 v7, v2  }
0x2cc: {  	v1 =	vmul.f32 v1, v5;
	v3 =	vmul.f32 v3, v5  }
0x2cd: {  	v4 =	vmul.f32 v4, v5;
	v5 =	vmul.f32 v7, v5  }
0x2ce: {  	v7 =	vld [tilespmem:s10+$0x80];
	v1 =	vadd.f32 v6, v1;
	v3 =	vadd.f32 v8, v3  }
0x2cf: {  	v4 =	vadd.f32 v9, v4;
	v2 =	vadd.f32 v2, v5;
	_ =	sdelay $0x1  }
0x2d0: {  	v3 =	vsub.f32 v3, v1;
	v2 =	vsub.f32 v2, v4;
	_ =	sdelay $0x1  }
0x2d1: {  	v3 =	vmul.f32 v3, v7;
	v2 =	vmul.f32 v2, v7  }
0x2d2: {  	v7 =	vld [tilespmem:s10+$0x0]  }
0x2d3: {  	v1 =	vadd.f32 v3, v1;
	v2 =	vadd.f32 v2, v4;
	_ =	sdelay $0x1  }
0x2d4: {  	v2 =	vsub.f32 v2, v1  }
0x2d5: {  	v59 =	vld [tilespmem:s29+$0xF810]  }
0x2d6: {  	v6 =	vld [tilespmem:s29+$0xE810];
	v2 =	vmul.f32 v2, v7  }
0x2d7: {  	v8 =	vld [tilespmem:s29+$0xF010]  }
0x2d8: {  	s13 =	simm.s32 $0x10;
	v5 =	vld [tilespmem:s29+$0xE010];
	v1 =	vadd.f32 v2, v1  }
0x2d9: {  	s1 =	sand.u32 $0x50, s13  }
0x2da: {  	s1 =	sor.u32 s1, s5;
	[tilespmem:s29+$0x10800] =	vst v1  }
0x2db: {  	v17 =	vand.u32 $0xFFFF0000, v59;
	v14 =	vld [tilespmem:s1+$0x100]  }
0x2dc: {  	v9 =	vshll.u32 v59, $0x10;
	v15 =	vand.u32 $0xFFFF0000, v6;
	v16 =	vand.u32 $0xFFFF0000, v8  }
0x2dd: {  	v6 =	vshll.u32 v6, $0x10;
	v1 =	vand.u32 $0xFFFF0000, v5;
	v5 =	vshll.u32 v5, $0x10  }
0x2de: {  	v8 =	vshll.u32 v8, $0x10;
	v15 =	vsub.f32 v15, v6;
	v1 =	vsub.f32 v1, v5  }
0x2df: {  	v17 =	vsub.f32 v17, v9;
	v16 =	vsub.f32 v16, v8  }
0x2e0: {  	v1 =	vmul.f32 v1, v14;
	v15 =	vmul.f32 v15, v14  }
0x2e1: {  	v16 =	vmul.f32 v16, v14;
	v14 =	vmul.f32 v17, v14  }
0x2e2: {  	v60 =	vld [tilespmem:s1+$0x80];
	v1 =	vadd.f32 v5, v1;
	v5 =	vadd.f32 v6, v15  }
0x2e3: {  	v6 =	vadd.f32 v8, v16;
	v8 =	vadd.f32 v9, v14;
	_ =	sdelay $0x1  }
0x2e4: {  	v5 =	vsub.f32 v5, v1;
	v8 =	vsub.f32 v8, v6;
	_ =	sdelay $0x1  }
0x2e5: {  	v5 =	vmul.f32 v5, v60;
	v8 =	vmul.f32 v8, v60  }
0x2e6: {  	v61 =	vld [tilespmem:s1+$0x0]  }
0x2e7: {  	v1 =	vadd.f32 v5, v1;
	v5 =	vadd.f32 v8, v6;
	_ =	sdelay $0x1  }
0x2e8: {  	v5 =	vsub.f32 v5, v1  }
0x2e9: {  	v11 =	vld [tilespmem:s29+$0xF820]  }
0x2ea: {  	v4 =	vld [tilespmem:s29+$0xF020];
	v5 =	vmul.f32 v5, v61  }
0x2eb: {  	v3 =	vld [tilespmem:s29+$0xE820]  }
0x2ec: {  	s14 =	simm.s32 $0x20;
	v10 =	vld [tilespmem:s29+$0xE020];
	v1 =	vadd.f32 v5, v1  }
0x2ed: {  	s1 =	sand.u32 $0x60, s14  }
0x2ee: {  	s1 =	sor.u32 s1, s5;
	[tilespmem:s29+$0x10810] =	vst v1  }
0x2ef: {  	v62 =	vand.u32 $0xFFFF0000, v4;
	v5 =	vld [tilespmem:s1+$0x100]  }
0x2f0: {  	v4 =	vshll.u32 v4, $0x10;
	v6 =	vand.u32 $0xFFFF0000, v3;
	v8 =	vand.u32 $0xFFFF0000, v11  }
0x2f1: {  	v3 =	vshll.u32 v3, $0x10;
	v1 =	vand.u32 $0xFFFF0000, v10;
	v10 =	vshll.u32 v10, $0x10  }
0x2f2: {  	v11 =	vshll.u32 v11, $0x10;
	v6 =	vsub.f32 v6, v3;
	v1 =	vsub.f32 v1, v10  }
0x2f3: {  	v9 =	vsub.f32 v62, v4;
	v8 =	vsub.f32 v8, v11  }
0x2f4: {  	v1 =	vmul.f32 v1, v5;
	v6 =	vmul.f32 v6, v5  }
0x2f5: {  	v9 =	vmul.f32 v9, v5;
	v5 =	vmul.f32 v8, v5  }
0x2f6: {  	v8 =	vld [tilespmem:s1+$0x80];
	v1 =	vadd.f32 v10, v1;
	v3 =	vadd.f32 v3, v6  }
0x2f7: {  	v4 =	vadd.f32 v4, v9;
	v5 =	vadd.f32 v11, v5;
	_ =	sdelay $0x1  }
0x2f8: {  	v3 =	vsub.f32 v3, v1;
	v5 =	vsub.f32 v5, v4;
	_ =	sdelay $0x1  }
0x2f9: {  	v3 =	vmul.f32 v3, v8;
	v5 =	vmul.f32 v5, v8  }
0x2fa: {  	v6 =	vld [tilespmem:s1+$0x0]  }
0x2fb: {  	v1 =	vadd.f32 v3, v1;
	v3 =	vadd.f32 v5, v4;
	_ =	sdelay $0x1  }
0x2fc: {  	v3 =	vsub.f32 v3, v1  }
0x2fd: {  	v12 =	vld [tilespmem:s29+$0xE030]  }
0x2fe: {  	v13 =	vld [tilespmem:s29+$0xF030];
	v3 =	vmul.f32 v3, v6  }
0x2ff: {  	v2 =	vld [tilespmem:s29+$0xF830]  }
0x300: {  	s31 =	simm.s32 $0x30;
	v7 =	vld [tilespmem:s29+$0xE830];
	v1 =	vadd.f32 v3, v1  }
0x301: {  	s24 =	sand.u32 $0x70, s31  }
0x302: {  	s1 =	sor.u32 s24, s5;
	[tilespmem:s29+$0x10820] =	vst v1  }
0x303: {  	v63 =	vshll.u32 v12, $0x10;
	v3 =	vld [tilespmem:s1+$0x100]  }
0x304: {  	v8 =	vand.u32 $0xFFFF0000, v2;
	v2 =	vshll.u32 v2, $0x10;
	v4 =	vand.u32 $0xFFFF0000, v13  }
0x305: {  	v5 =	vand.u32 $0xFFFF0000, v7;
	v7 =	vshll.u32 v7, $0x10;
	v1 =	vand.u32 $0xFFFF0000, v12  }
0x306: {  	v5 =	vsub.f32 v5, v7;
	v6 =	vshll.u32 v13, $0x10;
	v1 =	vsub.f32 v1, v63  }
0x307: {  	v8 =	vsub.f32 v8, v2;
	v4 =	vsub.f32 v4, v6  }
0x308: {  	v1 =	vmul.f32 v1, v3;
	v5 =	vmul.f32 v5, v3  }
0x309: {  	v4 =	vmul.f32 v4, v3;
	v3 =	vmul.f32 v8, v3  }
0x30a: {  	v8 =	vld [tilespmem:s1+$0x80];
	v1 =	vadd.f32 v63, v1;
	v5 =	vadd.f32 v7, v5  }
0x30b: {  	v4 =	vadd.f32 v6, v4;
	v2 =	vadd.f32 v2, v3;
	_ =	sdelay $0x1  }
0x30c: {  	v3 =	vsub.f32 v5, v1;
	v2 =	vsub.f32 v2, v4;
	_ =	sdelay $0x1  }
0x30d: {  	v3 =	vmul.f32 v3, v8;
	v2 =	vmul.f32 v2, v8  }
0x30e: {  	v7 =	vld [tilespmem:s1+$0x0]  }
0x30f: {  	s0 =	simm.s32 $0x0;
	v1 =	vadd.f32 v3, v1;
	v2 =	vadd.f32 v2, v4  }
.LBB2_17:
0x310: {  	_ = 	snop  }
0x311: {  	s0 =	sadd.s32 $0x4, s0;
	s30 =	sadd.s32 $0x100, s30;
	s31 =	sadd.s32 $0x40, s31;
	v2 =	vsub.f32 v2, v1  }
0x312: {  	p0 =	slt.u32 s0, $0x7C  }
0x313: {  	v2 =	vmul.f32 v2, v7;
	_ =	sdelay $0x1  }
0x314: {  	s1 =	sadd.s32 $0xFFFFFFD0, s31;
	v1 =	vadd.f32 v2, v1  }
0x315: {  	s6 =	sshra.s32 s30, $0x2;
	s5 =	sand.u32 $0x40, s1;
	s10 =	sand.u32 $0x7C0, s1  }
0x316: {  	s1 =	sand.u32 $0x1E00, s30;
	v2 =	vld [tilespmem:s6+$0xE000];
	[tilespmem:s29+$0x10830] =	vst v1;
	s29 =	smov.u32 s6  }
0x317: {  	s1 =	sor.u32 $0x6000, s1;
	v1 =	vld [tilespmem:s10+$0xF800]  }
0x318: {  	s5 =	sor.u32 s5, s1;
	v3 =	vld [tilespmem:s10+$0xE800]  }
0x319: {  	v4 =	vld [tilespmem:s10+$0xF000]  }
0x31a: {  	v7 =	vld [tilespmem:s29+$0xE010]  }
0x31b: {  	v5 =	vld [tilespmem:s5+$0x100];
	v6 =	vshll.u32 v2, $0x10;
	v2 =	vand.u32 $0xFFFF0000, v2  }
0x31c: {  	v2 =	vsub.f32 v2, v6;
	v8 =	vand.u32 $0xFFFF0000, v1;
	v9 =	vld [tilespmem:s29+$0xE810]  }
0x31d: {  	v1 =	vshll.u32 v1, $0x10;
	v10 =	vshll.u32 v3, $0x10;
	v3 =	vand.u32 $0xFFFF0000, v3;
	v11 =	vld [tilespmem:s29+$0xF010]  }
0x31e: {  	v3 =	vsub.f32 v3, v10;
	v12 =	vshll.u32 v4, $0x10;
	v4 =	vand.u32 $0xFFFF0000, v4;
	v13 =	vld [tilespmem:s29+$0xF810]  }
0x31f: {  	v8 =	vsub.f32 v8, v1;
	v4 =	vsub.f32 v4, v12;
	v14 =	vand.u32 $0xFFFF0000, v7;
	v15 =	vld [tilespmem:s29+$0xE020]  }
0x320: {  	v2 =	vmul.f32 v2, v5;
	v3 =	vmul.f32 v3, v5;
	v16 =	vld [tilespmem:s29+$0xE820]  }
0x321: {  	v17 =	vld [tilespmem:s5+$0x80];
	v4 =	vmul.f32 v4, v5;
	v5 =	vmul.f32 v8, v5;
	v8 =	vand.u32 $0xFFFF0000, v9  }
0x322: {  	v6 =	vadd.f32 v6, v2;
	v2 =	vadd.f32 v10, v3;
	v10 =	vand.u32 $0xFFFF0000, v11;
	v18 =	vld [tilespmem:s29+$0xF020]  }
0x323: {  	v12 =	vadd.f32 v12, v4;
	v3 =	vadd.f32 v1, v5;
	v19 =	vand.u32 $0xFFFF0000, v13;
	v20 =	vld [tilespmem:s29+$0xF820]  }
0x324: {  	v4 =	vsub.f32 v2, v6;
	v21 =	vand.u32 $0xFFFF0000, v15;
	v1 =	vld [tilespmem:s29+$0xE030]  }
0x325: {  	v3 =	vsub.f32 v3, v12;
	v22 =	vand.u32 $0xFFFF0000, v16;
	v2 =	vld [tilespmem:s29+$0xE830]  }
0x326: {  	v5 =	vmul.f32 v4, v17;
	v4 =	vld [tilespmem:s29+$0xF030]  }
0x327: {  	v17 =	vmul.f32 v3, v17;
	v3 =	vld [tilespmem:s29+$0xF830]  }
0x328: {  	v23 =	vld [tilespmem:s5+$0x0];
	v24 =	vand.u32 $0xFFFF0000, v20  }
0x329: {  	v25 =	vadd.f32 v5, v6;
	v6 =	vadd.f32 v17, v12;
	v5 =	vand.u32 $0xFFFF0000, v1;
	_ =	sdelay $0x1  }
0x32a: {  	v12 =	vsub.f32 v6, v25;
	v6 =	vand.u32 $0xFFFF0000, v4;
	_ =	sdelay $0x1  }
0x32b: {  	v12 =	vmul.f32 v12, v23;
	_ =	sdelay $0x1  }
0x32c: {  	s5 =	sadd.s32 $0xFFFFFFE0, s31;
	v12 =	vadd.f32 v12, v25  }
0x32d: {  	s5 =	sand.u32 $0x50, s5  }
0x32e: {  	s5 =	sor.u32 s5, s1;
	[tilespmem:s29+$0x10800] =	vst v12  }
0x32f: {  	v12 =	vld [tilespmem:s5+$0x100];
	_ =	sdelay $0x1  }
0x330: {  	v7 =	vshll.u32 v7, $0x10;
	v9 =	vshll.u32 v9, $0x10;
	v13 =	vshll.u32 v13, $0x10  }
0x331: {  	v14 =	vsub.f32 v14, v7;
	v8 =	vsub.f32 v8, v9;
	v11 =	vshll.u32 v11, $0x10  }
0x332: {  	v10 =	vsub.f32 v10, v11;
	v17 =	vsub.f32 v19, v13  }
0x333: {  	v14 =	vmul.f32 v14, v12;
	v8 =	vmul.f32 v8, v12  }
0x334: {  	v10 =	vmul.f32 v10, v12;
	v12 =	vmul.f32 v17, v12;
	v19 =	vld [tilespmem:s5+$0x80]  }
0x335: {  	v7 =	vadd.f32 v7, v14;
	v8 =	vadd.f32 v9, v8  }
0x336: {  	v9 =	vadd.f32 v11, v10;
	v10 =	vadd.f32 v13, v12  }
0x337: {  	v8 =	vsub.f32 v8, v7  }
0x338: {  	v10 =	vsub.f32 v10, v9  }
0x339: {  	v8 =	vmul.f32 v8, v19  }
0x33a: {  	v10 =	vmul.f32 v10, v19  }
0x33b: {  	v11 =	vld [tilespmem:s5+$0x0]  }
0x33c: {  	v7 =	vadd.f32 v8, v7;
	v8 =	vadd.f32 v10, v9;
	_ =	sdelay $0x1  }
0x33d: {  	v8 =	vsub.f32 v8, v7;
	_ =	sdelay $0x1  }
0x33e: {  	v8 =	vmul.f32 v8, v11;
	_ =	sdelay $0x1  }
0x33f: {  	s5 =	sadd.s32 $0xFFFFFFF0, s31;
	v7 =	vadd.f32 v8, v7  }
0x340: {  	s5 =	sand.u32 $0x60, s5  }
0x341: {  	s5 =	sor.u32 s5, s1;
	[tilespmem:s29+$0x10810] =	vst v7  }
0x342: {  	v7 =	vld [tilespmem:s5+$0x100]  }
0x343: {  	v8 =	vand.u32 $0xFFFF0000, v18  }
0x344: {  	v9 =	vshll.u32 v15, $0x10;
	v10 =	vshll.u32 v16, $0x10;
	v11 =	vshll.u32 v18, $0x10  }
0x345: {  	v14 =	vshll.u32 v20, $0x10;
	v12 =	vsub.f32 v21, v9;
	v13 =	vsub.f32 v22, v10  }
0x346: {  	v15 =	vsub.f32 v24, v14;
	v8 =	vsub.f32 v8, v11  }
0x347: {  	v12 =	vmul.f32 v12, v7;
	v13 =	vmul.f32 v13, v7  }
0x348: {  	v8 =	vmul.f32 v8, v7;
	v7 =	vmul.f32 v15, v7;
	v16 =	vld [tilespmem:s5+$0x80]  }
0x349: {  	v9 =	vadd.f32 v9, v12;
	v10 =	vadd.f32 v10, v13  }
0x34a: {  	v8 =	vadd.f32 v11, v8;
	v7 =	vadd.f32 v14, v7  }
0x34b: {  	v10 =	vsub.f32 v10, v9  }
0x34c: {  	v7 =	vsub.f32 v7, v8  }
0x34d: {  	v10 =	vmul.f32 v10, v16  }
0x34e: {  	v7 =	vmul.f32 v7, v16  }
0x34f: {  	v11 =	vld [tilespmem:s5+$0x0]  }
0x350: {  	v9 =	vadd.f32 v10, v9;
	v7 =	vadd.f32 v7, v8;
	_ =	sdelay $0x1  }
0x351: {  	v7 =	vsub.f32 v7, v9;
	_ =	sdelay $0x1  }
0x352: {  	v7 =	vmul.f32 v7, v11;
	_ =	sdelay $0x1  }
0x353: {  	v7 =	vadd.f32 v7, v9  }
0x354: {  	s5 =	sand.u32 $0x70, s31  }
0x355: {  	s1 =	sor.u32 s5, s1;
	[tilespmem:s29+$0x10820] =	vst v7  }
0x356: {  	v8 =	vld [tilespmem:s1+$0x100]  }
0x357: {  	v4 =	vshll.u32 v4, $0x10;
	v10 =	vand.u32 $0xFFFF0000, v3;
	v9 =	vand.u32 $0xFFFF0000, v2;
	v7 =	vld [tilespmem:s1+$0x0]  }
0x358: {  	v1 =	vshll.u32 v1, $0x10;
	v6 =	vsub.f32 v6, v4;
	v2 =	vshll.u32 v2, $0x10  }
0x359: {  	v5 =	vsub.f32 v5, v1;
	v3 =	vshll.u32 v3, $0x10;
	v9 =	vsub.f32 v9, v2  }
0x35a: {  	v10 =	vsub.f32 v10, v3  }
0x35b: {  	v5 =	vmul.f32 v5, v8;
	v9 =	vmul.f32 v9, v8  }
0x35c: {  	v6 =	vmul.f32 v6, v8;
	v8 =	vmul.f32 v10, v8;
	v11 =	vld [tilespmem:s1+$0x80]  }
0x35d: {  	v1 =	vadd.f32 v1, v5;
	v2 =	vadd.f32 v2, v9  }
0x35e: {  	v4 =	vadd.f32 v4, v6;
	v3 =	vadd.f32 v3, v8  }
0x35f: {  	v2 =	vsub.f32 v2, v1  }
.Ltmp8:
0x360: {  	v3 =	vsub.f32 v3, v4;
	(pc) =	sbr.rel @p0 .LBB2_17-.Ltmp8, $3  }
0x361: {  	v2 =	vmul.f32 v2, v11  }
0x362: {  	v3 =	vmul.f32 v3, v11;
	_ =	sdelay $0x1  }
0x363: {  	v1 =	vadd.f32 v2, v1;
	v2 =	vadd.f32 v3, v4  }
0x364: {  	_ = 	snop  }
0x365: {  	v2 =	vsub.f32 v2, v1  }
0x366: {  	s26 =	sadd.s32 $0x1, s26  }
0x367: {  	p0 =	sne.s32 s26, $0x10;
	v2 =	vmul.f32 v2, v7  }
.Ltmp9:
0x368: {  	_ = 	snop;
	(pc) =	sbr.rel @p0 .LBB2_4-.Ltmp9, $4  }
0x369: {  	v1 =	vadd.f32 v2, v1  }
0x36a: {  	s0 =	sadd.s32 s28, s4  }
0x36b: {  	s0 =	sadd.s32 $0x100, s0;
	[tilespmem:s29+$0x10830] =	vst v1  }
0x36c: {  	[hbm4b:s0+s2] =	stream.linear.scatter [tilespmem:s22], [sflag:$0x6], $0x800, $0x38;
	[tilespmem:$0x11000] =	vst v63  }
0x36d: {  	_ =	swait.ge [sflag:s23], $0x800  }
0x36e: {  	[sflag:s23] =	ssyncset.done $0x0  }
0x36f: {  	[sflag:s23] =	ssyncadd.s32 $0xFFFFF800  }
0x370: {  	_ =	swait.ge [sflag:s20], $0x800  }
0x371: {  	s1 =	rddreg [dreg:$0x5]  }
0x372: {  	s0 =	rddreg [dreg:$0x4];
	s1 =	sadd.s32 $0x1, s1  }
0x373: {  	p0 =	sne.s32 s1, s0  }
.Ltmp10:
0x374: {  	_ = 	snop;
	(pc) =	sbr.rel @p0 .LBB2_1-.Ltmp10, $3  }
0x375: {  	_ =	sdelay $0x1  }
0x376: {  	[sflag:s20] =	ssyncset.done $0x0  }
0x377: {  	[sflag:s20] =	ssyncadd.s32 $0xFFFFF800  }
0x378: {  	_ =	sfence.sel $0x180000  }
0x379: {  	[bflag:$0x0] =	sbarrier.arrive $0xFFFF  }
0x37a: {  	_ =	strace $0x9000004A  }
0x37b: {  	s0 =	stileid.u32;
	[bflag:$0x2] =	sbarrier.arrive $0xFFFF  }
0x37c: {  	p0 =	sne.s32 s0, $0x0;
	s0 =	rddreg [dreg:$0x1]  }
0x37d: {  	s0 =	sadd.s32 @!p0 $0x100000, s0  }
0x37e: {  	[sflag:s0] =	ssyncadd.tile.s32 @!p0 $0x1;
	_ =	shalt  }
.Lfunc_end2:
_tile_overlayer_lowered:
.L_overlay_start_2:
0x37f: {  	(tag) =	ssettag $0x2  }
0x380: {  	s0 =	rddreg [dreg:$0x0];
	s2 =	stileid.u32  }
0x381: {  	s1 =	rddreg [dreg:$0x1];
	p0 =	sne.s32 s2, $0x0  }
0x382: {  	s3 =	rddreg [dreg:$0x2];
	[bflag:$0x3] =	sbarrier.arrive $0xFFFF;
	s2 =	simm.s32 @!p0 $0x1C07  }
0x383: {  	[timem:s3], [sflag:s2] =	dma.local @!p0 [hbm:s0], s1  }
0x384: {  	s0 =	simm.s32 @!p0 $0x7  }
0x385: {  	_ =	swait.ge @!p0 [sflag:s0], s1  }
0x386: {  	s1 =	ssub.s32 @!p0 $0x0, s1;
	[sflag:s0] =	ssyncset.done @!p0 $0x0  }
0x387: {  	[sflag:s0] =	ssyncadd.s32 @!p0 s1  }
0x388: {  	[bflag:$0x3] =	sbarrier.arrive $0xFFFF  }
0x389: {  	_ =	shalt  }

// kernel: sparse-core-data-format-call.cloned.1.call-start
scs
called_computation_lowered:
.L_overlay_start_0:
0x0: {  	s2 =	sld [smem:$0x3FD9]  }
0x1: {  	s3 =	sld [smem:$0x3FFE];
	_ =	sdelay $0x1  }
0x2: {  	s1 =	srdreg.scid  }
0x3: {  	s0 =	sand.u32 $0x1, s1  }
0x4: {  	s18 =	sshll.u32 s0, $0xA;
	s2 =	sadd.s32 s3, s2  }
0x5: {  	s2 =	sadd.s32 s2, s18  }
0x6: {  	[smem:$0x3FC6] =	sst s2  }
0x7: {  	_ = 	snop  }
0x8: {  	s2 =	sld [smem:$0x3FC9];
	(tm) =	ssettm $0x1  }
0x9: {  	s19 =	sld [smem:$0x3FFB];
	_ =	sdelay $0x3  }
0xa: {  	_ =	strace s19  }
0xb: {  	s3 =	sld [smem:$0x3FFC];
	_ =	sdelay $0x3  }
0xc: {  	_ =	strace s3  }
0xd: {  	s3 =	sld [smem:$0x3FFD];
	_ =	sdelay $0x3  }
0xe: {  	_ =	strace s3  }
0xf: {  	_ =	strace $0x8FFFFFFF  }
0x10: {  	s20 =	sld [smem:$0x3FDB];
	_ =	sdelay $0x1  }
0x11: {  	s4 =	simm.s32 $_scs_section_size  }
0x12: {  	s5 =	simm.s32 $_size__tile_overlayer_lowered;
	s6 =	simm.s32 $_tile_overlayer_lowered  }
0x13: {  	s23 =	simm.s32 $0x1BFF;
	s22 =	sshll.u32 s6, $0x1;
	s3 =	sadd.s32 s4, s20  }
0x14: {  	s7 =	simm.s32 $0x0;
	s21 =	sshll.u32 s5, $0x1;
	s5 =	sadd.s32 s22, s3  }
0x15: {  	[timem:s7], [sflag:s23] =	dma.local [hbm:s5], s21  }
0x16: {  	_ =	swait.ge [sflag:s23], s21  }
0x17: {  	s4 =	ssub.s32 $0x0, s21;
	[sflag:s23] =	ssyncset.done $0x0  }
0x18: {  	[sflag:s23] =	ssyncadd.s32 s4;
	_ =	sdelay $0x1  }
0x19: {  	s24 =	simm.s32 $0x1B8B  }
0x1a: {  	_ =	swait.ge [sflag:s24], $0x1  }
0x1b: {  	[sflag:s24] =	ssyncset.done $0x0  }
0x1c: {  	s26 =	simm.s32 $0x1B8E;
	s25 =	sld [smem:$0x3FFE];
	[sflag:s24] =	ssyncadd.s32 $0xFFFFFFFF  }
0x1d: {  	s27 =	simm.s32 $execute0_lowered;
	[smem:$0x3FD2] =	sst s26  }
0x1e: {  	s5 =	sshll.u32 s27, $0x1;
	_ =	strace $0x80000046;
	[dreg:$0x1] =	wrdreg $0xFFFFFFFF  }
0x1f: {  	s28 =	simm.s32 $_size_execute0_lowered;
	s3 =	sadd.s32 s3, s5;
	[dreg:$0x0] =	wrdreg $0x0  }
0x20: {  	s5 =	sshll.u32 s28, $0x1;
	[dreg:$0x2] =	wrdreg s3  }
0x21: {  	[dreg:$0x3] =	wrdreg s5  }
0x22: {  	[dreg:$0x4] =	wrdreg $0xC0  }
0x23: {  	_ =	task [dreg:s7], $0x5FFFF  }
0x24: {  	[dreg:$0x1] =	wrdreg $0xFFFFFFFF  }
0x25: {  	[dreg:$0x0] =	wrdreg $0x60  }
0x26: {  	[dreg:$0x2] =	wrdreg s2  }
0x27: {  	[dreg:$0x3] =	wrdreg s25  }
0x28: {  	[dreg:$0x4] =	wrdreg $0x9  }
0x29: {  	_ =	task.clear_ibuf [dreg:s7], $0x5FFFF;
	_ =	strace $0x90000046  }
0x2a: {  	s29 =	simm.s32 $0x9;
	_ =	strace $0x80000048  }
0x2b: {  	_ =	swait.ge [sflag:s29], $0x1  }
0x2c: {  	[sflag:s29] =	ssyncadd.s32 $0xFFFFFFFF  }
0x2d: {  	_ =	strace $0x90000048  }
0x2e: {  	_ =	sfence  }
0x2f: {  	s30 =	sld [smem:$0x0];
	_ =	sdelay $0x2  }
0x30: {  	s31 =	sshll.u32 s1, $0xD;
	s1 =	sshrl.u32 s1, $0x2  }
0x31: {  	s3 =	sand.u32 $0x4000, s31;
	s1 =	sadd.s32 s1, s30  }
0x32: {  	s0 =	sor.u32 s3, s0;
	s1 =	sshll.u32 s1, $0x11  }
0x33: {  	s0 =	sor.u32 s1, s0  }
0x34: {  	s0 =	sadd.s32 $0x8F2B, s0  }
0x35: {  	[sflag:s0] =	ssyncadd.remote.s32 $0x1  }
0x36: {  	_ =	sfence.sel $0xFFFF  }
0x37: {  	[dreg:$0x0] =	wrdreg $0xFFFFFFFF;
	(pc) =	sbr.abs _section_cstart, $3  }
0x38: {  	[dreg:$0x1] =	wrdreg $0xFFFFFFFF  }
0x39: {  	_ =	task.clear_ibuf [dreg:s7], $0x2FFFF;
	_ =	strace $0x9FFFFFFF  }
0x3a: {  	(tm) =	ssettm $0x7FFFFFFF  }
0x3b: {  	_ =	shalt  }
tec
execute0_lowered:
.L_overlay_start_1:
0x0: {  	(tag) =	ssettag $0x1  }
0x1: {  	s0 =	stileid.u32  }
0x2: {  	s1 =	srdreg.scid;
	s2 =	rddreg [dreg:$0x0]  }
0x3: {  	s4 =	rddreg [dreg:$0x1];
	s7 =	simm.s32 $0x1;
	s8 =	simm.s32 $0x2  }
0x4: {  	s15 =	simm.s32 $0x0;
	s3 =	sshll.u32 s0, $0x2;
	s1 =	sshll.u32 s1, $0x6  }
0x5: {  	s9 =	simm.s32 $0x800;
	s10 =	simm.s32 $0x40000;
	s1 =	sor.u32 s3, s1  }
0x6: {  	s11 =	simm.s32 $0x0;
	s16 =	simm.s32 $0x0;
	s3 =	sand.u32 $0x70, s1  }
0x7: {  	s14 =	simm.s32 $0x0;
	s4 =	sadd.s32 $0xA00, s4;
	s6 =	ssub.s32 $0x800, s3  }
.Ltmp0:
0x8: {  	s1 =	rddreg [dreg:$0x2];
	s5 =	sand.u32 $0x70, s6;
	(pc) =	sbr.rel .LBB1_1-.Ltmp0, $4  }
0x9: {  	_ =	strace $0x80000047;
	s12 =	smov.u32 s3;
	p0 =	sne.s32 s5, $0x0  }
0xa: {  	s6 =	sshrl.u32 s6, $0x7;
	s5 =	simm.s32 $0x1;
	s7 =	simm.s32 @!p0 $0x0  }
0xb: {  	[sflag:s5] =	ssyncpa.u1 $0x0;
	s6 =	sadd.s32 s7, s6;
	s7 =	sand.u32 $0x3, s0  }
0xc: {  	[sflag:s8] =	ssyncpa.u1 $0x0;
	s8 =	sadd.s32 $0x1, s6;
	s13 =	smov.u32 s7  }
.LBB1_7:
0xd: {  	s17 =	sadd.s32 $0x80, s12  }
0xe: {  	s15 =	sadd.s32 $0x4, s13;
	s19 =	smov.u32 s13;
	p1 =	sgt.s32 s17, $0x7FF  }
0xf: {  	s19 =	smov.u32 @p1 s15  }
0x10: {  	s17 =	smov.u32 @p1 s3;
	p1 =	sgt.s32 s19, $0x3  }
0x11: {  	s19 =	smov.u32 @p1 s7;
	p1 =	sne.s32 s14, s8  }
.Ltmp1:
0x12: {  	p0 =	slt.u32 s14, $0x2;
	(pc) =	sbr.rel @!p1 .LBB1_8-.Ltmp1, $4  }
0x13: {  	s18 =	simm.s32 @!p0 $0x2  }
0x14: {  	s16 =	smov.u32 s13;
	s11 =	sadd.s32 $0x4000, s11;
	_ =	swait.ge @!p0 [sflag:s18], $0x4000  }
0x15: {  	s15 =	smov.u32 s12;
	[sflag:s18] =	ssyncset.done @!p0 $0x0;
	s12 =	smov.u32 s17  }
0x16: {  	s14 =	sadd.s32 $0x1, s14;
	[sflag:s18] =	ssyncadd.s32 @!p0 $0xFFFFC000;
	s13 =	smov.u32 s19  }
.LBB1_1:
0x17: {  	p0 =	sge.u32 s14, s6  }
0x18: {  	s31 =	sadd.s32 $0xFFFFFFFF, s14;
	s17 =	sxor.u32 @!p0 $0xFFFFFFFF, s14;
	s18 =	sshll.u32 @!p0 s13, $0x12  }
0x19: {  	s19 =	sshll.u32 @!p0 s12, $0x7;
	s17 =	sshll.u32 @!p0 s17, $0xE;
	s18 =	sadd.s32 @!p0 s2, s18  }
0x1a: {  	s17 =	sand.u32 @!p0 $0x4000, s17;
	s18 =	sadd.s32 @!p0 s19, s18;
	s19 =	simm.s32 @!p0 $0x0  }
0x1b: {  	[tilespmem:s17], [sflag:$0x1] =	stream.linear.gather @!p0 [hbm4b:s18+s19], $0x4000, $0x38;
	[tilespmem:$0x10000] =	vst v63  }
0x1c: {  	p0 =	sge.u32 s31, s6  }
.Ltmp2:
0x1d: {  	_ = 	snop;
	(pc) =	sbr.rel @p0 .LBB1_7-.Ltmp2, $1  }
0x1e: {  	_ =	sdelay $0x3  }
0x1f: {  	s18 =	sand.u32 $0x4000, s11  }
0x20: {  	_ =	swait.ge [sflag:s5], $0x4000;
	s20 =	sshll.u32 s14, $0xE;
	s17 =	sor.u32 $0x8040, s18  }
0x21: {  	s19 =	sor.u32 $0x40, s18;
	[sflag:s5] =	ssyncset.done $0x0;
	s31 =	sand.u32 $0x4000, s20  }
0x22: {  	s20 =	simm.s32 $0x0;
	[sflag:s5] =	ssyncadd.s32 $0xFFFFC000;
	s18 =	sor.u32 $0x8000, s31  }
.LBB1_3:
0x23: {  	v0 =	vmov s19;
	_ =	sdelay $0x3  }
0x24: {  	s22 =	simm.s32 $0x0  }
0x25: {  	v6 =	vld.idx.msk [tilespmem:v0+s22+$0x30 ss:$0x1], $0xffff  }
0x26: {  	v7 =	vld.idx.msk [tilespmem:v0+s22+$0xFFFFFFC0 ss:$0x1], $0xffff  }
0x27: {  	v5 =	vld.idx.msk [tilespmem:v0+s22+$0xFFFFFFD0 ss:$0x1], $0xffff  }
0x28: {  	v4 =	vld.idx.msk [tilespmem:v0+s22+$0xFFFFFFE0 ss:$0x1], $0xffff  }
0x29: {  	v3 =	vld.idx.msk [tilespmem:v0+s22+$0xFFFFFFF0 ss:$0x1], $0xffff  }
0x2a: {  	v1 =	vld.idx.msk [tilespmem:v0+s22+$0x0 ss:$0x1], $0xffff  }
0x2b: {  	v2 =	vld.idx.msk [tilespmem:v0+s22+$0x10 ss:$0x1], $0xffff;
	[tilespmem:s17+$0x30] =	vst v6  }
0x2c: {  	s21 =	simm.s32 $0x80;
	s23 =	simm.s32 $0x400;
	[tilespmem:s17+$0xFFFFFFC0] =	vst v7;
	v6 =	vld.idx.msk [tilespmem:v0+s22+$0x20 ss:$0x1], $0xffff;
	s22 =	smov.u32 s17  }
.LBB1_4:
0x2d: {  	p0 =	sne.s32 s23, $0xE00;
	v7 =	vld.idx.msk [tilespmem:v0+s21+$0x30 ss:$0x1], $0xffff;
	[tilespmem:s22+$0xFFFFFFD0] =	vst v5  }
0x2e: {  	v8 =	vld.idx.msk [tilespmem:v0+s21+$0xFFFFFFC0 ss:$0x1], $0xffff;
	[tilespmem:s22+$0xFFFFFFE0] =	vst v4  }
0x2f: {  	v5 =	vld.idx.msk [tilespmem:v0+s21+$0xFFFFFFD0 ss:$0x1], $0xffff;
	[tilespmem:s22+$0xFFFFFFF0] =	vst v3  }
.Ltmp3:
0x30: {  	v4 =	vld.idx.msk [tilespmem:v0+s21+$0xFFFFFFE0 ss:$0x1], $0xffff;
	[tilespmem:s22+$0x0] =	vst v1;
	(pc) =	sbr.rel @p0 .LBB1_4-.Ltmp3, $4  }
0x31: {  	v3 =	vld.idx.msk [tilespmem:v0+s21+$0xFFFFFFF0 ss:$0x1], $0xffff;
	[tilespmem:s22+$0x10] =	vst v2  }
0x32: {  	v1 =	vld.idx.msk [tilespmem:v0+s21+$0x0 ss:$0x1], $0xffff;
	[tilespmem:s22+$0x20] =	vst v6;
	s22 =	sadd.s32 $0x800, s22  }
0x33: {  	v2 =	vld.idx.msk [tilespmem:v0+s21+$0x10 ss:$0x1], $0xffff;
	[tilespmem:s22+$0x30] =	vst v7  }
0x34: {  	[tilespmem:s22+$0xFFFFFFC0] =	vst v8;
	v6 =	vld.idx.msk [tilespmem:v0+s21+$0x20 ss:$0x1], $0xffff;
	s21 =	sshra.s32 s23, $0x2;
	s23 =	sadd.s32 $0x200, s23  }
0x35: {  	_ =	sdelay $0x2  }
0x36: {  	[tilespmem:s22+$0xFFFFFFD0] =	vst v5  }
0x37: {  	v56 =	vld.idx.msk [tilespmem:v0+s21+$0x30 ss:$0x1], $0xffff;
	[tilespmem:s22+$0xFFFFFFE0] =	vst v4  }
0x38: {  	v57 =	vld.idx.msk [tilespmem:v0+s21+$0xFFFFFFC0 ss:$0x1], $0xffff;
	[tilespmem:s22+$0xFFFFFFF0] =	vst v3  }
0x39: {  	v58 =	vld.idx.msk [tilespmem:v0+s21+$0xFFFFFFD0 ss:$0x1], $0xffff;
	[tilespmem:s22+$0x0] =	vst v1  }
0x3a: {  	v59 =	vld.idx.msk [tilespmem:v0+s21+$0xFFFFFFE0 ss:$0x1], $0xffff;
	[tilespmem:s22+$0x10] =	vst v2  }
0x3b: {  	v60 =	vld.idx.msk [tilespmem:v0+s21+$0xFFFFFFF0 ss:$0x1], $0xffff;
	s31 =	sadd.s32 $0x800, s22;
	[tilespmem:s22+$0x20] =	vst v6  }
0x3c: {  	v61 =	vld.idx.msk [tilespmem:v0+s21+$0x0 ss:$0x1], $0xffff;
	[tilespmem:s31+$0x30] =	vst v56  }
0x3d: {  	v62 =	vld.idx.msk [tilespmem:v0+s21+$0x10 ss:$0x1], $0xffff;
	s20 =	sadd.s32 $0x1, s20;
	[tilespmem:s31+$0xFFFFFFC0] =	vst v57  }
0x3e: {  	v63 =	vld.idx.msk [tilespmem:v0+s21+$0x20 ss:$0x1], $0xffff;
	p0 =	sne.s32 s20, $0x10;
	[tilespmem:s31+$0xFFFFFFD0] =	vst v58  }
.Ltmp4:
0x3f: {  	[tilespmem:s31+$0xFFFFFFE0] =	vst v59;
	(pc) =	sbr.rel @p0 .LBB1_3-.Ltmp4, $4  }
0x40: {  	[tilespmem:s31+$0xFFFFFFF0] =	vst v60  }
0x41: {  	[tilespmem:s31+$0x0] =	vst v61  }
0x42: {  	[tilespmem:s31+$0x10] =	vst v62  }
0x43: {  	s17 =	sadd.s32 $0x80, s17;
	s19 =	sadd.s32 $0x400, s19;
	[tilespmem:s31+$0x20] =	vst v63  }
.Ltmp5:
0x44: {  	(pc) =	sbr.rel .LBB1_7-.Ltmp5, $4  }
0x45: {  	s16 =	sshll.u32 s16, $0x12;
	s15 =	sshll.u32 s15, $0x4  }
0x46: {  	s15 =	sand.u32 $0x7FF0, s15;
	s16 =	sadd.s32 s4, s16  }
0x47: {  	s15 =	sadd.s32 s15, s16  }
0x48: {  	[hbm4b:s15+s9] =	stream.strided.scatter [tilespmem:s18], [sflag:$0x2], $0x4000, s10, s9, $0x38;
	[tilespmem:$0x10000] =	vst v63  }
.LBB1_8:
0x49: {  	_ =	sfence.sel $0x180000  }
0x4a: {  	s2 =	simm.s32 $0x1;
	[bflag:$0x0] =	sbarrier.arrive $0xFFFF  }
0x4b: {  	s31 =	simm.s32 $0x2;
	[sflag:s2] =	ssyncpa.u1 $0x1  }
0x4c: {  	[sflag:s31] =	ssyncpa.u1 $0x1  }
0x4d: {  	p0 =	sne.s32 s0, $0x0;
	_ =	strace $0x90000047  }
0x4e: {  	s0 =	sadd.s32 @!p0 $0x100000, s1;
	[bflag:$0x2] =	sbarrier.arrive $0xFFFF  }
0x4f: {  	[sflag:s0] =	ssyncadd.tile.s32 @!p0 $0x1;
	_ =	shalt  }
.Lfunc_end1:
_tile_overlayer_lowered:
.L_overlay_start_2:
0x50: {  	(tag) =	ssettag $0x2  }
0x51: {  	s0 =	rddreg [dreg:$0x0];
	s2 =	stileid.u32  }
0x52: {  	s1 =	rddreg [dreg:$0x1];
	p0 =	sne.s32 s2, $0x0  }
0x53: {  	s3 =	rddreg [dreg:$0x2];
	[bflag:$0x3] =	sbarrier.arrive $0xFFFF;
	s2 =	simm.s32 @!p0 $0x1C01  }
0x54: {  	[timem:s3], [sflag:s2] =	dma.local @!p0 [hbm:s0], s1  }
0x55: {  	s0 =	simm.s32 @!p0 $0x1  }
0x56: {  	_ =	swait.ge @!p0 [sflag:s0], s1  }
0x57: {  	s1 =	ssub.s32 @!p0 $0x0, s1;
	[sflag:s0] =	ssyncset.done @!p0 $0x0  }
0x58: {  	[sflag:s0] =	ssyncadd.s32 @!p0 s1  }
0x59: {  	[bflag:$0x3] =	sbarrier.arrive $0xFFFF  }
0x5a: {  	_ =	shalt  }

</sc_bundles>
